<compile_context>
chip_gen: v7x
topology: tpu7x:2x2x1
jax: 0.10.2.dev20260603
libtpu: 0.0.44.dev20260713+nightly
codegen_flags: <defaults>
</compile_context>

<pallas_src>
import functools

import jax
import jax.numpy as jnp
from jax import lax
from jax.experimental import pallas as pl
from jax.experimental.pallas import tpu as pltpu
from jax.experimental.pallas import tpu_sc as plsc

N = 10000
E = 320000
D_IN = 128
H = 64
G = 128

NC = 2
NS = 16
C = 80
CHUNKS = E // C
CPT = CHUNKS // (NC * NS)
RPW = N // NS

BR = 2000
NB = N // BR



def _sc_degree(dst2d):
    mesh = plsc.VectorSubcoreMesh(core_axis_name="c", subcore_axis_name="s")

    @functools.partial(
        pl.kernel,
        out_type=jax.ShapeDtypeStruct((NC, NS, RPW, 16), jnp.float32),
        mesh=mesh,
        scratch_types=[
            pltpu.VMEM((CPT, C), jnp.int32),
            pltpu.VMEM((C, 16), jnp.float32),
            pltpu.VMEM((RPW, 16), jnp.float32),
            pltpu.VMEM_SHARED((N, 16), jnp.float32),
            pltpu.SemaphoreType.DMA,
        ],
        compiler_params=pltpu.CompilerParams(use_tc_tiling_on_sc=False),
    )
    def body(dst_hbm, out_hbm, dstv, ones, wb, acc, sem):
        c = lax.axis_index("c")
        s = lax.axis_index("s")
        t = c * NS + s

        def fill(i, _):
            wb[i, :] = jnp.zeros((16,), jnp.float32)
            return 0
        lax.fori_loop(0, RPW, fill, 0)

        def fill1(i, _):
            ones[i, :] = jnp.ones((16,), jnp.float32)
            return 0
        lax.fori_loop(0, C, fill1, 0)

        pltpu.sync_copy(wb, acc.at[pl.ds(s * RPW, RPW)])
        plsc.subcore_barrier()

        pltpu.sync_copy(dst_hbm.at[t], dstv)

        def fire(j, _):
            pltpu.async_copy(ones, acc.at[dstv.at[j]], sem, add=True)
            return 0
        lax.fori_loop(0, CPT, fire, 0)

        def drain(j, _):
            pltpu.make_async_copy(ones, acc.at[dstv.at[j]], sem).wait()
            return 0
        lax.fori_loop(0, CPT, drain, 0)

        plsc.subcore_barrier()
        pltpu.sync_copy(acc.at[pl.ds(s * RPW, RPW)], wb)
        pltpu.sync_copy(wb, out_hbm.at[c, s])

    return body(dst2d)



def _sc_scatter(p, src2d, dst2d):
    mesh = plsc.VectorSubcoreMesh(core_axis_name="c", subcore_axis_name="s")

    @functools.partial(
        pl.kernel,
        out_type=jax.ShapeDtypeStruct((NC, NS, RPW, H), jnp.float32),
        mesh=mesh,
        scratch_types=[
            pltpu.VMEM((CPT, C), jnp.int32),
            pltpu.VMEM((CPT, C), jnp.int32),
            [pltpu.VMEM((C, H), jnp.float32) for _ in range(4)],
            pltpu.VMEM((RPW, H), jnp.float32),
            pltpu.VMEM_SHARED((N, H), jnp.float32),
            [pltpu.SemaphoreType.DMA for _ in range(4)],
        ],
        compiler_params=pltpu.CompilerParams(use_tc_tiling_on_sc=False),
    )
    def body(p_hbm, src_hbm, dst_hbm, out_hbm,
             srcv, dstv, bufs, wb, acc, sems):
        c = lax.axis_index("c")
        s = lax.axis_index("s")
        t = c * NS + s

        def fill(i, _):
            for j in range(H // 16):
                wb[i, pl.ds(j * 16, 16)] = jnp.zeros((16,), jnp.float32)
            return 0
        lax.fori_loop(0, RPW, fill, 0)
        pltpu.sync_copy(wb, acc.at[pl.ds(s * RPW, RPW)])
        plsc.subcore_barrier()

        pltpu.sync_copy(src_hbm.at[t], srcv)
        pltpu.sync_copy(dst_hbm.at[t], dstv)

        for b in range(4):
            pltpu.async_copy(p_hbm.at[srcv.at[b]], bufs[b], sems[b])

        def step(g, _):
            for b in range(4):
                jj = 4 * g + b
                pltpu.make_async_copy(p_hbm.at[srcv.at[jj]], bufs[b],
                                      sems[b]).wait()
                pltpu.sync_copy(bufs[b], acc.at[dstv.at[jj]], add=True)

                @pl.when(jj + 4 < CPT)
                def _():
                    pltpu.async_copy(p_hbm.at[srcv.at[jj + 4]], bufs[b],
                                     sems[b])
            return 0

        lax.fori_loop(0, CPT // 4, step, 0)
        pltpu.make_async_copy(p_hbm.at[srcv.at[CPT - 1]], bufs[0],
                              sems[0]).wait()
        pltpu.sync_copy(bufs[0], acc.at[dstv.at[CPT - 1]], add=True)

        plsc.subcore_barrier()
        pltpu.sync_copy(acc.at[pl.ds(s * RPW, RPW)], wb)
        pltpu.sync_copy(wb, out_hbm.at[c, s])

    return body(p, src2d, dst2d)



def _dot_t(a, w):
    return lax.dot_general(a, w, (((1,), (1,)), ((), ())),
                           preferred_element_type=jnp.float32)


def _tc_first(x, W0, dacc):
    def body(x_ref, w_ref, d_ref, p_ref, dis_ref):
        deg = d_ref[0] + d_ref[1] + 1.0
        dis = lax.rsqrt(deg)
        dis_ref[...] = dis
        p_ref[...] = _dot_t(x_ref[...], w_ref[...]) * dis[:, 0:1]

    return pl.pallas_call(
        body,
        grid=(NB,),
        in_specs=[
            pl.BlockSpec((BR, D_IN), lambda i: (i, 0)),
            pl.BlockSpec((H, D_IN), lambda i: (0, 0)),
            pl.BlockSpec((NC, BR, 16), lambda i: (0, i, 0)),
        ],
        out_specs=[
            pl.BlockSpec((BR, H), lambda i: (i, 0)),
            pl.BlockSpec((BR, 16), lambda i: (i, 0)),
        ],
        out_shape=[
            jax.ShapeDtypeStruct((N, H), jnp.float32),
            jax.ShapeDtypeStruct((N, 16), jnp.float32),
        ],
    )(x, W0, dacc)


def _tc_layer(sacc, p, b, g, t, res, Wn, dis16):
    has_res = res is not None

    def body(*refs):
        if has_res:
            (s_ref, p_ref, b_ref, g_ref, t_ref, r_ref, w_ref, dis_ref,
             h_ref, pn_ref, c_v, st_v) = refs
        else:
            (s_ref, p_ref, b_ref, g_ref, t_ref, w_ref, dis_ref,
             h_ref, pn_ref, c_v, st_v) = refs
        ph = pl.program_id(0)
        i = pl.program_id(1)

        @pl.when(ph == 0)
        def _():
            cblk = (dis_ref[:, 0:1] * (s_ref[0] + s_ref[1] + p_ref[...])
                    + b_ref[...])
            c_v[i] = cblk
            s1 = jnp.sum(cblk, axis=0, keepdims=True)
            s2 = jnp.sum(cblk * cblk, axis=0, keepdims=True)
            blk = jnp.concatenate([s1, s2], axis=0)

            @pl.when(i == 0)
            def _():
                st_v[...] = blk

            @pl.when(i > 0)
            def _():
                st_v[...] += blk

        @pl.when(ph == 1)
        def _():
            mu = st_v[0:1] / N
            var = st_v[1:2] / N - mu * mu
            scale = lax.rsqrt(var + 1e-5) * g_ref[...]
            h = jnp.maximum((c_v[i] - mu) * scale + t_ref[...], 0.0)
            if has_res:
                h = h + r_ref[...]
            h_ref[...] = h
            pn_ref[...] = _dot_t(h, w_ref[...]) * dis_ref[:, 0:1]

    ph0 = lambda ph, i: (0, i * (1 - ph) + (NB - 1) * ph, 0)
    ph0_2d = lambda ph, i: (i * (1 - ph) + (NB - 1) * ph, 0)
    ph1_2d = lambda ph, i: (i * ph, 0)
    in_arrays = [sacc, p, b, g, t] + ([res] if has_res else []) + [Wn, dis16]
    in_specs = [
        pl.BlockSpec((NC, BR, H), ph0),
        pl.BlockSpec((BR, H), ph0_2d),
        pl.BlockSpec((1, H), lambda ph, i: (0, 0)),
        pl.BlockSpec((1, H), lambda ph, i: (0, 0)),
        pl.BlockSpec((1, H), lambda ph, i: (0, 0)),
    ] + ([pl.BlockSpec((BR, H), ph1_2d)] if has_res else []) + [
        pl.BlockSpec((H, H), lambda ph, i: (0, 0)),
        pl.BlockSpec((BR, 16), lambda ph, i: (i, 0)),
    ]
    return pl.pallas_call(
        body,
        grid=(2, NB),
        in_specs=in_specs,
        out_specs=[
            pl.BlockSpec((BR, H), lambda ph, i: (i, 0)),
            pl.BlockSpec((BR, H), lambda ph, i: (i, 0)),
        ],
        out_shape=[
            jax.ShapeDtypeStruct((N, H), jnp.float32),
            jax.ShapeDtypeStruct((N, H), jnp.float32),
        ],
        scratch_shapes=[
            pltpu.VMEM((NB, BR, H), jnp.float32),
            pltpu.VMEM((2, H), jnp.float32),
        ],
    )(*in_arrays)


def _tc_final(sacc, p, b, g, t, res, batch2d, lw0, lb0, lw1, lb1, dis16):
    def body(s_ref, p_ref, bias_ref, g_ref, t_ref, r_ref, b_ref,
             w0_ref, b0_ref, w1_ref, b1_ref, dis_ref,
             o_ref, c_v, st_v, pool_acc, cnt_acc):
        ph = pl.program_id(0)
        i = pl.program_id(1)

        @pl.when(ph == 0)
        def _():
            cblk = (dis_ref[:, 0:1] * (s_ref[0] + s_ref[1] + p_ref[...])
                    + bias_ref[...])
            c_v[i] = cblk
            ssum = jnp.sum(cblk, axis=0, keepdims=True)
            ssq = jnp.sum(cblk * cblk, axis=0, keepdims=True)
            blk = jnp.concatenate([ssum, ssq], axis=0)

            @pl.when(i == 0)
            def _():
                st_v[...] = blk

            @pl.when(i > 0)
            def _():
                st_v[...] += blk

        @pl.when(ph == 1)
        def _():
            mu = st_v[0:1] / N
            var = st_v[1:2] / N - mu * mu
            scale = lax.rsqrt(var + 1e-5) * g_ref[...]
            h = (jnp.maximum((c_v[i] - mu) * scale + t_ref[...], 0.0)
                 + r_ref[...])

            iota = lax.broadcasted_iota(jnp.int32, (1, G), 1)
            mask = (b_ref[...] == iota).astype(jnp.float32)
            pool_blk = lax.dot_general(mask, h, (((0,), (0,)), ((), ())),
                                       preferred_element_type=jnp.float32)
            cnt_blk = lax.dot_general(mask, jnp.ones((BR, 8), jnp.float32),
                                      (((0,), (0,)), ((), ())),
                                      preferred_element_type=jnp.float32)

            @pl.when(i == 0)
            def _():
                pool_acc[...] = pool_blk
                cnt_acc[...] = cnt_blk

            @pl.when(i > 0)
            def _():
                pool_acc[...] += pool_blk
                cnt_acc[...] += cnt_blk

            @pl.when(i == NB - 1)
            def _():
                cnt = jnp.maximum(cnt_acc[:, 0:1], 1.0)
                hp = pool_acc[...] / cnt
                z = jnp.maximum(_dot_t(hp, w0_ref[...]) + b0_ref[...], 0.0)
                o_ref[...] = _dot_t(z, w1_ref[...]) + b1_ref[...]

    return pl.pallas_call(
        body,
        grid=(2, NB),
        in_specs=[
            pl.BlockSpec((NC, BR, H),
                         lambda ph, i: (0, i * (1 - ph) + (NB - 1) * ph, 0)),
            pl.BlockSpec((BR, H),
                         lambda ph, i: (i * (1 - ph) + (NB - 1) * ph, 0)),
            pl.BlockSpec((1, H), lambda ph, i: (0, 0)),
            pl.BlockSpec((1, H), lambda ph, i: (0, 0)),
            pl.BlockSpec((1, H), lambda ph, i: (0, 0)),
            pl.BlockSpec((BR, H), lambda ph, i: (i * ph, 0)),
            pl.BlockSpec((BR, 1), lambda ph, i: (i * ph, 0)),
            pl.BlockSpec((H, H), lambda ph, i: (0, 0)),
            pl.BlockSpec((1, H), lambda ph, i: (0, 0)),
            pl.BlockSpec((G, H), lambda ph, i: (0, 0)),
            pl.BlockSpec((1, G), lambda ph, i: (0, 0)),
            pl.BlockSpec((BR, 16), lambda ph, i: (i, 0)),
        ],
        out_specs=pl.BlockSpec((G, G), lambda ph, i: (0, 0)),
        out_shape=jax.ShapeDtypeStruct((G, G), jnp.float32),
        scratch_shapes=[
            pltpu.VMEM((NB, BR, H), jnp.float32),
            pltpu.VMEM((2, H), jnp.float32),
            pltpu.VMEM((G, H), jnp.float32),
            pltpu.VMEM((G, 8), jnp.float32),
        ],
    )(sacc, p, b, g, t, res, batch2d, lw0, lb0, lw1, lb1, dis16)



def kernel(x, edge_index, batch, W0, b0, W1, b1, W2, b2,
           g0, t0, g1, t1, g2, t2, lw0, lb0, lw1, lb1):
    src2d = edge_index[0].astype(jnp.int32).reshape(NC * NS, CPT, C)
    dst2d = edge_index[1].astype(jnp.int32).reshape(NC * NS, CPT, C)
    batch2d = batch.astype(jnp.int32).reshape(N, 1)

    b0r = b0.reshape(1, H); b1r = b1.reshape(1, H); b2r = b2.reshape(1, H)
    g0r = g0.reshape(1, H); g1r = g1.reshape(1, H); g2r = g2.reshape(1, H)
    t0r = t0.reshape(1, H); t1r = t1.reshape(1, H); t2r = t2.reshape(1, H)
    lb0r = lb0.reshape(1, H)
    lw1p = jnp.zeros((G, H), jnp.float32).at[0].set(lw1[0])
    lb1r = jnp.broadcast_to(lb1.reshape(1, 1), (1, G))

    dacc = _sc_degree(dst2d).reshape(NC, N, 16)
    p1, dis16 = _tc_first(x, W0, dacc)

    s1 = _sc_scatter(p1, src2d, dst2d).reshape(NC, N, H)
    h1, p2 = _tc_layer(s1, p1, b0r, g0r, t0r, None, W1, dis16)

    s2 = _sc_scatter(p2, src2d, dst2d).reshape(NC, N, H)
    h2, p3 = _tc_layer(s2, p2, b1r, g1r, t1r, h1, W2, dis16)

    s3 = _sc_scatter(p3, src2d, dst2d).reshape(NC, N, H)
    out = _tc_final(s3, p3, b2r, g2r, t2r, h2, batch2d,
                    lw0, lb0r, lw1p, lb1r, dis16)

    return out[:, 0]

# --- scband reference (transcript-rebuilt; emitter-appended) ---
"""Pipeline reference for scband-py-gregression-22797686407170 (READ-ONLY COPY).

The authoritative reference and input builder live on the scoring server;
editing this copy changes nothing except your own understanding.
"""

import jax, jax.numpy as jnp
import numpy as np

N = 10000
E = 320000
D_IN = 128
H = 64
G = 128


def _lin_init(k, o, i):
    s = 1.0 / np.sqrt(i)
    return jax.random.uniform(k, (o, i), minval=-s, maxval=s, dtype=jnp.float32)


def setup_inputs(seed: int = 0) -> dict:
    key = jax.random.key(seed)
    ks = jax.random.split(key, 10)
    inp = {}
    inp['x'] = jax.random.normal(ks[0], (N, D_IN), dtype=jnp.float32)
    inp['edge_index'] = jax.random.randint(ks[1], (2, E), 0, N)
    inp['batch'] = jnp.sort(jax.random.randint(ks[2], (N,), 0, G))
    inp['W0'] = _lin_init(ks[3], H, D_IN); inp['b0'] = jnp.zeros((H,), jnp.float32)
    inp['W1'] = _lin_init(ks[4], H, H); inp['b1'] = jnp.zeros((H,), jnp.float32)
    inp['W2'] = _lin_init(ks[5], H, H); inp['b2'] = jnp.zeros((H,), jnp.float32)
    inp['g0'] = jnp.ones((H,), jnp.float32); inp['t0'] = jnp.zeros((H,), jnp.float32)
    inp['g1'] = jnp.ones((H,), jnp.float32); inp['t1'] = jnp.zeros((H,), jnp.float32)
    inp['g2'] = jnp.ones((H,), jnp.float32); inp['t2'] = jnp.zeros((H,), jnp.float32)
    inp['lw0'] = _lin_init(ks[6], H, H); inp['lb0'] = jnp.zeros((H,), jnp.float32)
    inp['lw1'] = _lin_init(ks[7], 1, H); inp['lb1'] = jnp.zeros((1,), jnp.float32)
    return inp


def reference(x, edge_index, batch, W0, b0, W1, b1, W2, b2, g0, t0, g1, t1, g2, t2, lw0, lb0, lw1, lb1):
    # GCNConv with added self-loops and symmetric normalization (PyG defaults)
    si = jnp.arange(N)
    src = jnp.concatenate([edge_index[0], si])
    dst = jnp.concatenate([edge_index[1], si])
    deg = jax.ops.segment_sum(jnp.ones(src.shape[0], jnp.float32), dst, num_segments=N)
    dis = jnp.where(deg > 0, jax.lax.rsqrt(deg), 0.0)
    norm = (dis[src] * dis[dst])[:, None]

    def conv(h, W, b):
        h = h @ W.T
        return jax.ops.segment_sum(h[src] * norm, dst, num_segments=N) + b

    def bn(h, g, t):
        mu = jnp.mean(h, axis=0)
        var = jnp.mean((h - mu) ** 2, axis=0)
        return (h - mu) * jax.lax.rsqrt(var + 1e-5) * g + t

    h = conv(x, W0, b0)
    h = jax.nn.relu(bn(h, g0, t0))  # no residual: shape changed 128 -> 64
    h_in = h
    h = conv(h, W1, b1)
    h = jax.nn.relu(bn(h, g1, t1)) + h_in
    h_in = h
    h = conv(h, W2, b2)
    h = jax.nn.relu(bn(h, g2, t2)) + h_in
    # global mean pool per graph
    sums = jax.ops.segment_sum(h, batch, num_segments=G)
    cnt = jax.ops.segment_sum(jnp.ones(N, jnp.float32), batch, num_segments=G)
    h = sums / jnp.clip(cnt, 1.0)[:, None]
    h = jax.nn.relu(h @ lw0.T + lb0)
    h = h @ lw1.T + lb1
    return h.squeeze()

if __name__ == "__main__":
    import jax
    _d = setup_inputs()
    print(jax.jit(kernel)(*tuple(_d.values())))

</pallas_src>

<mosaic_0001>
#map = affine_map<(d0, d1) -> (0, 0)>
#map1 = affine_map<(d0, d1) -> (0, 0, 0)>
#map2 = affine_map<(d0, d1) -> (0, 0, 0, 0)>
module attributes {stable_mosaic.version = 14 : i64} {
  func.func @body(%arg0: i32, %arg1: i32, %arg2: memref<10000x64xf32, #tpu.memory_space<hbm>>, %arg3: memref<32x125x80xi32, #tpu.memory_space<hbm>>, %arg4: memref<32x125x80xi32, #tpu.memory_space<hbm>>, %arg5: memref<2x16x625x64xf32, #tpu.memory_space<hbm>>, %arg6: memref<125x80xi32, #tpu.memory_space<vmem>>, %arg7: memref<125x80xi32, #tpu.memory_space<vmem>>, %arg8: memref<80x64xf32, #tpu.memory_space<vmem>>, %arg9: memref<80x64xf32, #tpu.memory_space<vmem>>, %arg10: memref<80x64xf32, #tpu.memory_space<vmem>>, %arg11: memref<80x64xf32, #tpu.memory_space<vmem>>, %arg12: memref<625x64xf32, #tpu.memory_space<vmem>>, %arg13: memref<10000x64xf32, #tpu.memory_space<vmem_shared>>, %arg14: memref<!tpu.dma_semaphore, #tpu.memory_space<semaphore_mem>>, %arg15: memref<!tpu.dma_semaphore, #tpu.memory_space<semaphore_mem>>, %arg16: memref<!tpu.dma_semaphore, #tpu.memory_space<semaphore_mem>>, %arg17: memref<!tpu.dma_semaphore, #tpu.memory_space<semaphore_mem>>) attributes {dimension_semantics = [#tpu.dimension_semantics<core_parallel>, #tpu.dimension_semantics<subcore_parallel>], iteration_bounds = array<i64: 2, 16>, scalar_prefetch = 0 : i64, scratch_operands = 12 : i64, tpu.core_type = #tpu.core_type<sc_vector_subcore>, window_params = [{transform_indices = #map}, {transform_indices = #map1}, {transform_indices = #map1}, {transform_indices = #map2}]} {
    %mul3A = arith.constant 16 : i32
    %mul3A_0 = arith.muli %arg0, %mul3A : i32
    %add3A = arith.addi %mul3A_0, %arg1 : i32
    %scan3A = arith.constant 0 : i32
    %scan3A_1 = arith.constant 0 : i32
    %scan3A_2 = arith.constant 625 : i32
    %scan3A_3 = arith.addi %scan3A_1, %scan3A_2 : i32
    %scan3A_4 = arith.constant 1 : i32
    %scan3A_5 = scf.for %scan3A_52 = %scan3A_1 to %scan3A_3 step %scan3A_4 iter_args(%scan3A_53 = %scan3A) -> (i32)  : i32 {
      %broadcast_in_dim3A = arith.constant 0.000000e+00 : f32
      %broadcast_in_dim3A_54 = vector.broadcast %broadcast_in_dim3A : f32 to vector<16xf32>
      %swap3A = arith.index_cast %scan3A_52 : i32 to index
      %swap3A_55 = arith.constant 0 : index
      %swap3A_56 = tpu.vector_load %arg12[%swap3A, %swap3A_55] {strides = array<i32>} : memref<625x64xf32, #tpu.memory_space<vmem>>, vector<1x16xf32>,
      %swap3A_57 = vector.shape_cast %swap3A_56 : vector<1x16xf32> to vector<16xf32>
      %swap3A_58 = vector.shape_cast %broadcast_in_dim3A_54 : vector<16xf32> to vector<1x16xf32>
      tpu.vector_store %arg12[%swap3A, %swap3A_55], %swap3A_58 {strides = array<i32>} : memref<625x64xf32, #tpu.memory_space<vmem>>, vector<1x16xf32>,
      %broadcast_in_dim3A_59 = arith.constant 0.000000e+00 : f32
      %broadcast_in_dim3A_60 = vector.broadcast %broadcast_in_dim3A_59 : f32 to vector<16xf32>
      %swap3A_61 = arith.index_cast %scan3A_52 : i32 to index
      %swap3A_62 = arith.constant 16 : index
      %swap3A_63 = tpu.vector_load %arg12[%swap3A_61, %swap3A_62] {strides = array<i32>} : memref<625x64xf32, #tpu.memory_space<vmem>>, vector<1x16xf32>,
      %swap3A_64 = vector.shape_cast %swap3A_63 : vector<1x16xf32> to vector<16xf32>
      %swap3A_65 = vector.shape_cast %broadcast_in_dim3A_60 : vector<16xf32> to vector<1x16xf32>
      tpu.vector_store %arg12[%swap3A_61, %swap3A_62], %swap3A_65 {strides = array<i32>} : memref<625x64xf32, #tpu.memory_space<vmem>>, vector<1x16xf32>,
      %broadcast_in_dim3A_66 = arith.constant 0.000000e+00 : f32
      %broadcast_in_dim3A_67 = vector.broadcast %broadcast_in_dim3A_66 : f32 to vector<16xf32>
      %swap3A_68 = arith.index_cast %scan3A_52 : i32 to index
      %swap3A_69 = arith.constant 32 : index
      %swap3A_70 = tpu.vector_load %arg12[%swap3A_68, %swap3A_69] {strides = array<i32>} : memref<625x64xf32, #tpu.memory_space<vmem>>, vector<1x16xf32>,
      %swap3A_71 = vector.shape_cast %swap3A_70 : vector<1x16xf32> to vector<16xf32>
      %swap3A_72 = vector.shape_cast %broadcast_in_dim3A_67 : vector<16xf32> to vector<1x16xf32>
      tpu.vector_store %arg12[%swap3A_68, %swap3A_69], %swap3A_72 {strides = array<i32>} : memref<625x64xf32, #tpu.memory_space<vmem>>, vector<1x16xf32>,
      %broadcast_in_dim3A_73 = arith.constant 0.000000e+00 : f32
      %broadcast_in_dim3A_74 = vector.broadcast %broadcast_in_dim3A_73 : f32 to vector<16xf32>
      %swap3A_75 = arith.index_cast %scan3A_52 : i32 to index
      %swap3A_76 = arith.constant 48 : index
      %swap3A_77 = tpu.vector_load %arg12[%swap3A_75, %swap3A_76] {strides = array<i32>} : memref<625x64xf32, #tpu.memory_space<vmem>>, vector<1x16xf32>,
      %swap3A_78 = vector.shape_cast %swap3A_77 : vector<1x16xf32> to vector<16xf32>
      %swap3A_79 = vector.shape_cast %broadcast_in_dim3A_74 : vector<16xf32> to vector<1x16xf32>
      tpu.vector_store %arg12[%swap3A_75, %swap3A_76], %swap3A_79 {strides = array<i32>} : memref<625x64xf32, #tpu.memory_space<vmem>>, vector<1x16xf32>,
      %scan3A_80 = arith.constant 0 : i32
      scf.yield %scan3A_80 : i32
    }
    %scan3A_6 = arith.constant 625 : i32
    %mul3A_7 = arith.constant 625 : i32
    %mul3A_8 = arith.muli %arg1, %mul3A_7 : i32
    "tpu.region"() ({
      %run_scoped3A_52 = tpu.sem_alloc : memref<!tpu.dma_semaphore, #tpu.memory_space<semaphore_mem>>
      %dma_start3A_53 = arith.constant 0 : i32
      %dma_start3A_54 = tpu.memref_slice %arg13[%mul3A_8, %dma_start3A_53] : memref<10000x64xf32, #tpu.memory_space<vmem_shared>> -> memref<625x64xf32, #tpu.memory_space<vmem_shared>>
      %dma_start3A_55 = arith.constant 0 : i32
      %dma_start3A_56 = tpu.memref_slice %arg13[%mul3A_8, %dma_start3A_55] : memref<10000x64xf32, #tpu.memory_space<vmem_shared>> -> memref<625x64xf32, #tpu.memory_space<vmem_shared>>
      tpu.enqueue_dma source(%arg12 : memref<625x64xf32, #tpu.memory_space<vmem>>) target(%dma_start3A_56 : memref<625x64xf32, #tpu.memory_space<vmem_shared>>) target_semaphore(%run_scoped3A_52 : memref<!tpu.dma_semaphore, #tpu.memory_space<semaphore_mem>>)
      %dma_wait3A_57 = arith.constant 0 : i32
      %dma_wait3A_58 = tpu.memref_slice %arg13[%mul3A_8, %dma_wait3A_57] : memref<10000x64xf32, #tpu.memory_space<vmem_shared>> -> memref<625x64xf32, #tpu.memory_space<vmem_shared>>
      %dma_wait3A_59 = arith.constant 0 : i32
      %dma_wait3A_60 = tpu.memref_slice %arg13[%mul3A_8, %dma_wait3A_59] : memref<10000x64xf32, #tpu.memory_space<vmem_shared>> -> memref<625x64xf32, #tpu.memory_space<vmem_shared>>
      tpu.wait_dma2 semaphore(%run_scoped3A_52 : memref<!tpu.dma_semaphore, #tpu.memory_space<semaphore_mem>>) src(%arg12 : memref<625x64xf32, #tpu.memory_space<vmem>>) dst(%dma_wait3A_60 : memref<625x64xf32, #tpu.memory_space<vmem_shared>>)
      tpu.yield
    }) : () -> ()
    %barrier3A = arith.constant 0 : index
    tpu.barrier barrier_id(%barrier3A)
    "tpu.region"() ({
      %run_scoped3A_52 = tpu.sem_alloc : memref<!tpu.dma_semaphore, #tpu.memory_space<semaphore_mem>>
      %dma_start3A_53 = arith.constant 0 : i32
      %dma_start3A_54 = arith.constant 0 : i32
      %dma_start3A_55 = tpu.memref_slice %arg3[%add3A, %dma_start3A_53, %dma_start3A_54] : memref<32x125x80xi32, #tpu.memory_space<hbm>> -> memref<1x125x80xi32, #tpu.memory_space<hbm>>
      %dma_start3A_56 = tpu.memref_squeeze %dma_start3A_55 : memref<1x125x80xi32, #tpu.memory_space<hbm>> -> memref<125x80xi32, #tpu.memory_space<hbm>>
      %dma_start3A_57 = arith.constant 0 : i32
      %dma_start3A_58 = arith.constant 0 : i32
      %dma_start3A_59 = tpu.memref_slice %arg3[%add3A, %dma_start3A_57, %dma_start3A_58] : memref<32x125x80xi32, #tpu.memory_space<hbm>> -> memref<1x125x80xi32, #tpu.memory_space<hbm>>
      %dma_start3A_60 = tpu.memref_squeeze %dma_start3A_59 : memref<1x125x80xi32, #tpu.memory_space<hbm>> -> memref<125x80xi32, #tpu.memory_space<hbm>>
      tpu.enqueue_dma source(%dma_start3A_60 : memref<125x80xi32, #tpu.memory_space<hbm>>) target(%arg6 : memref<125x80xi32, #tpu.memory_space<vmem>>) target_semaphore(%run_scoped3A_52 : memref<!tpu.dma_semaphore, #tpu.memory_space<semaphore_mem>>)
      %dma_wait3A_61 = arith.constant 0 : i32
      %dma_wait3A_62 = arith.constant 0 : i32
      %dma_wait3A_63 = tpu.memref_slice %arg3[%add3A, %dma_wait3A_61, %dma_wait3A_62] : memref<32x125x80xi32, #tpu.memory_space<hbm>> -> memref<1x125x80xi32, #tpu.memory_space<hbm>>
      %dma_wait3A_64 = tpu.memref_squeeze %dma_wait3A_63 : memref<1x125x80xi32, #tpu.memory_space<hbm>> -> memref<125x80xi32, #tpu.memory_space<hbm>>
      %dma_wait3A_65 = arith.constant 0 : i32
      %dma_wait3A_66 = arith.constant 0 : i32
      %dma_wait3A_67 = tpu.memref_slice %arg3[%add3A, %dma_wait3A_65, %dma_wait3A_66] : memref<32x125x80xi32, #tpu.memory_space<hbm>> -> memref<1x125x80xi32, #tpu.memory_space<hbm>>
      %dma_wait3A_68 = tpu.memref_squeeze %dma_wait3A_67 : memref<1x125x80xi32, #tpu.memory_space<hbm>> -> memref<125x80xi32, #tpu.memory_space<hbm>>
      tpu.wait_dma2 semaphore(%run_scoped3A_52 : memref<!tpu.dma_semaphore, #tpu.memory_space<semaphore_mem>>) src(%dma_wait3A_68 : memref<125x80xi32, #tpu.memory_space<hbm>>) dst(%arg6 : memref<125x80xi32, #tpu.memory_space<vmem>>)
      tpu.yield
    }) : () -> ()
    "tpu.region"() ({
      %run_scoped3A_52 = tpu.sem_alloc : memref<!tpu.dma_semaphore, #tpu.memory_space<semaphore_mem>>
      %dma_start3A_53 = arith.constant 0 : i32
      %dma_start3A_54 = arith.constant 0 : i32
      %dma_start3A_55 = tpu.memref_slice %arg4[%add3A, %dma_start3A_53, %dma_start3A_54] : memref<32x125x80xi32, #tpu.memory_space<hbm>> -> memref<1x125x80xi32, #tpu.memory_space<hbm>>
      %dma_start3A_56 = tpu.memref_squeeze %dma_start3A_55 : memref<1x125x80xi32, #tpu.memory_space<hbm>> -> memref<125x80xi32, #tpu.memory_space<hbm>>
      %dma_start3A_57 = arith.constant 0 : i32
      %dma_start3A_58 = arith.constant 0 : i32
      %dma_start3A_59 = tpu.memref_slice %arg4[%add3A, %dma_start3A_57, %dma_start3A_58] : memref<32x125x80xi32, #tpu.memory_space<hbm>> -> memref<1x125x80xi32, #tpu.memory_space<hbm>>
      %dma_start3A_60 = tpu.memref_squeeze %dma_start3A_59 : memref<1x125x80xi32, #tpu.memory_space<hbm>> -> memref<125x80xi32, #tpu.memory_space<hbm>>
      tpu.enqueue_dma source(%dma_start3A_60 : memref<125x80xi32, #tpu.memory_space<hbm>>) target(%arg7 : memref<125x80xi32, #tpu.memory_space<vmem>>) target_semaphore(%run_scoped3A_52 : memref<!tpu.dma_semaphore, #tpu.memory_space<semaphore_mem>>)
      %dma_wait3A_61 = arith.constant 0 : i32
      %dma_wait3A_62 = arith.constant 0 : i32
      %dma_wait3A_63 = tpu.memref_slice %arg4[%add3A, %dma_wait3A_61, %dma_wait3A_62] : memref<32x125x80xi32, #tpu.memory_space<hbm>> -> memref<1x125x80xi32, #tpu.memory_space<hbm>>
      %dma_wait3A_64 = tpu.memref_squeeze %dma_wait3A_63 : memref<1x125x80xi32, #tpu.memory_space<hbm>> -> memref<125x80xi32, #tpu.memory_space<hbm>>
      %dma_wait3A_65 = arith.constant 0 : i32
      %dma_wait3A_66 = arith.constant 0 : i32
      %dma_wait3A_67 = tpu.memref_slice %arg4[%add3A, %dma_wait3A_65, %dma_wait3A_66] : memref<32x125x80xi32, #tpu.memory_space<hbm>> -> memref<1x125x80xi32, #tpu.memory_space<hbm>>
      %dma_wait3A_68 = tpu.memref_squeeze %dma_wait3A_67 : memref<1x125x80xi32, #tpu.memory_space<hbm>> -> memref<125x80xi32, #tpu.memory_space<hbm>>
      tpu.wait_dma2 semaphore(%run_scoped3A_52 : memref<!tpu.dma_semaphore, #tpu.memory_space<semaphore_mem>>) src(%dma_wait3A_68 : memref<125x80xi32, #tpu.memory_space<hbm>>) dst(%arg7 : memref<125x80xi32, #tpu.memory_space<vmem>>)
      tpu.yield
    }) : () -> ()
    %dma_start3A = arith.constant 0 : i32
    %dma_start3A_9 = arith.constant 0 : i32
    %dma_start3A_10 = tpu.memref_slice %arg6[%dma_start3A, %dma_start3A_9] : memref<125x80xi32, #tpu.memory_space<vmem>> -> memref<1x80xi32, #tpu.memory_space<vmem>>
    %dma_start3A_11 = tpu.memref_squeeze %dma_start3A_10 : memref<1x80xi32, #tpu.memory_space<vmem>> -> memref<80xi32, #tpu.memory_space<vmem>>
    %dma_start3A_12 = arith.constant 0 : i32
    %dma_start3A_13 = arith.constant 0 : i32
    %dma_start3A_14 = tpu.memref_slice %arg2[%dma_start3A_12, %dma_start3A_13] : memref<10000x64xf32, #tpu.memory_space<hbm>> -> memref<10000x64xf32, #tpu.memory_space<hbm>>
    tpu.enqueue_indirect_dma source(%dma_start3A_14 : memref<10000x64xf32, #tpu.memory_space<hbm>>) target(%arg8 : memref<80x64xf32, #tpu.memory_space<vmem>>) offsets(%dma_start3A_11 : memref<80xi32, #tpu.memory_space<vmem>>) semaphore(%arg14 : memref<!tpu.dma_semaphore, #tpu.memory_space<semaphore_mem>>)
    %dma_start3A_15 = arith.constant 1 : i32
    %dma_start3A_16 = arith.constant 0 : i32
    %dma_start3A_17 = tpu.memref_slice %arg6[%dma_start3A_15, %dma_start3A_16] : memref<125x80xi32, #tpu.memory_space<vmem>> -> memref<1x80xi32, #tpu.memory_space<vmem>>
    %dma_start3A_18 = tpu.memref_squeeze %dma_start3A_17 : memref<1x80xi32, #tpu.memory_space<vmem>> -> memref<80xi32, #tpu.memory_space<vmem>>
    %dma_start3A_19 = arith.constant 0 : i32
    %dma_start3A_20 = arith.constant 0 : i32
    %dma_start3A_21 = tpu.memref_slice %arg2[%dma_start3A_19, %dma_start3A_20] : memref<10000x64xf32, #tpu.memory_space<hbm>> -> memref<10000x64xf32, #tpu.memory_space<hbm>>
    tpu.enqueue_indirect_dma source(%dma_start3A_21 : memref<10000x64xf32, #tpu.memory_space<hbm>>) target(%arg9 : memref<80x64xf32, #tpu.memory_space<vmem>>) offsets(%dma_start3A_18 : memref<80xi32, #tpu.memory_space<vmem>>) semaphore(%arg15 : memref<!tpu.dma_semaphore, #tpu.memory_space<semaphore_mem>>)
    %dma_start3A_22 = arith.constant 2 : i32
    %dma_start3A_23 = arith.constant 0 : i32
    %dma_start3A_24 = tpu.memref_slice %arg6[%dma_start3A_22, %dma_start3A_23] : memref<125x80xi32, #tpu.memory_space<vmem>> -> memref<1x80xi32, #tpu.memory_space<vmem>>
    %dma_start3A_25 = tpu.memref_squeeze %dma_start3A_24 : memref<1x80xi32, #tpu.memory_space<vmem>> -> memref<80xi32, #tpu.memory_space<vmem>>
    %dma_start3A_26 = arith.constant 0 : i32
    %dma_start3A_27 = arith.constant 0 : i32
    %dma_start3A_28 = tpu.memref_slice %arg2[%dma_start3A_26, %dma_start3A_27] : memref<10000x64xf32, #tpu.memory_space<hbm>> -> memref<10000x64xf32, #tpu.memory_space<hbm>>
    tpu.enqueue_indirect_dma source(%dma_start3A_28 : memref<10000x64xf32, #tpu.memory_space<hbm>>) target(%arg10 : memref<80x64xf32, #tpu.memory_space<vmem>>) offsets(%dma_start3A_25 : memref<80xi32, #tpu.memory_space<vmem>>) semaphore(%arg16 : memref<!tpu.dma_semaphore, #tpu.memory_space<semaphore_mem>>)
    %dma_start3A_29 = arith.constant 3 : i32
    %dma_start3A_30 = arith.constant 0 : i32
    %dma_start3A_31 = tpu.memref_slice %arg6[%dma_start3A_29, %dma_start3A_30] : memref<125x80xi32, #tpu.memory_space<vmem>> -> memref<1x80xi32, #tpu.memory_space<vmem>>
    %dma_start3A_32 = tpu.memref_squeeze %dma_start3A_31 : memref<1x80xi32, #tpu.memory_space<vmem>> -> memref<80xi32, #tpu.memory_space<vmem>>
    %dma_start3A_33 = arith.constant 0 : i32
    %dma_start3A_34 = arith.constant 0 : i32
    %dma_start3A_35 = tpu.memref_slice %arg2[%dma_start3A_33, %dma_start3A_34] : memref<10000x64xf32, #tpu.memory_space<hbm>> -> memref<10000x64xf32, #tpu.memory_space<hbm>>
    tpu.enqueue_indirect_dma source(%dma_start3A_35 : memref<10000x64xf32, #tpu.memory_space<hbm>>) target(%arg11 : memref<80x64xf32, #tpu.memory_space<vmem>>) offsets(%dma_start3A_32 : memref<80xi32, #tpu.memory_space<vmem>>) semaphore(%arg17 : memref<!tpu.dma_semaphore, #tpu.memory_space<semaphore_mem>>)
    %scan3A_36 = arith.constant 0 : i32
    %scan3A_37 = arith.constant 0 : i32
    %scan3A_38 = arith.constant 31 : i32
    %scan3A_39 = arith.addi %scan3A_37, %scan3A_38 : i32
    %scan3A_40 = arith.constant 1 : i32
    %scan3A_41 = scf.for %scan3A_52 = %scan3A_37 to %scan3A_39 step %scan3A_40 iter_args(%scan3A_53 = %scan3A_36) -> (i32)  : i32 {
      %mul3A_54 = arith.constant 4 : i32
      %mul3A_55 = arith.muli %mul3A_54, %scan3A_52 : i32
      %add3A_56 = arith.constant 0 : i32
      %add3A_57 = arith.addi %mul3A_55, %add3A_56 : i32
      %dma_wait3A_58 = arith.constant 0 : i32
      %dma_wait3A_59 = tpu.memref_slice %arg6[%add3A_57, %dma_wait3A_58] : memref<125x80xi32, #tpu.memory_space<vmem>> -> memref<1x80xi32, #tpu.memory_space<vmem>>
      %dma_wait3A_60 = tpu.memref_squeeze %dma_wait3A_59 : memref<1x80xi32, #tpu.memory_space<vmem>> -> memref<80xi32, #tpu.memory_space<vmem>>
      %dma_wait3A_61 = arith.constant 0 : i32
      %dma_wait3A_62 = arith.constant 0 : i32
      %dma_wait3A_63 = tpu.memref_slice %arg2[%dma_wait3A_61, %dma_wait3A_62] : memref<10000x64xf32, #tpu.memory_space<hbm>> -> memref<10000x64xf32, #tpu.memory_space<hbm>>
      tpu.wait_indirect_dma semaphore(%arg14 : memref<!tpu.dma_semaphore, #tpu.memory_space<semaphore_mem>>) src(%dma_wait3A_63 : memref<10000x64xf32, #tpu.memory_space<hbm>>) dst(%arg8 : memref<80x64xf32, #tpu.memory_space<vmem>>)
      "tpu.region"() ({
        %run_scoped3A_120 = tpu.sem_alloc : memref<!tpu.dma_semaphore, #tpu.memory_space<semaphore_mem>>
        %dma_start3A_121 = arith.constant 0 : i32
        %dma_start3A_122 = tpu.memref_slice %arg7[%add3A_57, %dma_start3A_121] : memref<125x80xi32, #tpu.memory_space<vmem>> -> memref<1x80xi32, #tpu.memory_space<vmem>>
        %dma_start3A_123 = tpu.memref_squeeze %dma_start3A_122 : memref<1x80xi32, #tpu.memory_space<vmem>> -> memref<80xi32, #tpu.memory_space<vmem>>
        %dma_start3A_124 = arith.constant 0 : i32
        %dma_start3A_125 = arith.constant 0 : i32
        %dma_start3A_126 = tpu.memref_slice %arg13[%dma_start3A_124, %dma_start3A_125] : memref<10000x64xf32, #tpu.memory_space<vmem_shared>> -> memref<10000x64xf32, #tpu.memory_space<vmem_shared>>
        tpu.enqueue_indirect_dma source(%arg8 : memref<80x64xf32, #tpu.memory_space<vmem>>) target(%dma_start3A_126 : memref<10000x64xf32, #tpu.memory_space<vmem_shared>>) offsets(%dma_start3A_123 : memref<80xi32, #tpu.memory_space<vmem>>) semaphore(%run_scoped3A_120 : memref<!tpu.dma_semaphore, #tpu.memory_space<semaphore_mem>>) {add = true}
        %dma_wait3A_127 = arith.constant 0 : i32
        %dma_wait3A_128 = tpu.memref_slice %arg7[%add3A_57, %dma_wait3A_127] : memref<125x80xi32, #tpu.memory_space<vmem>> -> memref<1x80xi32, #tpu.memory_space<vmem>>
        %dma_wait3A_129 = tpu.memref_squeeze %dma_wait3A_128 : memref<1x80xi32, #tpu.memory_space<vmem>> -> memref<80xi32, #tpu.memory_space<vmem>>
        %dma_wait3A_130 = arith.constant 0 : i32
        %dma_wait3A_131 = arith.constant 0 : i32
        %dma_wait3A_132 = tpu.memref_slice %arg13[%dma_wait3A_130, %dma_wait3A_131] : memref<10000x64xf32, #tpu.memory_space<vmem_shared>> -> memref<10000x64xf32, #tpu.memory_space<vmem_shared>>
        tpu.wait_indirect_dma semaphore(%run_scoped3A_120 : memref<!tpu.dma_semaphore, #tpu.memory_space<semaphore_mem>>) src(%arg8 : memref<80x64xf32, #tpu.memory_space<vmem>>) dst(%dma_wait3A_132 : memref<10000x64xf32, #tpu.memory_space<vmem_shared>>)
        tpu.yield
      }) : () -> ()
      %add3A_64 = arith.constant 4 : i32
      %add3A_65 = arith.addi %add3A_57, %add3A_64 : i32
      %lt3A = arith.constant 125 : i32
      %lt3A_66 = arith.cmpi slt, %add3A_65, %lt3A : i32
      %convert_element_type3A = arith.extui %lt3A_66 : i1 to i32
      %cond3A = arith.constant 0 : i32
      %cond3A_67 = arith.cmpi ne, %convert_element_type3A, %cond3A : i32
      scf.if %cond3A_67 {
        %add3A_120 = arith.constant 4 : i32
        %add3A_121 = arith.addi %add3A_57, %add3A_120 : i32
        %dma_start3A_122 = arith.constant 0 : i32
        %dma_start3A_123 = tpu.memref_slice %arg6[%add3A_121, %dma_start3A_122] : memref<125x80xi32, #tpu.memory_space<vmem>> -> memref<1x80xi32, #tpu.memory_space<vmem>>
        %dma_start3A_124 = tpu.memref_squeeze %dma_start3A_123 : memref<1x80xi32, #tpu.memory_space<vmem>> -> memref<80xi32, #tpu.memory_space<vmem>>
        %dma_start3A_125 = arith.constant 0 : i32
        %dma_start3A_126 = arith.constant 0 : i32
        %dma_start3A_127 = tpu.memref_slice %arg2[%dma_start3A_125, %dma_start3A_126] : memref<10000x64xf32, #tpu.memory_space<hbm>> -> memref<10000x64xf32, #tpu.memory_space<hbm>>
        tpu.enqueue_indirect_dma source(%dma_start3A_127 : memref<10000x64xf32, #tpu.memory_space<hbm>>) target(%arg8 : memref<80x64xf32, #tpu.memory_space<vmem>>) offsets(%dma_start3A_124 : memref<80xi32, #tpu.memory_space<vmem>>) semaphore(%arg14 : memref<!tpu.dma_semaphore, #tpu.memory_space<semaphore_mem>>)
      } else {
      }
      %mul3A_68 = arith.constant 4 : i32
      %mul3A_69 = arith.muli %mul3A_68, %scan3A_52 : i32
      %add3A_70 = arith.constant 1 : i32
      %add3A_71 = arith.addi %mul3A_69, %add3A_70 : i32
      %dma_wait3A_72 = arith.constant 0 : i32
      %dma_wait3A_73 = tpu.memref_slice %arg6[%add3A_71, %dma_wait3A_72] : memref<125x80xi32, #tpu.memory_space<vmem>> -> memref<1x80xi32, #tpu.memory_space<vmem>>
      %dma_wait3A_74 = tpu.memref_squeeze %dma_wait3A_73 : memref<1x80xi32, #tpu.memory_space<vmem>> -> memref<80xi32, #tpu.memory_space<vmem>>
      %dma_wait3A_75 = arith.constant 0 : i32
      %dma_wait3A_76 = arith.constant 0 : i32
      %dma_wait3A_77 = tpu.memref_slice %arg2[%dma_wait3A_75, %dma_wait3A_76] : memref<10000x64xf32, #tpu.memory_space<hbm>> -> memref<10000x64xf32, #tpu.memory_space<hbm>>
      tpu.wait_indirect_dma semaphore(%arg15 : memref<!tpu.dma_semaphore, #tpu.memory_space<semaphore_mem>>) src(%dma_wait3A_77 : memref<10000x64xf32, #tpu.memory_space<hbm>>) dst(%arg9 : memref<80x64xf32, #tpu.memory_space<vmem>>)
      "tpu.region"() ({
        %run_scoped3A_120 = tpu.sem_alloc : memref<!tpu.dma_semaphore, #tpu.memory_space<semaphore_mem>>
        %dma_start3A_121 = arith.constant 0 : i32
        %dma_start3A_122 = tpu.memref_slice %arg7[%add3A_71, %dma_start3A_121] : memref<125x80xi32, #tpu.memory_space<vmem>> -> memref<1x80xi32, #tpu.memory_space<vmem>>
        %dma_start3A_123 = tpu.memref_squeeze %dma_start3A_122 : memref<1x80xi32, #tpu.memory_space<vmem>> -> memref<80xi32, #tpu.memory_space<vmem>>
        %dma_start3A_124 = arith.constant 0 : i32
        %dma_start3A_125 = arith.constant 0 : i32
        %dma_start3A_126 = tpu.memref_slice %arg13[%dma_start3A_124, %dma_start3A_125] : memref<10000x64xf32, #tpu.memory_space<vmem_shared>> -> memref<10000x64xf32, #tpu.memory_space<vmem_shared>>
        tpu.enqueue_indirect_dma source(%arg9 : memref<80x64xf32, #tpu.memory_space<vmem>>) target(%dma_start3A_126 : memref<10000x64xf32, #tpu.memory_space<vmem_shared>>) offsets(%dma_start3A_123 : memref<80xi32, #tpu.memory_space<vmem>>) semaphore(%run_scoped3A_120 : memref<!tpu.dma_semaphore, #tpu.memory_space<semaphore_mem>>) {add = true}
        %dma_wait3A_127 = arith.constant 0 : i32
        %dma_wait3A_128 = tpu.memref_slice %arg7[%add3A_71, %dma_wait3A_127] : memref<125x80xi32, #tpu.memory_space<vmem>> -> memref<1x80xi32, #tpu.memory_space<vmem>>
        %dma_wait3A_129 = tpu.memref_squeeze %dma_wait3A_128 : memref<1x80xi32, #tpu.memory_space<vmem>> -> memref<80xi32, #tpu.memory_space<vmem>>
        %dma_wait3A_130 = arith.constant 0 : i32
        %dma_wait3A_131 = arith.constant 0 : i32
        %dma_wait3A_132 = tpu.memref_slice %arg13[%dma_wait3A_130, %dma_wait3A_131] : memref<10000x64xf32, #tpu.memory_space<vmem_shared>> -> memref<10000x64xf32, #tpu.memory_space<vmem_shared>>
        tpu.wait_indirect_dma semaphore(%run_scoped3A_120 : memref<!tpu.dma_semaphore, #tpu.memory_space<semaphore_mem>>) src(%arg9 : memref<80x64xf32, #tpu.memory_space<vmem>>) dst(%dma_wait3A_132 : memref<10000x64xf32, #tpu.memory_space<vmem_shared>>)
        tpu.yield
      }) : () -> ()
      %add3A_78 = arith.constant 4 : i32
      %add3A_79 = arith.addi %add3A_71, %add3A_78 : i32
      %lt3A_80 = arith.constant 125 : i32
      %lt3A_81 = arith.cmpi slt, %add3A_79, %lt3A_80 : i32
      %convert_element_type3A_82 = arith.extui %lt3A_81 : i1 to i32
      %cond3A_83 = arith.constant 0 : i32
      %cond3A_84 = arith.cmpi ne, %convert_element_type3A_82, %cond3A_83 : i32
      scf.if %cond3A_84 {
        %add3A_120 = arith.constant 4 : i32
        %add3A_121 = arith.addi %add3A_71, %add3A_120 : i32
        %dma_start3A_122 = arith.constant 0 : i32
        %dma_start3A_123 = tpu.memref_slice %arg6[%add3A_121, %dma_start3A_122] : memref<125x80xi32, #tpu.memory_space<vmem>> -> memref<1x80xi32, #tpu.memory_space<vmem>>
        %dma_start3A_124 = tpu.memref_squeeze %dma_start3A_123 : memref<1x80xi32, #tpu.memory_space<vmem>> -> memref<80xi32, #tpu.memory_space<vmem>>
        %dma_start3A_125 = arith.constant 0 : i32
        %dma_start3A_126 = arith.constant 0 : i32
        %dma_start3A_127 = tpu.memref_slice %arg2[%dma_start3A_125, %dma_start3A_126] : memref<10000x64xf32, #tpu.memory_space<hbm>> -> memref<10000x64xf32, #tpu.memory_space<hbm>>
        tpu.enqueue_indirect_dma source(%dma_start3A_127 : memref<10000x64xf32, #tpu.memory_space<hbm>>) target(%arg9 : memref<80x64xf32, #tpu.memory_space<vmem>>) offsets(%dma_start3A_124 : memref<80xi32, #tpu.memory_space<vmem>>) semaphore(%arg15 : memref<!tpu.dma_semaphore, #tpu.memory_space<semaphore_mem>>)
      } else {
      }
      %mul3A_85 = arith.constant 4 : i32
      %mul3A_86 = arith.muli %mul3A_85, %scan3A_52 : i32
      %add3A_87 = arith.constant 2 : i32
      %add3A_88 = arith.addi %mul3A_86, %add3A_87 : i32
      %dma_wait3A_89 = arith.constant 0 : i32
      %dma_wait3A_90 = tpu.memref_slice %arg6[%add3A_88, %dma_wait3A_89] : memref<125x80xi32, #tpu.memory_space<vmem>> -> memref<1x80xi32, #tpu.memory_space<vmem>>
      %dma_wait3A_91 = tpu.memref_squeeze %dma_wait3A_90 : memref<1x80xi32, #tpu.memory_space<vmem>> -> memref<80xi32, #tpu.memory_space<vmem>>
      %dma_wait3A_92 = arith.constant 0 : i32
      %dma_wait3A_93 = arith.constant 0 : i32
      %dma_wait3A_94 = tpu.memref_slice %arg2[%dma_wait3A_92, %dma_wait3A_93] : memref<10000x64xf32, #tpu.memory_space<hbm>> -> memref<10000x64xf32, #tpu.memory_space<hbm>>
      tpu.wait_indirect_dma semaphore(%arg16 : memref<!tpu.dma_semaphore, #tpu.memory_space<semaphore_mem>>) src(%dma_wait3A_94 : memref<10000x64xf32, #tpu.memory_space<hbm>>) dst(%arg10 : memref<80x64xf32, #tpu.memory_space<vmem>>)
      "tpu.region"() ({
        %run_scoped3A_120 = tpu.sem_alloc : memref<!tpu.dma_semaphore, #tpu.memory_space<semaphore_mem>>
        %dma_start3A_121 = arith.constant 0 : i32
        %dma_start3A_122 = tpu.memref_slice %arg7[%add3A_88, %dma_start3A_121] : memref<125x80xi32, #tpu.memory_space<vmem>> -> memref<1x80xi32, #tpu.memory_space<vmem>>
        %dma_start3A_123 = tpu.memref_squeeze %dma_start3A_122 : memref<1x80xi32, #tpu.memory_space<vmem>> -> memref<80xi32, #tpu.memory_space<vmem>>
        %dma_start3A_124 = arith.constant 0 : i32
        %dma_start3A_125 = arith.constant 0 : i32
        %dma_start3A_126 = tpu.memref_slice %arg13[%dma_start3A_124, %dma_start3A_125] : memref<10000x64xf32, #tpu.memory_space<vmem_shared>> -> memref<10000x64xf32, #tpu.memory_space<vmem_shared>>
        tpu.enqueue_indirect_dma source(%arg10 : memref<80x64xf32, #tpu.memory_space<vmem>>) target(%dma_start3A_126 : memref<10000x64xf32, #tpu.memory_space<vmem_shared>>) offsets(%dma_start3A_123 : memref<80xi32, #tpu.memory_space<vmem>>) semaphore(%run_scoped3A_120 : memref<!tpu.dma_semaphore, #tpu.memory_space<semaphore_mem>>) {add = true}
        %dma_wait3A_127 = arith.constant 0 : i32
        %dma_wait3A_128 = tpu.memref_slice %arg7[%add3A_88, %dma_wait3A_127] : memref<125x80xi32, #tpu.memory_space<vmem>> -> memref<1x80xi32, #tpu.memory_space<vmem>>
        %dma_wait3A_129 = tpu.memref_squeeze %dma_wait3A_128 : memref<1x80xi32, #tpu.memory_space<vmem>> -> memref<80xi32, #tpu.memory_space<vmem>>
        %dma_wait3A_130 = arith.constant 0 : i32
        %dma_wait3A_131 = arith.constant 0 : i32
        %dma_wait3A_132 = tpu.memref_slice %arg13[%dma_wait3A_130, %dma_wait3A_131] : memref<10000x64xf32, #tpu.memory_space<vmem_shared>> -> memref<10000x64xf32, #tpu.memory_space<vmem_shared>>
        tpu.wait_indirect_dma semaphore(%run_scoped3A_120 : memref<!tpu.dma_semaphore, #tpu.memory_space<semaphore_mem>>) src(%arg10 : memref<80x64xf32, #tpu.memory_space<vmem>>) dst(%dma_wait3A_132 : memref<10000x64xf32, #tpu.memory_space<vmem_shared>>)
        tpu.yield
      }) : () -> ()
      %add3A_95 = arith.constant 4 : i32
      %add3A_96 = arith.addi %add3A_88, %add3A_95 : i32
      %lt3A_97 = arith.constant 125 : i32
      %lt3A_98 = arith.cmpi slt, %add3A_96, %lt3A_97 : i32
      %convert_element_type3A_99 = arith.extui %lt3A_98 : i1 to i32
      %cond3A_100 = arith.constant 0 : i32
      %cond3A_101 = arith.cmpi ne, %convert_element_type3A_99, %cond3A_100 : i32
      scf.if %cond3A_101 {
        %add3A_120 = arith.constant 4 : i32
        %add3A_121 = arith.addi %add3A_88, %add3A_120 : i32
        %dma_start3A_122 = arith.constant 0 : i32
        %dma_start3A_123 = tpu.memref_slice %arg6[%add3A_121, %dma_start3A_122] : memref<125x80xi32, #tpu.memory_space<vmem>> -> memref<1x80xi32, #tpu.memory_space<vmem>>
        %dma_start3A_124 = tpu.memref_squeeze %dma_start3A_123 : memref<1x80xi32, #tpu.memory_space<vmem>> -> memref<80xi32, #tpu.memory_space<vmem>>
        %dma_start3A_125 = arith.constant 0 : i32
        %dma_start3A_126 = arith.constant 0 : i32
        %dma_start3A_127 = tpu.memref_slice %arg2[%dma_start3A_125, %dma_start3A_126] : memref<10000x64xf32, #tpu.memory_space<hbm>> -> memref<10000x64xf32, #tpu.memory_space<hbm>>
        tpu.enqueue_indirect_dma source(%dma_start3A_127 : memref<10000x64xf32, #tpu.memory_space<hbm>>) target(%arg10 : memref<80x64xf32, #tpu.memory_space<vmem>>) offsets(%dma_start3A_124 : memref<80xi32, #tpu.memory_space<vmem>>) semaphore(%arg16 : memref<!tpu.dma_semaphore, #tpu.memory_space<semaphore_mem>>)
      } else {
      }
      %mul3A_102 = arith.constant 4 : i32
      %mul3A_103 = arith.muli %mul3A_102, %scan3A_52 : i32
      %add3A_104 = arith.constant 3 : i32
      %add3A_105 = arith.addi %mul3A_103, %add3A_104 : i32
      %dma_wait3A_106 = arith.constant 0 : i32
      %dma_wait3A_107 = tpu.memref_slice %arg6[%add3A_105, %dma_wait3A_106] : memref<125x80xi32, #tpu.memory_space<vmem>> -> memref<1x80xi32, #tpu.memory_space<vmem>>
      %dma_wait3A_108 = tpu.memref_squeeze %dma_wait3A_107 : memref<1x80xi32, #tpu.memory_space<vmem>> -> memref<80xi32, #tpu.memory_space<vmem>>
      %dma_wait3A_109 = arith.constant 0 : i32
      %dma_wait3A_110 = arith.constant 0 : i32
      %dma_wait3A_111 = tpu.memref_slice %arg2[%dma_wait3A_109, %dma_wait3A_110] : memref<10000x64xf32, #tpu.memory_space<hbm>> -> memref<10000x64xf32, #tpu.memory_space<hbm>>
      tpu.wait_indirect_dma semaphore(%arg17 : memref<!tpu.dma_semaphore, #tpu.memory_space<semaphore_mem>>) src(%dma_wait3A_111 : memref<10000x64xf32, #tpu.memory_space<hbm>>) dst(%arg11 : memref<80x64xf32, #tpu.memory_space<vmem>>)
      "tpu.region"() ({
        %run_scoped3A_120 = tpu.sem_alloc : memref<!tpu.dma_semaphore, #tpu.memory_space<semaphore_mem>>
        %dma_start3A_121 = arith.constant 0 : i32
        %dma_start3A_122 = tpu.memref_slice %arg7[%add3A_105, %dma_start3A_121] : memref<125x80xi32, #tpu.memory_space<vmem>> -> memref<1x80xi32, #tpu.memory_space<vmem>>
        %dma_start3A_123 = tpu.memref_squeeze %dma_start3A_122 : memref<1x80xi32, #tpu.memory_space<vmem>> -> memref<80xi32, #tpu.memory_space<vmem>>
        %dma_start3A_124 = arith.constant 0 : i32
        %dma_start3A_125 = arith.constant 0 : i32
        %dma_start3A_126 = tpu.memref_slice %arg13[%dma_start3A_124, %dma_start3A_125] : memref<10000x64xf32, #tpu.memory_space<vmem_shared>> -> memref<10000x64xf32, #tpu.memory_space<vmem_shared>>
        tpu.enqueue_indirect_dma source(%arg11 : memref<80x64xf32, #tpu.memory_space<vmem>>) target(%dma_start3A_126 : memref<10000x64xf32, #tpu.memory_space<vmem_shared>>) offsets(%dma_start3A_123 : memref<80xi32, #tpu.memory_space<vmem>>) semaphore(%run_scoped3A_120 : memref<!tpu.dma_semaphore, #tpu.memory_space<semaphore_mem>>) {add = true}
        %dma_wait3A_127 = arith.constant 0 : i32
        %dma_wait3A_128 = tpu.memref_slice %arg7[%add3A_105, %dma_wait3A_127] : memref<125x80xi32, #tpu.memory_space<vmem>> -> memref<1x80xi32, #tpu.memory_space<vmem>>
        %dma_wait3A_129 = tpu.memref_squeeze %dma_wait3A_128 : memref<1x80xi32, #tpu.memory_space<vmem>> -> memref<80xi32, #tpu.memory_space<vmem>>
        %dma_wait3A_130 = arith.constant 0 : i32
        %dma_wait3A_131 = arith.constant 0 : i32
        %dma_wait3A_132 = tpu.memref_slice %arg13[%dma_wait3A_130, %dma_wait3A_131] : memref<10000x64xf32, #tpu.memory_space<vmem_shared>> -> memref<10000x64xf32, #tpu.memory_space<vmem_shared>>
        tpu.wait_indirect_dma semaphore(%run_scoped3A_120 : memref<!tpu.dma_semaphore, #tpu.memory_space<semaphore_mem>>) src(%arg11 : memref<80x64xf32, #tpu.memory_space<vmem>>) dst(%dma_wait3A_132 : memref<10000x64xf32, #tpu.memory_space<vmem_shared>>)
        tpu.yield
      }) : () -> ()
      %add3A_112 = arith.constant 4 : i32
      %add3A_113 = arith.addi %add3A_105, %add3A_112 : i32
      %lt3A_114 = arith.constant 125 : i32
      %lt3A_115 = arith.cmpi slt, %add3A_113, %lt3A_114 : i32
      %convert_element_type3A_116 = arith.extui %lt3A_115 : i1 to i32
      %cond3A_117 = arith.constant 0 : i32
      %cond3A_118 = arith.cmpi ne, %convert_element_type3A_116, %cond3A_117 : i32
      scf.if %cond3A_118 {
        %add3A_120 = arith.constant 4 : i32
        %add3A_121 = arith.addi %add3A_105, %add3A_120 : i32
        %dma_start3A_122 = arith.constant 0 : i32
        %dma_start3A_123 = tpu.memref_slice %arg6[%add3A_121, %dma_start3A_122] : memref<125x80xi32, #tpu.memory_space<vmem>> -> memref<1x80xi32, #tpu.memory_space<vmem>>
        %dma_start3A_124 = tpu.memref_squeeze %dma_start3A_123 : memref<1x80xi32, #tpu.memory_space<vmem>> -> memref<80xi32, #tpu.memory_space<vmem>>
        %dma_start3A_125 = arith.constant 0 : i32
        %dma_start3A_126 = arith.constant 0 : i32
        %dma_start3A_127 = tpu.memref_slice %arg2[%dma_start3A_125, %dma_start3A_126] : memref<10000x64xf32, #tpu.memory_space<hbm>> -> memref<10000x64xf32, #tpu.memory_space<hbm>>
        tpu.enqueue_indirect_dma source(%dma_start3A_127 : memref<10000x64xf32, #tpu.memory_space<hbm>>) target(%arg11 : memref<80x64xf32, #tpu.memory_space<vmem>>) offsets(%dma_start3A_124 : memref<80xi32, #tpu.memory_space<vmem>>) semaphore(%arg17 : memref<!tpu.dma_semaphore, #tpu.memory_space<semaphore_mem>>)
      } else {
      }
      %scan3A_119 = arith.constant 0 : i32
      scf.yield %scan3A_119 : i32
    }
    %scan3A_42 = arith.constant 31 : i32
    %dma_wait3A = arith.constant 124 : i32
    %dma_wait3A_43 = arith.constant 0 : i32
    %dma_wait3A_44 = tpu.memref_slice %arg6[%dma_wait3A, %dma_wait3A_43] : memref<125x80xi32, #tpu.memory_space<vmem>> -> memref<1x80xi32, #tpu.memory_space<vmem>>
    %dma_wait3A_45 = tpu.memref_squeeze %dma_wait3A_44 : memref<1x80xi32, #tpu.memory_space<vmem>> -> memref<80xi32, #tpu.memory_space<vmem>>
    %dma_wait3A_46 = arith.constant 0 : i32
    %dma_wait3A_47 = arith.constant 0 : i32
    %dma_wait3A_48 = tpu.memref_slice %arg2[%dma_wait3A_46, %dma_wait3A_47] : memref<10000x64xf32, #tpu.memory_space<hbm>> -> memref<10000x64xf32, #tpu.memory_space<hbm>>
    tpu.wait_indirect_dma semaphore(%arg14 : memref<!tpu.dma_semaphore, #tpu.memory_space<semaphore_mem>>) src(%dma_wait3A_48 : memref<10000x64xf32, #tpu.memory_space<hbm>>) dst(%arg8 : memref<80x64xf32, #tpu.memory_space<vmem>>)
    %run_scoped3A = arith.constant 124 : i32
    "tpu.region"() ({
      %run_scoped3A_52 = tpu.sem_alloc : memref<!tpu.dma_semaphore, #tpu.memory_space<semaphore_mem>>
      %dma_start3A_53 = arith.constant 0 : i32
      %dma_start3A_54 = tpu.memref_slice %arg7[%run_scoped3A, %dma_start3A_53] : memref<125x80xi32, #tpu.memory_space<vmem>> -> memref<1x80xi32, #tpu.memory_space<vmem>>
      %dma_start3A_55 = tpu.memref_squeeze %dma_start3A_54 : memref<1x80xi32, #tpu.memory_space<vmem>> -> memref<80xi32, #tpu.memory_space<vmem>>
      %dma_start3A_56 = arith.constant 0 : i32
      %dma_start3A_57 = arith.constant 0 : i32
      %dma_start3A_58 = tpu.memref_slice %arg13[%dma_start3A_56, %dma_start3A_57] : memref<10000x64xf32, #tpu.memory_space<vmem_shared>> -> memref<10000x64xf32, #tpu.memory_space<vmem_shared>>
      tpu.enqueue_indirect_dma source(%arg8 : memref<80x64xf32, #tpu.memory_space<vmem>>) target(%dma_start3A_58 : memref<10000x64xf32, #tpu.memory_space<vmem_shared>>) offsets(%dma_start3A_55 : memref<80xi32, #tpu.memory_space<vmem>>) semaphore(%run_scoped3A_52 : memref<!tpu.dma_semaphore, #tpu.memory_space<semaphore_mem>>) {add = true}
      %dma_wait3A_59 = arith.constant 0 : i32
      %dma_wait3A_60 = tpu.memref_slice %arg7[%run_scoped3A, %dma_wait3A_59] : memref<125x80xi32, #tpu.memory_space<vmem>> -> memref<1x80xi32, #tpu.memory_space<vmem>>
      %dma_wait3A_61 = tpu.memref_squeeze %dma_wait3A_60 : memref<1x80xi32, #tpu.memory_space<vmem>> -> memref<80xi32, #tpu.memory_space<vmem>>
      %dma_wait3A_62 = arith.constant 0 : i32
      %dma_wait3A_63 = arith.constant 0 : i32
      %dma_wait3A_64 = tpu.memref_slice %arg13[%dma_wait3A_62, %dma_wait3A_63] : memref<10000x64xf32, #tpu.memory_space<vmem_shared>> -> memref<10000x64xf32, #tpu.memory_space<vmem_shared>>
      tpu.wait_indirect_dma semaphore(%run_scoped3A_52 : memref<!tpu.dma_semaphore, #tpu.memory_space<semaphore_mem>>) src(%arg8 : memref<80x64xf32, #tpu.memory_space<vmem>>) dst(%dma_wait3A_64 : memref<10000x64xf32, #tpu.memory_space<vmem_shared>>)
      tpu.yield
    }) : () -> ()
    %barrier3A_49 = arith.constant 0 : index
    tpu.barrier barrier_id(%barrier3A_49)
    %mul3A_50 = arith.constant 625 : i32
    %mul3A_51 = arith.muli %arg1, %mul3A_50 : i32
    "tpu.region"() ({
      %run_scoped3A_52 = tpu.sem_alloc : memref<!tpu.dma_semaphore, #tpu.memory_space<semaphore_mem>>
      %dma_start3A_53 = arith.constant 0 : i32
      %dma_start3A_54 = tpu.memref_slice %arg13[%mul3A_51, %dma_start3A_53] : memref<10000x64xf32, #tpu.memory_space<vmem_shared>> -> memref<625x64xf32, #tpu.memory_space<vmem_shared>>
      %dma_start3A_55 = arith.constant 0 : i32
      %dma_start3A_56 = tpu.memref_slice %arg13[%mul3A_51, %dma_start3A_55] : memref<10000x64xf32, #tpu.memory_space<vmem_shared>> -> memref<625x64xf32, #tpu.memory_space<vmem_shared>>
      tpu.enqueue_dma source(%dma_start3A_56 : memref<625x64xf32, #tpu.memory_space<vmem_shared>>) target(%arg12 : memref<625x64xf32, #tpu.memory_space<vmem>>) target_semaphore(%run_scoped3A_52 : memref<!tpu.dma_semaphore, #tpu.memory_space<semaphore_mem>>)
      %dma_wait3A_57 = arith.constant 0 : i32
      %dma_wait3A_58 = tpu.memref_slice %arg13[%mul3A_51, %dma_wait3A_57] : memref<10000x64xf32, #tpu.memory_space<vmem_shared>> -> memref<625x64xf32, #tpu.memory_space<vmem_shared>>
      %dma_wait3A_59 = arith.constant 0 : i32
      %dma_wait3A_60 = tpu.memref_slice %arg13[%mul3A_51, %dma_wait3A_59] : memref<10000x64xf32, #tpu.memory_space<vmem_shared>> -> memref<625x64xf32, #tpu.memory_space<vmem_shared>>
      tpu.wait_dma2 semaphore(%run_scoped3A_52 : memref<!tpu.dma_semaphore, #tpu.memory_space<semaphore_mem>>) src(%dma_wait3A_60 : memref<625x64xf32, #tpu.memory_space<vmem_shared>>) dst(%arg12 : memref<625x64xf32, #tpu.memory_space<vmem>>)
      tpu.yield
    }) : () -> ()
    "tpu.region"() ({
      %run_scoped3A_52 = tpu.sem_alloc : memref<!tpu.dma_semaphore, #tpu.memory_space<semaphore_mem>>
      %dma_start3A_53 = arith.constant 0 : i32
      %dma_start3A_54 = arith.constant 0 : i32
      %dma_start3A_55 = tpu.memref_slice %arg5[%arg0, %arg1, %dma_start3A_53, %dma_start3A_54] : memref<2x16x625x64xf32, #tpu.memory_space<hbm>> -> memref<1x1x625x64xf32, #tpu.memory_space<hbm>>
      %dma_start3A_56 = tpu.memref_squeeze %dma_start3A_55 : memref<1x1x625x64xf32, #tpu.memory_space<hbm>> -> memref<625x64xf32, #tpu.memory_space<hbm>>
      %dma_start3A_57 = arith.constant 0 : i32
      %dma_start3A_58 = arith.constant 0 : i32
      %dma_start3A_59 = tpu.memref_slice %arg5[%arg0, %arg1, %dma_start3A_57, %dma_start3A_58] : memref<2x16x625x64xf32, #tpu.memory_space<hbm>> -> memref<1x1x625x64xf32, #tpu.memory_space<hbm>>
      %dma_start3A_60 = tpu.memref_squeeze %dma_start3A_59 : memref<1x1x625x64xf32, #tpu.memory_space<hbm>> -> memref<625x64xf32, #tpu.memory_space<hbm>>
      tpu.enqueue_dma source(%arg12 : memref<625x64xf32, #tpu.memory_space<vmem>>) target(%dma_start3A_60 : memref<625x64xf32, #tpu.memory_space<hbm>>) target_semaphore(%run_scoped3A_52 : memref<!tpu.dma_semaphore, #tpu.memory_space<semaphore_mem>>)
      %dma_wait3A_61 = arith.constant 0 : i32
      %dma_wait3A_62 = arith.constant 0 : i32
      %dma_wait3A_63 = tpu.memref_slice %arg5[%arg0, %arg1, %dma_wait3A_61, %dma_wait3A_62] : memref<2x16x625x64xf32, #tpu.memory_space<hbm>> -> memref<1x1x625x64xf32, #tpu.memory_space<hbm>>
      %dma_wait3A_64 = tpu.memref_squeeze %dma_wait3A_63 : memref<1x1x625x64xf32, #tpu.memory_space<hbm>> -> memref<625x64xf32, #tpu.memory_space<hbm>>
      %dma_wait3A_65 = arith.constant 0 : i32
      %dma_wait3A_66 = arith.constant 0 : i32
      %dma_wait3A_67 = tpu.memref_slice %arg5[%arg0, %arg1, %dma_wait3A_65, %dma_wait3A_66] : memref<2x16x625x64xf32, #tpu.memory_space<hbm>> -> memref<1x1x625x64xf32, #tpu.memory_space<hbm>>
      %dma_wait3A_68 = tpu.memref_squeeze %dma_wait3A_67 : memref<1x1x625x64xf32, #tpu.memory_space<hbm>> -> memref<625x64xf32, #tpu.memory_space<hbm>>
      tpu.wait_dma2 semaphore(%run_scoped3A_52 : memref<!tpu.dma_semaphore, #tpu.memory_space<semaphore_mem>>) src(%arg12 : memref<625x64xf32, #tpu.memory_space<vmem>>) dst(%dma_wait3A_68 : memref<625x64xf32, #tpu.memory_space<hbm>>)
      tpu.yield
    }) : () -> ()
    return
  }
}

#map = affine_map<(d0, d1) -> (0, 0, 0)>
#map1 = affine_map<(d0, d1) -> (0, 0, 0, 0)>
module attributes {stable_mosaic.version = 14 : i64} {
  func.func @body(%arg0: i32, %arg1: i32, %arg2: memref<32x125x80xi32, #tpu.memory_space<hbm>>, %arg3: memref<2x16x625x16xf32, #tpu.memory_space<hbm>>, %arg4: memref<125x80xi32, #tpu.memory_space<vmem>>, %arg5: memref<80x16xf32, #tpu.memory_space<vmem>>, %arg6: memref<625x16xf32, #tpu.memory_space<vmem>>, %arg7: memref<10000x16xf32, #tpu.memory_space<vmem_shared>>, %arg8: memref<!tpu.dma_semaphore, #tpu.memory_space<semaphore_mem>>) attributes {dimension_semantics = [#tpu.dimension_semantics<core_parallel>, #tpu.dimension_semantics<subcore_parallel>], iteration_bounds = array<i64: 2, 16>, scalar_prefetch = 0 : i64, scratch_operands = 5 : i64, tpu.core_type = #tpu.core_type<sc_vector_subcore>, window_params = [{transform_indices = #map}, {transform_indices = #map1}]} {
    %mul3A = arith.constant 16 : i32
    %mul3A_0 = arith.muli %arg0, %mul3A : i32
    %add3A = arith.addi %mul3A_0, %arg1 : i32
    %scan3A = arith.constant 0 : i32
    %scan3A_1 = arith.constant 0 : i32
    %scan3A_2 = arith.constant 625 : i32
    %scan3A_3 = arith.addi %scan3A_1, %scan3A_2 : i32
    %scan3A_4 = arith.constant 1 : i32
    %scan3A_5 = scf.for %scan3A_33 = %scan3A_1 to %scan3A_3 step %scan3A_4 iter_args(%scan3A_34 = %scan3A) -> (i32)  : i32 {
      %broadcast_in_dim3A = arith.constant 0.000000e+00 : f32
      %broadcast_in_dim3A_35 = vector.broadcast %broadcast_in_dim3A : f32 to vector<16xf32>
      %swap3A = arith.index_cast %scan3A_33 : i32 to index
      %swap3A_36 = arith.constant 0 : index
      %swap3A_37 = tpu.vector_load %arg6[%swap3A, %swap3A_36] {strides = array<i32>} : memref<625x16xf32, #tpu.memory_space<vmem>>, vector<1x16xf32>,
      %swap3A_38 = vector.shape_cast %swap3A_37 : vector<1x16xf32> to vector<16xf32>
      %swap3A_39 = vector.shape_cast %broadcast_in_dim3A_35 : vector<16xf32> to vector<1x16xf32>
      tpu.vector_store %arg6[%swap3A, %swap3A_36], %swap3A_39 {strides = array<i32>} : memref<625x16xf32, #tpu.memory_space<vmem>>, vector<1x16xf32>,
      %scan3A_40 = arith.constant 0 : i32
      scf.yield %scan3A_40 : i32
    }
    %scan3A_6 = arith.constant 625 : i32
    %scan3A_7 = arith.constant 0 : i32
    %scan3A_8 = arith.constant 0 : i32
    %scan3A_9 = arith.constant 80 : i32
    %scan3A_10 = arith.addi %scan3A_8, %scan3A_9 : i32
    %scan3A_11 = arith.constant 1 : i32
    %scan3A_12 = scf.for %scan3A_33 = %scan3A_8 to %scan3A_10 step %scan3A_11 iter_args(%scan3A_34 = %scan3A_7) -> (i32)  : i32 {
      %broadcast_in_dim3A = arith.constant 1.000000e+00 : f32
      %broadcast_in_dim3A_35 = vector.broadcast %broadcast_in_dim3A : f32 to vector<16xf32>
      %swap3A = arith.index_cast %scan3A_33 : i32 to index
      %swap3A_36 = arith.constant 0 : index
      %swap3A_37 = tpu.vector_load %arg5[%swap3A, %swap3A_36] {strides = array<i32>} : memref<80x16xf32, #tpu.memory_space<vmem>>, vector<1x16xf32>,
      %swap3A_38 = vector.shape_cast %swap3A_37 : vector<1x16xf32> to vector<16xf32>
      %swap3A_39 = vector.shape_cast %broadcast_in_dim3A_35 : vector<16xf32> to vector<1x16xf32>
      tpu.vector_store %arg5[%swap3A, %swap3A_36], %swap3A_39 {strides = array<i32>} : memref<80x16xf32, #tpu.memory_space<vmem>>, vector<1x16xf32>,
      %scan3A_40 = arith.constant 0 : i32
      scf.yield %scan3A_40 : i32
    }
    %scan3A_13 = arith.constant 80 : i32
    %mul3A_14 = arith.constant 625 : i32
    %mul3A_15 = arith.muli %arg1, %mul3A_14 : i32
    "tpu.region"() ({
      %run_scoped3A = tpu.sem_alloc : memref<!tpu.dma_semaphore, #tpu.memory_space<semaphore_mem>>
      %dma_start3A = arith.constant 0 : i32
      %dma_start3A_33 = tpu.memref_slice %arg7[%mul3A_15, %dma_start3A] : memref<10000x16xf32, #tpu.memory_space<vmem_shared>> -> memref<625x16xf32, #tpu.memory_space<vmem_shared>>
      %dma_start3A_34 = arith.constant 0 : i32
      %dma_start3A_35 = tpu.memref_slice %arg7[%mul3A_15, %dma_start3A_34] : memref<10000x16xf32, #tpu.memory_space<vmem_shared>> -> memref<625x16xf32, #tpu.memory_space<vmem_shared>>
      tpu.enqueue_dma source(%arg6 : memref<625x16xf32, #tpu.memory_space<vmem>>) target(%dma_start3A_35 : memref<625x16xf32, #tpu.memory_space<vmem_shared>>) target_semaphore(%run_scoped3A : memref<!tpu.dma_semaphore, #tpu.memory_space<semaphore_mem>>)
      %dma_wait3A = arith.constant 0 : i32
      %dma_wait3A_36 = tpu.memref_slice %arg7[%mul3A_15, %dma_wait3A] : memref<10000x16xf32, #tpu.memory_space<vmem_shared>> -> memref<625x16xf32, #tpu.memory_space<vmem_shared>>
      %dma_wait3A_37 = arith.constant 0 : i32
      %dma_wait3A_38 = tpu.memref_slice %arg7[%mul3A_15, %dma_wait3A_37] : memref<10000x16xf32, #tpu.memory_space<vmem_shared>> -> memref<625x16xf32, #tpu.memory_space<vmem_shared>>
      tpu.wait_dma2 semaphore(%run_scoped3A : memref<!tpu.dma_semaphore, #tpu.memory_space<semaphore_mem>>) src(%arg6 : memref<625x16xf32, #tpu.memory_space<vmem>>) dst(%dma_wait3A_38 : memref<625x16xf32, #tpu.memory_space<vmem_shared>>)
      tpu.yield
    }) : () -> ()
    %barrier3A = arith.constant 0 : index
    tpu.barrier barrier_id(%barrier3A)
    "tpu.region"() ({
      %run_scoped3A = tpu.sem_alloc : memref<!tpu.dma_semaphore, #tpu.memory_space<semaphore_mem>>
      %dma_start3A = arith.constant 0 : i32
      %dma_start3A_33 = arith.constant 0 : i32
      %dma_start3A_34 = tpu.memref_slice %arg2[%add3A, %dma_start3A, %dma_start3A_33] : memref<32x125x80xi32, #tpu.memory_space<hbm>> -> memref<1x125x80xi32, #tpu.memory_space<hbm>>
      %dma_start3A_35 = tpu.memref_squeeze %dma_start3A_34 : memref<1x125x80xi32, #tpu.memory_space<hbm>> -> memref<125x80xi32, #tpu.memory_space<hbm>>
      %dma_start3A_36 = arith.constant 0 : i32
      %dma_start3A_37 = arith.constant 0 : i32
      %dma_start3A_38 = tpu.memref_slice %arg2[%add3A, %dma_start3A_36, %dma_start3A_37] : memref<32x125x80xi32, #tpu.memory_space<hbm>> -> memref<1x125x80xi32, #tpu.memory_space<hbm>>
      %dma_start3A_39 = tpu.memref_squeeze %dma_start3A_38 : memref<1x125x80xi32, #tpu.memory_space<hbm>> -> memref<125x80xi32, #tpu.memory_space<hbm>>
      tpu.enqueue_dma source(%dma_start3A_39 : memref<125x80xi32, #tpu.memory_space<hbm>>) target(%arg4 : memref<125x80xi32, #tpu.memory_space<vmem>>) target_semaphore(%run_scoped3A : memref<!tpu.dma_semaphore, #tpu.memory_space<semaphore_mem>>)
      %dma_wait3A = arith.constant 0 : i32
      %dma_wait3A_40 = arith.constant 0 : i32
      %dma_wait3A_41 = tpu.memref_slice %arg2[%add3A, %dma_wait3A, %dma_wait3A_40] : memref<32x125x80xi32, #tpu.memory_space<hbm>> -> memref<1x125x80xi32, #tpu.memory_space<hbm>>
      %dma_wait3A_42 = tpu.memref_squeeze %dma_wait3A_41 : memref<1x125x80xi32, #tpu.memory_space<hbm>> -> memref<125x80xi32, #tpu.memory_space<hbm>>
      %dma_wait3A_43 = arith.constant 0 : i32
      %dma_wait3A_44 = arith.constant 0 : i32
      %dma_wait3A_45 = tpu.memref_slice %arg2[%add3A, %dma_wait3A_43, %dma_wait3A_44] : memref<32x125x80xi32, #tpu.memory_space<hbm>> -> memref<1x125x80xi32, #tpu.memory_space<hbm>>
      %dma_wait3A_46 = tpu.memref_squeeze %dma_wait3A_45 : memref<1x125x80xi32, #tpu.memory_space<hbm>> -> memref<125x80xi32, #tpu.memory_space<hbm>>
      tpu.wait_dma2 semaphore(%run_scoped3A : memref<!tpu.dma_semaphore, #tpu.memory_space<semaphore_mem>>) src(%dma_wait3A_46 : memref<125x80xi32, #tpu.memory_space<hbm>>) dst(%arg4 : memref<125x80xi32, #tpu.memory_space<vmem>>)
      tpu.yield
    }) : () -> ()
    %scan3A_16 = arith.constant 0 : i32
    %scan3A_17 = arith.constant 0 : i32
    %scan3A_18 = arith.constant 125 : i32
    %scan3A_19 = arith.addi %scan3A_17, %scan3A_18 : i32
    %scan3A_20 = arith.constant 1 : i32
    %scan3A_21 = scf.for %scan3A_33 = %scan3A_17 to %scan3A_19 step %scan3A_20 iter_args(%scan3A_34 = %scan3A_16) -> (i32)  : i32 {
      %dma_start3A = arith.constant 0 : i32
      %dma_start3A_35 = tpu.memref_slice %arg4[%scan3A_33, %dma_start3A] : memref<125x80xi32, #tpu.memory_space<vmem>> -> memref<1x80xi32, #tpu.memory_space<vmem>>
      %dma_start3A_36 = tpu.memref_squeeze %dma_start3A_35 : memref<1x80xi32, #tpu.memory_space<vmem>> -> memref<80xi32, #tpu.memory_space<vmem>>
      %dma_start3A_37 = arith.constant 0 : i32
      %dma_start3A_38 = arith.constant 0 : i32
      %dma_start3A_39 = tpu.memref_slice %arg7[%dma_start3A_37, %dma_start3A_38] : memref<10000x16xf32, #tpu.memory_space<vmem_shared>> -> memref<10000x16xf32, #tpu.memory_space<vmem_shared>>
      tpu.enqueue_indirect_dma source(%arg5 : memref<80x16xf32, #tpu.memory_space<vmem>>) target(%dma_start3A_39 : memref<10000x16xf32, #tpu.memory_space<vmem_shared>>) offsets(%dma_start3A_36 : memref<80xi32, #tpu.memory_space<vmem>>) semaphore(%arg8 : memref<!tpu.dma_semaphore, #tpu.memory_space<semaphore_mem>>) {add = true}
      %scan3A_40 = arith.constant 0 : i32
      scf.yield %scan3A_40 : i32
    }
    %scan3A_22 = arith.constant 125 : i32
    %scan3A_23 = arith.constant 0 : i32
    %scan3A_24 = arith.constant 0 : i32
    %scan3A_25 = arith.constant 125 : i32
    %scan3A_26 = arith.addi %scan3A_24, %scan3A_25 : i32
    %scan3A_27 = arith.constant 1 : i32
    %scan3A_28 = scf.for %scan3A_33 = %scan3A_24 to %scan3A_26 step %scan3A_27 iter_args(%scan3A_34 = %scan3A_23) -> (i32)  : i32 {
      %dma_wait3A = arith.constant 0 : i32
      %dma_wait3A_35 = tpu.memref_slice %arg4[%scan3A_33, %dma_wait3A] : memref<125x80xi32, #tpu.memory_space<vmem>> -> memref<1x80xi32, #tpu.memory_space<vmem>>
      %dma_wait3A_36 = tpu.memref_squeeze %dma_wait3A_35 : memref<1x80xi32, #tpu.memory_space<vmem>> -> memref<80xi32, #tpu.memory_space<vmem>>
      %dma_wait3A_37 = arith.constant 0 : i32
      %dma_wait3A_38 = arith.constant 0 : i32
      %dma_wait3A_39 = tpu.memref_slice %arg7[%dma_wait3A_37, %dma_wait3A_38] : memref<10000x16xf32, #tpu.memory_space<vmem_shared>> -> memref<10000x16xf32, #tpu.memory_space<vmem_shared>>
      tpu.wait_indirect_dma semaphore(%arg8 : memref<!tpu.dma_semaphore, #tpu.memory_space<semaphore_mem>>) src(%arg5 : memref<80x16xf32, #tpu.memory_space<vmem>>) dst(%dma_wait3A_39 : memref<10000x16xf32, #tpu.memory_space<vmem_shared>>)
      %scan3A_40 = arith.constant 0 : i32
      scf.yield %scan3A_40 : i32
    }
    %scan3A_29 = arith.constant 125 : i32
    %barrier3A_30 = arith.constant 0 : index
    tpu.barrier barrier_id(%barrier3A_30)
    %mul3A_31 = arith.constant 625 : i32
    %mul3A_32 = arith.muli %arg1, %mul3A_31 : i32
    "tpu.region"() ({
      %run_scoped3A = tpu.sem_alloc : memref<!tpu.dma_semaphore, #tpu.memory_space<semaphore_mem>>
      %dma_start3A = arith.constant 0 : i32
      %dma_start3A_33 = tpu.memref_slice %arg7[%mul3A_32, %dma_start3A] : memref<10000x16xf32, #tpu.memory_space<vmem_shared>> -> memref<625x16xf32, #tpu.memory_space<vmem_shared>>
      %dma_start3A_34 = arith.constant 0 : i32
      %dma_start3A_35 = tpu.memref_slice %arg7[%mul3A_32, %dma_start3A_34] : memref<10000x16xf32, #tpu.memory_space<vmem_shared>> -> memref<625x16xf32, #tpu.memory_space<vmem_shared>>
      tpu.enqueue_dma source(%dma_start3A_35 : memref<625x16xf32, #tpu.memory_space<vmem_shared>>) target(%arg6 : memref<625x16xf32, #tpu.memory_space<vmem>>) target_semaphore(%run_scoped3A : memref<!tpu.dma_semaphore, #tpu.memory_space<semaphore_mem>>)
      %dma_wait3A = arith.constant 0 : i32
      %dma_wait3A_36 = tpu.memref_slice %arg7[%mul3A_32, %dma_wait3A] : memref<10000x16xf32, #tpu.memory_space<vmem_shared>> -> memref<625x16xf32, #tpu.memory_space<vmem_shared>>
      %dma_wait3A_37 = arith.constant 0 : i32
      %dma_wait3A_38 = tpu.memref_slice %arg7[%mul3A_32, %dma_wait3A_37] : memref<10000x16xf32, #tpu.memory_space<vmem_shared>> -> memref<625x16xf32, #tpu.memory_space<vmem_shared>>
      tpu.wait_dma2 semaphore(%run_scoped3A : memref<!tpu.dma_semaphore, #tpu.memory_space<semaphore_mem>>) src(%dma_wait3A_38 : memref<625x16xf32, #tpu.memory_space<vmem_shared>>) dst(%arg6 : memref<625x16xf32, #tpu.memory_space<vmem>>)
      tpu.yield
    }) : () -> ()
    "tpu.region"() ({
      %run_scoped3A = tpu.sem_alloc : memref<!tpu.dma_semaphore, #tpu.memory_space<semaphore_mem>>
      %dma_start3A = arith.constant 0 : i32
      %dma_start3A_33 = arith.constant 0 : i32
      %dma_start3A_34 = tpu.memref_slice %arg3[%arg0, %arg1, %dma_start3A, %dma_start3A_33] : memref<2x16x625x16xf32, #tpu.memory_space<hbm>> -> memref<1x1x625x16xf32, #tpu.memory_space<hbm>>
      %dma_start3A_35 = tpu.memref_squeeze %dma_start3A_34 : memref<1x1x625x16xf32, #tpu.memory_space<hbm>> -> memref<625x16xf32, #tpu.memory_space<hbm>>
      %dma_start3A_36 = arith.constant 0 : i32
      %dma_start3A_37 = arith.constant 0 : i32
      %dma_start3A_38 = tpu.memref_slice %arg3[%arg0, %arg1, %dma_start3A_36, %dma_start3A_37] : memref<2x16x625x16xf32, #tpu.memory_space<hbm>> -> memref<1x1x625x16xf32, #tpu.memory_space<hbm>>
      %dma_start3A_39 = tpu.memref_squeeze %dma_start3A_38 : memref<1x1x625x16xf32, #tpu.memory_space<hbm>> -> memref<625x16xf32, #tpu.memory_space<hbm>>
      tpu.enqueue_dma source(%arg6 : memref<625x16xf32, #tpu.memory_space<vmem>>) target(%dma_start3A_39 : memref<625x16xf32, #tpu.memory_space<hbm>>) target_semaphore(%run_scoped3A : memref<!tpu.dma_semaphore, #tpu.memory_space<semaphore_mem>>)
      %dma_wait3A = arith.constant 0 : i32
      %dma_wait3A_40 = arith.constant 0 : i32
      %dma_wait3A_41 = tpu.memref_slice %arg3[%arg0, %arg1, %dma_wait3A, %dma_wait3A_40] : memref<2x16x625x16xf32, #tpu.memory_space<hbm>> -> memref<1x1x625x16xf32, #tpu.memory_space<hbm>>
      %dma_wait3A_42 = tpu.memref_squeeze %dma_wait3A_41 : memref<1x1x625x16xf32, #tpu.memory_space<hbm>> -> memref<625x16xf32, #tpu.memory_space<hbm>>
      %dma_wait3A_43 = arith.constant 0 : i32
      %dma_wait3A_44 = arith.constant 0 : i32
      %dma_wait3A_45 = tpu.memref_slice %arg3[%arg0, %arg1, %dma_wait3A_43, %dma_wait3A_44] : memref<2x16x625x16xf32, #tpu.memory_space<hbm>> -> memref<1x1x625x16xf32, #tpu.memory_space<hbm>>
      %dma_wait3A_46 = tpu.memref_squeeze %dma_wait3A_45 : memref<1x1x625x16xf32, #tpu.memory_space<hbm>> -> memref<625x16xf32, #tpu.memory_space<hbm>>
      tpu.wait_dma2 semaphore(%run_scoped3A : memref<!tpu.dma_semaphore, #tpu.memory_space<semaphore_mem>>) src(%arg6 : memref<625x16xf32, #tpu.memory_space<vmem>>) dst(%dma_wait3A_46 : memref<625x16xf32, #tpu.memory_space<hbm>>)
      tpu.yield
    }) : () -> ()
    return
  }
}

#map = affine_map<(d0, d1) -> (0, 0)>
#map1 = affine_map<(d0, d1) -> (0, 0, 0)>
#map2 = affine_map<(d0, d1) -> (0, 0, 0, 0)>
module attributes {stable_mosaic.version = 14 : i64} {
  func.func @body(%arg0: i32, %arg1: i32, %arg2: memref<10000x64xf32, #tpu.memory_space<hbm>>, %arg3: memref<32x125x80xi32, #tpu.memory_space<hbm>>, %arg4: memref<32x125x80xi32, #tpu.memory_space<hbm>>, %arg5: memref<2x16x625x64xf32, #tpu.memory_space<hbm>>, %arg6: memref<125x80xi32, #tpu.memory_space<vmem>>, %arg7: memref<125x80xi32, #tpu.memory_space<vmem>>, %arg8: memref<80x64xf32, #tpu.memory_space<vmem>>, %arg9: memref<80x64xf32, #tpu.memory_space<vmem>>, %arg10: memref<80x64xf32, #tpu.memory_space<vmem>>, %arg11: memref<80x64xf32, #tpu.memory_space<vmem>>, %arg12: memref<625x64xf32, #tpu.memory_space<vmem>>, %arg13: memref<10000x64xf32, #tpu.memory_space<vmem_shared>>, %arg14: memref<!tpu.dma_semaphore, #tpu.memory_space<semaphore_mem>>, %arg15: memref<!tpu.dma_semaphore, #tpu.memory_space<semaphore_mem>>, %arg16: memref<!tpu.dma_semaphore, #tpu.memory_space<semaphore_mem>>, %arg17: memref<!tpu.dma_semaphore, #tpu.memory_space<semaphore_mem>>) attributes {dimension_semantics = [#tpu.dimension_semantics<core_parallel>, #tpu.dimension_semantics<subcore_parallel>], iteration_bounds = array<i64: 2, 16>, scalar_prefetch = 0 : i64, scratch_operands = 12 : i64, tpu.core_type = #tpu.core_type<sc_vector_subcore>, window_params = [{transform_indices = #map}, {transform_indices = #map1}, {transform_indices = #map1}, {transform_indices = #map2}]} {
    %mul3A = arith.constant 16 : i32
    %mul3A_0 = arith.muli %arg0, %mul3A : i32
    %add3A = arith.addi %mul3A_0, %arg1 : i32
    %scan3A = arith.constant 0 : i32
    %scan3A_1 = arith.constant 0 : i32
    %scan3A_2 = arith.constant 625 : i32
    %scan3A_3 = arith.addi %scan3A_1, %scan3A_2 : i32
    %scan3A_4 = arith.constant 1 : i32
    %scan3A_5 = scf.for %scan3A_52 = %scan3A_1 to %scan3A_3 step %scan3A_4 iter_args(%scan3A_53 = %scan3A) -> (i32)  : i32 {
      %broadcast_in_dim3A = arith.constant 0.000000e+00 : f32
      %broadcast_in_dim3A_54 = vector.broadcast %broadcast_in_dim3A : f32 to vector<16xf32>
      %swap3A = arith.index_cast %scan3A_52 : i32 to index
      %swap3A_55 = arith.constant 0 : index
      %swap3A_56 = tpu.vector_load %arg12[%swap3A, %swap3A_55] {strides = array<i32>} : memref<625x64xf32, #tpu.memory_space<vmem>>, vector<1x16xf32>,
      %swap3A_57 = vector.shape_cast %swap3A_56 : vector<1x16xf32> to vector<16xf32>
      %swap3A_58 = vector.shape_cast %broadcast_in_dim3A_54 : vector<16xf32> to vector<1x16xf32>
      tpu.vector_store %arg12[%swap3A, %swap3A_55], %swap3A_58 {strides = array<i32>} : memref<625x64xf32, #tpu.memory_space<vmem>>, vector<1x16xf32>,
      %broadcast_in_dim3A_59 = arith.constant 0.000000e+00 : f32
      %broadcast_in_dim3A_60 = vector.broadcast %broadcast_in_dim3A_59 : f32 to vector<16xf32>
      %swap3A_61 = arith.index_cast %scan3A_52 : i32 to index
      %swap3A_62 = arith.constant 16 : index
      %swap3A_63 = tpu.vector_load %arg12[%swap3A_61, %swap3A_62] {strides = array<i32>} : memref<625x64xf32, #tpu.memory_space<vmem>>, vector<1x16xf32>,
      %swap3A_64 = vector.shape_cast %swap3A_63 : vector<1x16xf32> to vector<16xf32>
      %swap3A_65 = vector.shape_cast %broadcast_in_dim3A_60 : vector<16xf32> to vector<1x16xf32>
      tpu.vector_store %arg12[%swap3A_61, %swap3A_62], %swap3A_65 {strides = array<i32>} : memref<625x64xf32, #tpu.memory_space<vmem>>, vector<1x16xf32>,
      %broadcast_in_dim3A_66 = arith.constant 0.000000e+00 : f32
      %broadcast_in_dim3A_67 = vector.broadcast %broadcast_in_dim3A_66 : f32 to vector<16xf32>
      %swap3A_68 = arith.index_cast %scan3A_52 : i32 to index
      %swap3A_69 = arith.constant 32 : index
      %swap3A_70 = tpu.vector_load %arg12[%swap3A_68, %swap3A_69] {strides = array<i32>} : memref<625x64xf32, #tpu.memory_space<vmem>>, vector<1x16xf32>,
      %swap3A_71 = vector.shape_cast %swap3A_70 : vector<1x16xf32> to vector<16xf32>
      %swap3A_72 = vector.shape_cast %broadcast_in_dim3A_67 : vector<16xf32> to vector<1x16xf32>
      tpu.vector_store %arg12[%swap3A_68, %swap3A_69], %swap3A_72 {strides = array<i32>} : memref<625x64xf32, #tpu.memory_space<vmem>>, vector<1x16xf32>,
      %broadcast_in_dim3A_73 = arith.constant 0.000000e+00 : f32
      %broadcast_in_dim3A_74 = vector.broadcast %broadcast_in_dim3A_73 : f32 to vector<16xf32>
      %swap3A_75 = arith.index_cast %scan3A_52 : i32 to index
      %swap3A_76 = arith.constant 48 : index
      %swap3A_77 = tpu.vector_load %arg12[%swap3A_75, %swap3A_76] {strides = array<i32>} : memref<625x64xf32, #tpu.memory_space<vmem>>, vector<1x16xf32>,
      %swap3A_78 = vector.shape_cast %swap3A_77 : vector<1x16xf32> to vector<16xf32>
      %swap3A_79 = vector.shape_cast %broadcast_in_dim3A_74 : vector<16xf32> to vector<1x16xf32>
      tpu.vector_store %arg12[%swap3A_75, %swap3A_76], %swap3A_79 {strides = array<i32>} : memref<625x64xf32, #tpu.memory_space<vmem>>, vector<1x16xf32>,
      %scan3A_80 = arith.constant 0 : i32
      scf.yield %scan3A_80 : i32
    }
    %scan3A_6 = arith.constant 625 : i32
    %mul3A_7 = arith.constant 625 : i32
    %mul3A_8 = arith.muli %arg1, %mul3A_7 : i32
    "tpu.region"() ({
      %run_scoped3A_52 = tpu.sem_alloc : memref<!tpu.dma_semaphore, #tpu.memory_space<semaphore_mem>>
      %dma_start3A_53 = arith.constant 0 : i32
      %dma_start3A_54 = tpu.memref_slice %arg13[%mul3A_8, %dma_start3A_53] : memref<10000x64xf32, #tpu.memory_space<vmem_shared>> -> memref<625x64xf32, #tpu.memory_space<vmem_shared>>
      %dma_start3A_55 = arith.constant 0 : i32
      %dma_start3A_56 = tpu.memref_slice %arg13[%mul3A_8, %dma_start3A_55] : memref<10000x64xf32, #tpu.memory_space<vmem_shared>> -> memref<625x64xf32, #tpu.memory_space<vmem_shared>>
      tpu.enqueue_dma source(%arg12 : memref<625x64xf32, #tpu.memory_space<vmem>>) target(%dma_start3A_56 : memref<625x64xf32, #tpu.memory_space<vmem_shared>>) target_semaphore(%run_scoped3A_52 : memref<!tpu.dma_semaphore, #tpu.memory_space<semaphore_mem>>)
      %dma_wait3A_57 = arith.constant 0 : i32
      %dma_wait3A_58 = tpu.memref_slice %arg13[%mul3A_8, %dma_wait3A_57] : memref<10000x64xf32, #tpu.memory_space<vmem_shared>> -> memref<625x64xf32, #tpu.memory_space<vmem_shared>>
      %dma_wait3A_59 = arith.constant 0 : i32
      %dma_wait3A_60 = tpu.memref_slice %arg13[%mul3A_8, %dma_wait3A_59] : memref<10000x64xf32, #tpu.memory_space<vmem_shared>> -> memref<625x64xf32, #tpu.memory_space<vmem_shared>>
      tpu.wait_dma2 semaphore(%run_scoped3A_52 : memref<!tpu.dma_semaphore, #tpu.memory_space<semaphore_mem>>) src(%arg12 : memref<625x64xf32, #tpu.memory_space<vmem>>) dst(%dma_wait3A_60 : memref<625x64xf32, #tpu.memory_space<vmem_shared>>)
      tpu.yield
    }) : () -> ()
    %barrier3A = arith.constant 0 : index
    tpu.barrier barrier_id(%barrier3A)
    "tpu.region"() ({
      %run_scoped3A_52 = tpu.sem_alloc : memref<!tpu.dma_semaphore, #tpu.memory_space<semaphore_mem>>
      %dma_start3A_53 = arith.constant 0 : i32
      %dma_start3A_54 = arith.constant 0 : i32
      %dma_start3A_55 = tpu.memref_slice %arg3[%add3A, %dma_start3A_53, %dma_start3A_54] : memref<32x125x80xi32, #tpu.memory_space<hbm>> -> memref<1x125x80xi32, #tpu.memory_space<hbm>>
      %dma_start3A_56 = tpu.memref_squeeze %dma_start3A_55 : memref<1x125x80xi32, #tpu.memory_space<hbm>> -> memref<125x80xi32, #tpu.memory_space<hbm>>
      %dma_start3A_57 = arith.constant 0 : i32
      %dma_start3A_58 = arith.constant 0 : i32
      %dma_start3A_59 = tpu.memref_slice %arg3[%add3A, %dma_start3A_57, %dma_start3A_58] : memref<32x125x80xi32, #tpu.memory_space<hbm>> -> memref<1x125x80xi32, #tpu.memory_space<hbm>>
      %dma_start3A_60 = tpu.memref_squeeze %dma_start3A_59 : memref<1x125x80xi32, #tpu.memory_space<hbm>> -> memref<125x80xi32, #tpu.memory_space<hbm>>
      tpu.enqueue_dma source(%dma_start3A_60 : memref<125x80xi32, #tpu.memory_space<hbm>>) target(%arg6 : memref<125x80xi32, #tpu.memory_space<vmem>>) target_semaphore(%run_scoped3A_52 : memref<!tpu.dma_semaphore, #tpu.memory_space<semaphore_mem>>)
      %dma_wait3A_61 = arith.constant 0 : i32
      %dma_wait3A_62 = arith.constant 0 : i32
      %dma_wait3A_63 = tpu.memref_slice %arg3[%add3A, %dma_wait3A_61, %dma_wait3A_62] : memref<32x125x80xi32, #tpu.memory_space<hbm>> -> memref<1x125x80xi32, #tpu.memory_space<hbm>>
      %dma_wait3A_64 = tpu.memref_squeeze %dma_wait3A_63 : memref<1x125x80xi32, #tpu.memory_space<hbm>> -> memref<125x80xi32, #tpu.memory_space<hbm>>
      %dma_wait3A_65 = arith.constant 0 : i32
      %dma_wait3A_66 = arith.constant 0 : i32
      %dma_wait3A_67 = tpu.memref_slice %arg3[%add3A, %dma_wait3A_65, %dma_wait3A_66] : memref<32x125x80xi32, #tpu.memory_space<hbm>> -> memref<1x125x80xi32, #tpu.memory_space<hbm>>
      %dma_wait3A_68 = tpu.memref_squeeze %dma_wait3A_67 : memref<1x125x80xi32, #tpu.memory_space<hbm>> -> memref<125x80xi32, #tpu.memory_space<hbm>>
      tpu.wait_dma2 semaphore(%run_scoped3A_52 : memref<!tpu.dma_semaphore, #tpu.memory_space<semaphore_mem>>) src(%dma_wait3A_68 : memref<125x80xi32, #tpu.memory_space<hbm>>) dst(%arg6 : memref<125x80xi32, #tpu.memory_space<vmem>>)
      tpu.yield
    }) : () -> ()
    "tpu.region"() ({
      %run_scoped3A_52 = tpu.sem_alloc : memref<!tpu.dma_semaphore, #tpu.memory_space<semaphore_mem>>
      %dma_start3A_53 = arith.constant 0 : i32
      %dma_start3A_54 = arith.constant 0 : i32
      %dma_start3A_55 = tpu.memref_slice %arg4[%add3A, %dma_start3A_53, %dma_start3A_54] : memref<32x125x80xi32, #tpu.memory_space<hbm>> -> memref<1x125x80xi32, #tpu.memory_space<hbm>>
      %dma_start3A_56 = tpu.memref_squeeze %dma_start3A_55 : memref<1x125x80xi32, #tpu.memory_space<hbm>> -> memref<125x80xi32, #tpu.memory_space<hbm>>
      %dma_start3A_57 = arith.constant 0 : i32
      %dma_start3A_58 = arith.constant 0 : i32
      %dma_start3A_59 = tpu.memref_slice %arg4[%add3A, %dma_start3A_57, %dma_start3A_58] : memref<32x125x80xi32, #tpu.memory_space<hbm>> -> memref<1x125x80xi32, #tpu.memory_space<hbm>>
      %dma_start3A_60 = tpu.memref_squeeze %dma_start3A_59 : memref<1x125x80xi32, #tpu.memory_space<hbm>> -> memref<125x80xi32, #tpu.memory_space<hbm>>
      tpu.enqueue_dma source(%dma_start3A_60 : memref<125x80xi32, #tpu.memory_space<hbm>>) target(%arg7 : memref<125x80xi32, #tpu.memory_space<vmem>>) target_semaphore(%run_scoped3A_52 : memref<!tpu.dma_semaphore, #tpu.memory_space<semaphore_mem>>)
      %dma_wait3A_61 = arith.constant 0 : i32
      %dma_wait3A_62 = arith.constant 0 : i32
      %dma_wait3A_63 = tpu.memref_slice %arg4[%add3A, %dma_wait3A_61, %dma_wait3A_62] : memref<32x125x80xi32, #tpu.memory_space<hbm>> -> memref<1x125x80xi32, #tpu.memory_space<hbm>>
      %dma_wait3A_64 = tpu.memref_squeeze %dma_wait3A_63 : memref<1x125x80xi32, #tpu.memory_space<hbm>> -> memref<125x80xi32, #tpu.memory_space<hbm>>
      %dma_wait3A_65 = arith.constant 0 : i32
      %dma_wait3A_66 = arith.constant 0 : i32
      %dma_wait3A_67 = tpu.memref_slice %arg4[%add3A, %dma_wait3A_65, %dma_wait3A_66] : memref<32x125x80xi32, #tpu.memory_space<hbm>> -> memref<1x125x80xi32, #tpu.memory_space<hbm>>
      %dma_wait3A_68 = tpu.memref_squeeze %dma_wait3A_67 : memref<1x125x80xi32, #tpu.memory_space<hbm>> -> memref<125x80xi32, #tpu.memory_space<hbm>>
      tpu.wait_dma2 semaphore(%run_scoped3A_52 : memref<!tpu.dma_semaphore, #tpu.memory_space<semaphore_mem>>) src(%dma_wait3A_68 : memref<125x80xi32, #tpu.memory_space<hbm>>) dst(%arg7 : memref<125x80xi32, #tpu.memory_space<vmem>>)
      tpu.yield
    }) : () -> ()
    %dma_start3A = arith.constant 0 : i32
    %dma_start3A_9 = arith.constant 0 : i32
    %dma_start3A_10 = tpu.memref_slice %arg6[%dma_start3A, %dma_start3A_9] : memref<125x80xi32, #tpu.memory_space<vmem>> -> memref<1x80xi32, #tpu.memory_space<vmem>>
    %dma_start3A_11 = tpu.memref_squeeze %dma_start3A_10 : memref<1x80xi32, #tpu.memory_space<vmem>> -> memref<80xi32, #tpu.memory_space<vmem>>
    %dma_start3A_12 = arith.constant 0 : i32
    %dma_start3A_13 = arith.constant 0 : i32
    %dma_start3A_14 = tpu.memref_slice %arg2[%dma_start3A_12, %dma_start3A_13] : memref<10000x64xf32, #tpu.memory_space<hbm>> -> memref<10000x64xf32, #tpu.memory_space<hbm>>
    tpu.enqueue_indirect_dma source(%dma_start3A_14 : memref<10000x64xf32, #tpu.memory_space<hbm>>) target(%arg8 : memref<80x64xf32, #tpu.memory_space<vmem>>) offsets(%dma_start3A_11 : memref<80xi32, #tpu.memory_space<vmem>>) semaphore(%arg14 : memref<!tpu.dma_semaphore, #tpu.memory_space<semaphore_mem>>)
    %dma_start3A_15 = arith.constant 1 : i32
    %dma_start3A_16 = arith.constant 0 : i32
    %dma_start3A_17 = tpu.memref_slice %arg6[%dma_start3A_15, %dma_start3A_16] : memref<125x80xi32, #tpu.memory_space<vmem>> -> memref<1x80xi32, #tpu.memory_space<vmem>>
    %dma_start3A_18 = tpu.memref_squeeze %dma_start3A_17 : memref<1x80xi32, #tpu.memory_space<vmem>> -> memref<80xi32, #tpu.memory_space<vmem>>
    %dma_start3A_19 = arith.constant 0 : i32
    %dma_start3A_20 = arith.constant 0 : i32
    %dma_start3A_21 = tpu.memref_slice %arg2[%dma_start3A_19, %dma_start3A_20] : memref<10000x64xf32, #tpu.memory_space<hbm>> -> memref<10000x64xf32, #tpu.memory_space<hbm>>
    tpu.enqueue_indirect_dma source(%dma_start3A_21 : memref<10000x64xf32, #tpu.memory_space<hbm>>) target(%arg9 : memref<80x64xf32, #tpu.memory_space<vmem>>) offsets(%dma_start3A_18 : memref<80xi32, #tpu.memory_space<vmem>>) semaphore(%arg15 : memref<!tpu.dma_semaphore, #tpu.memory_space<semaphore_mem>>)
    %dma_start3A_22 = arith.constant 2 : i32
    %dma_start3A_23 = arith.constant 0 : i32
    %dma_start3A_24 = tpu.memref_slice %arg6[%dma_start3A_22, %dma_start3A_23] : memref<125x80xi32, #tpu.memory_space<vmem>> -> memref<1x80xi32, #tpu.memory_space<vmem>>
    %dma_start3A_25 = tpu.memref_squeeze %dma_start3A_24 : memref<1x80xi32, #tpu.memory_space<vmem>> -> memref<80xi32, #tpu.memory_space<vmem>>
    %dma_start3A_26 = arith.constant 0 : i32
    %dma_start3A_27 = arith.constant 0 : i32
    %dma_start3A_28 = tpu.memref_slice %arg2[%dma_start3A_26, %dma_start3A_27] : memref<10000x64xf32, #tpu.memory_space<hbm>> -> memref<10000x64xf32, #tpu.memory_space<hbm>>
    tpu.enqueue_indirect_dma source(%dma_start3A_28 : memref<10000x64xf32, #tpu.memory_space<hbm>>) target(%arg10 : memref<80x64xf32, #tpu.memory_space<vmem>>) offsets(%dma_start3A_25 : memref<80xi32, #tpu.memory_space<vmem>>) semaphore(%arg16 : memref<!tpu.dma_semaphore, #tpu.memory_space<semaphore_mem>>)
    %dma_start3A_29 = arith.constant 3 : i32
    %dma_start3A_30 = arith.constant 0 : i32
    %dma_start3A_31 = tpu.memref_slice %arg6[%dma_start3A_29, %dma_start3A_30] : memref<125x80xi32, #tpu.memory_space<vmem>> -> memref<1x80xi32, #tpu.memory_space<vmem>>
    %dma_start3A_32 = tpu.memref_squeeze %dma_start3A_31 : memref<1x80xi32, #tpu.memory_space<vmem>> -> memref<80xi32, #tpu.memory_space<vmem>>
    %dma_start3A_33 = arith.constant 0 : i32
    %dma_start3A_34 = arith.constant 0 : i32
    %dma_start3A_35 = tpu.memref_slice %arg2[%dma_start3A_33, %dma_start3A_34] : memref<10000x64xf32, #tpu.memory_space<hbm>> -> memref<10000x64xf32, #tpu.memory_space<hbm>>
    tpu.enqueue_indirect_dma source(%dma_start3A_35 : memref<10000x64xf32, #tpu.memory_space<hbm>>) target(%arg11 : memref<80x64xf32, #tpu.memory_space<vmem>>) offsets(%dma_start3A_32 : memref<80xi32, #tpu.memory_space<vmem>>) semaphore(%arg17 : memref<!tpu.dma_semaphore, #tpu.memory_space<semaphore_mem>>)
    %scan3A_36 = arith.constant 0 : i32
    %scan3A_37 = arith.constant 0 : i32
    %scan3A_38 = arith.constant 31 : i32
    %scan3A_39 = arith.addi %scan3A_37, %scan3A_38 : i32
    %scan3A_40 = arith.constant 1 : i32
    %scan3A_41 = scf.for %scan3A_52 = %scan3A_37 to %scan3A_39 step %scan3A_40 iter_args(%scan3A_53 = %scan3A_36) -> (i32)  : i32 {
      %mul3A_54 = arith.constant 4 : i32
      %mul3A_55 = arith.muli %mul3A_54, %scan3A_52 : i32
      %add3A_56 = arith.constant 0 : i32
      %add3A_57 = arith.addi %mul3A_55, %add3A_56 : i32
      %dma_wait3A_58 = arith.constant 0 : i32
      %dma_wait3A_59 = tpu.memref_slice %arg6[%add3A_57, %dma_wait3A_58] : memref<125x80xi32, #tpu.memory_space<vmem>> -> memref<1x80xi32, #tpu.memory_space<vmem>>
      %dma_wait3A_60 = tpu.memref_squeeze %dma_wait3A_59 : memref<1x80xi32, #tpu.memory_space<vmem>> -> memref<80xi32, #tpu.memory_space<vmem>>
      %dma_wait3A_61 = arith.constant 0 : i32
      %dma_wait3A_62 = arith.constant 0 : i32
      %dma_wait3A_63 = tpu.memref_slice %arg2[%dma_wait3A_61, %dma_wait3A_62] : memref<10000x64xf32, #tpu.memory_space<hbm>> -> memref<10000x64xf32, #tpu.memory_space<hbm>>
      tpu.wait_indirect_dma semaphore(%arg14 : memref<!tpu.dma_semaphore, #tpu.memory_space<semaphore_mem>>) src(%dma_wait3A_63 : memref<10000x64xf32, #tpu.memory_space<hbm>>) dst(%arg8 : memref<80x64xf32, #tpu.memory_space<vmem>>)
      "tpu.region"() ({
        %run_scoped3A_120 = tpu.sem_alloc : memref<!tpu.dma_semaphore, #tpu.memory_space<semaphore_mem>>
        %dma_start3A_121 = arith.constant 0 : i32
        %dma_start3A_122 = tpu.memref_slice %arg7[%add3A_57, %dma_start3A_121] : memref<125x80xi32, #tpu.memory_space<vmem>> -> memref<1x80xi32, #tpu.memory_space<vmem>>
        %dma_start3A_123 = tpu.memref_squeeze %dma_start3A_122 : memref<1x80xi32, #tpu.memory_space<vmem>> -> memref<80xi32, #tpu.memory_space<vmem>>
        %dma_start3A_124 = arith.constant 0 : i32
        %dma_start3A_125 = arith.constant 0 : i32
        %dma_start3A_126 = tpu.memref_slice %arg13[%dma_start3A_124, %dma_start3A_125] : memref<10000x64xf32, #tpu.memory_space<vmem_shared>> -> memref<10000x64xf32, #tpu.memory_space<vmem_shared>>
        tpu.enqueue_indirect_dma source(%arg8 : memref<80x64xf32, #tpu.memory_space<vmem>>) target(%dma_start3A_126 : memref<10000x64xf32, #tpu.memory_space<vmem_shared>>) offsets(%dma_start3A_123 : memref<80xi32, #tpu.memory_space<vmem>>) semaphore(%run_scoped3A_120 : memref<!tpu.dma_semaphore, #tpu.memory_space<semaphore_mem>>) {add = true}
        %dma_wait3A_127 = arith.constant 0 : i32
        %dma_wait3A_128 = tpu.memref_slice %arg7[%add3A_57, %dma_wait3A_127] : memref<125x80xi32, #tpu.memory_space<vmem>> -> memref<1x80xi32, #tpu.memory_space<vmem>>
        %dma_wait3A_129 = tpu.memref_squeeze %dma_wait3A_128 : memref<1x80xi32, #tpu.memory_space<vmem>> -> memref<80xi32, #tpu.memory_space<vmem>>
        %dma_wait3A_130 = arith.constant 0 : i32
        %dma_wait3A_131 = arith.constant 0 : i32
        %dma_wait3A_132 = tpu.memref_slice %arg13[%dma_wait3A_130, %dma_wait3A_131] : memref<10000x64xf32, #tpu.memory_space<vmem_shared>> -> memref<10000x64xf32, #tpu.memory_space<vmem_shared>>
        tpu.wait_indirect_dma semaphore(%run_scoped3A_120 : memref<!tpu.dma_semaphore, #tpu.memory_space<semaphore_mem>>) src(%arg8 : memref<80x64xf32, #tpu.memory_space<vmem>>) dst(%dma_wait3A_132 : memref<10000x64xf32, #tpu.memory_space<vmem_shared>>)
        tpu.yield
      }) : () -> ()
      %add3A_64 = arith.constant 4 : i32
      %add3A_65 = arith.addi %add3A_57, %add3A_64 : i32
      %lt3A = arith.constant 125 : i32
      %lt3A_66 = arith.cmpi slt, %add3A_65, %lt3A : i32
      %convert_element_type3A = arith.extui %lt3A_66 : i1 to i32
      %cond3A = arith.constant 0 : i32
      %cond3A_67 = arith.cmpi ne, %convert_element_type3A, %cond3A : i32
      scf.if %cond3A_67 {
        %add3A_120 = arith.constant 4 : i32
        %add3A_121 = arith.addi %add3A_57, %add3A_120 : i32
        %dma_start3A_122 = arith.constant 0 : i32
        %dma_start3A_123 = tpu.memref_slice %arg6[%add3A_121, %dma_start3A_122] : memref<125x80xi32, #tpu.memory_space<vmem>> -> memref<1x80xi32, #tpu.memory_space<vmem>>
        %dma_start3A_124 = tpu.memref_squeeze %dma_start3A_123 : memref<1x80xi32, #tpu.memory_space<vmem>> -> memref<80xi32, #tpu.memory_space<vmem>>
        %dma_start3A_125 = arith.constant 0 : i32
        %dma_start3A_126 = arith.constant 0 : i32
        %dma_start3A_127 = tpu.memref_slice %arg2[%dma_start3A_125, %dma_start3A_126] : memref<10000x64xf32, #tpu.memory_space<hbm>> -> memref<10000x64xf32, #tpu.memory_space<hbm>>
        tpu.enqueue_indirect_dma source(%dma_start3A_127 : memref<10000x64xf32, #tpu.memory_space<hbm>>) target(%arg8 : memref<80x64xf32, #tpu.memory_space<vmem>>) offsets(%dma_start3A_124 : memref<80xi32, #tpu.memory_space<vmem>>) semaphore(%arg14 : memref<!tpu.dma_semaphore, #tpu.memory_space<semaphore_mem>>)
      } else {
      }
      %mul3A_68 = arith.constant 4 : i32
      %mul3A_69 = arith.muli %mul3A_68, %scan3A_52 : i32
      %add3A_70 = arith.constant 1 : i32
      %add3A_71 = arith.addi %mul3A_69, %add3A_70 : i32
      %dma_wait3A_72 = arith.constant 0 : i32
      %dma_wait3A_73 = tpu.memref_slice %arg6[%add3A_71, %dma_wait3A_72] : memref<125x80xi32, #tpu.memory_space<vmem>> -> memref<1x80xi32, #tpu.memory_space<vmem>>
      %dma_wait3A_74 = tpu.memref_squeeze %dma_wait3A_73 : memref<1x80xi32, #tpu.memory_space<vmem>> -> memref<80xi32, #tpu.memory_space<vmem>>
      %dma_wait3A_75 = arith.constant 0 : i32
      %dma_wait3A_76 = arith.constant 0 : i32
      %dma_wait3A_77 = tpu.memref_slice %arg2[%dma_wait3A_75, %dma_wait3A_76] : memref<10000x64xf32, #tpu.memory_space<hbm>> -> memref<10000x64xf32, #tpu.memory_space<hbm>>
      tpu.wait_indirect_dma semaphore(%arg15 : memref<!tpu.dma_semaphore, #tpu.memory_space<semaphore_mem>>) src(%dma_wait3A_77 : memref<10000x64xf32, #tpu.memory_space<hbm>>) dst(%arg9 : memref<80x64xf32, #tpu.memory_space<vmem>>)
      "tpu.region"() ({
        %run_scoped3A_120 = tpu.sem_alloc : memref<!tpu.dma_semaphore, #tpu.memory_space<semaphore_mem>>
        %dma_start3A_121 = arith.constant 0 : i32
        %dma_start3A_122 = tpu.memref_slice %arg7[%add3A_71, %dma_start3A_121] : memref<125x80xi32, #tpu.memory_space<vmem>> -> memref<1x80xi32, #tpu.memory_space<vmem>>
        %dma_start3A_123 = tpu.memref_squeeze %dma_start3A_122 : memref<1x80xi32, #tpu.memory_space<vmem>> -> memref<80xi32, #tpu.memory_space<vmem>>
        %dma_start3A_124 = arith.constant 0 : i32
        %dma_start3A_125 = arith.constant 0 : i32
        %dma_start3A_126 = tpu.memref_slice %arg13[%dma_start3A_124, %dma_start3A_125] : memref<10000x64xf32, #tpu.memory_space<vmem_shared>> -> memref<10000x64xf32, #tpu.memory_space<vmem_shared>>
        tpu.enqueue_indirect_dma source(%arg9 : memref<80x64xf32, #tpu.memory_space<vmem>>) target(%dma_start3A_126 : memref<10000x64xf32, #tpu.memory_space<vmem_shared>>) offsets(%dma_start3A_123 : memref<80xi32, #tpu.memory_space<vmem>>) semaphore(%run_scoped3A_120 : memref<!tpu.dma_semaphore, #tpu.memory_space<semaphore_mem>>) {add = true}
        %dma_wait3A_127 = arith.constant 0 : i32
        %dma_wait3A_128 = tpu.memref_slice %arg7[%add3A_71, %dma_wait3A_127] : memref<125x80xi32, #tpu.memory_space<vmem>> -> memref<1x80xi32, #tpu.memory_space<vmem>>
        %dma_wait3A_129 = tpu.memref_squeeze %dma_wait3A_128 : memref<1x80xi32, #tpu.memory_space<vmem>> -> memref<80xi32, #tpu.memory_space<vmem>>
        %dma_wait3A_130 = arith.constant 0 : i32
        %dma_wait3A_131 = arith.constant 0 : i32
        %dma_wait3A_132 = tpu.memref_slice %arg13[%dma_wait3A_130, %dma_wait3A_131] : memref<10000x64xf32, #tpu.memory_space<vmem_shared>> -> memref<10000x64xf32, #tpu.memory_space<vmem_shared>>
        tpu.wait_indirect_dma semaphore(%run_scoped3A_120 : memref<!tpu.dma_semaphore, #tpu.memory_space<semaphore_mem>>) src(%arg9 : memref<80x64xf32, #tpu.memory_space<vmem>>) dst(%dma_wait3A_132 : memref<10000x64xf32, #tpu.memory_space<vmem_shared>>)
        tpu.yield
      }) : () -> ()
      %add3A_78 = arith.constant 4 : i32
      %add3A_79 = arith.addi %add3A_71, %add3A_78 : i32
      %lt3A_80 = arith.constant 125 : i32
      %lt3A_81 = arith.cmpi slt, %add3A_79, %lt3A_80 : i32
      %convert_element_type3A_82 = arith.extui %lt3A_81 : i1 to i32
      %cond3A_83 = arith.constant 0 : i32
      %cond3A_84 = arith.cmpi ne, %convert_element_type3A_82, %cond3A_83 : i32
      scf.if %cond3A_84 {
        %add3A_120 = arith.constant 4 : i32
        %add3A_121 = arith.addi %add3A_71, %add3A_120 : i32
        %dma_start3A_122 = arith.constant 0 : i32
        %dma_start3A_123 = tpu.memref_slice %arg6[%add3A_121, %dma_start3A_122] : memref<125x80xi32, #tpu.memory_space<vmem>> -> memref<1x80xi32, #tpu.memory_space<vmem>>
        %dma_start3A_124 = tpu.memref_squeeze %dma_start3A_123 : memref<1x80xi32, #tpu.memory_space<vmem>> -> memref<80xi32, #tpu.memory_space<vmem>>
        %dma_start3A_125 = arith.constant 0 : i32
        %dma_start3A_126 = arith.constant 0 : i32
        %dma_start3A_127 = tpu.memref_slice %arg2[%dma_start3A_125, %dma_start3A_126] : memref<10000x64xf32, #tpu.memory_space<hbm>> -> memref<10000x64xf32, #tpu.memory_space<hbm>>
        tpu.enqueue_indirect_dma source(%dma_start3A_127 : memref<10000x64xf32, #tpu.memory_space<hbm>>) target(%arg9 : memref<80x64xf32, #tpu.memory_space<vmem>>) offsets(%dma_start3A_124 : memref<80xi32, #tpu.memory_space<vmem>>) semaphore(%arg15 : memref<!tpu.dma_semaphore, #tpu.memory_space<semaphore_mem>>)
      } else {
      }
      %mul3A_85 = arith.constant 4 : i32
      %mul3A_86 = arith.muli %mul3A_85, %scan3A_52 : i32
      %add3A_87 = arith.constant 2 : i32
      %add3A_88 = arith.addi %mul3A_86, %add3A_87 : i32
      %dma_wait3A_89 = arith.constant 0 : i32
      %dma_wait3A_90 = tpu.memref_slice %arg6[%add3A_88, %dma_wait3A_89] : memref<125x80xi32, #tpu.memory_space<vmem>> -> memref<1x80xi32, #tpu.memory_space<vmem>>
      %dma_wait3A_91 = tpu.memref_squeeze %dma_wait3A_90 : memref<1x80xi32, #tpu.memory_space<vmem>> -> memref<80xi32, #tpu.memory_space<vmem>>
      %dma_wait3A_92 = arith.constant 0 : i32
      %dma_wait3A_93 = arith.constant 0 : i32
      %dma_wait3A_94 = tpu.memref_slice %arg2[%dma_wait3A_92, %dma_wait3A_93] : memref<10000x64xf32, #tpu.memory_space<hbm>> -> memref<10000x64xf32, #tpu.memory_space<hbm>>
      tpu.wait_indirect_dma semaphore(%arg16 : memref<!tpu.dma_semaphore, #tpu.memory_space<semaphore_mem>>) src(%dma_wait3A_94 : memref<10000x64xf32, #tpu.memory_space<hbm>>) dst(%arg10 : memref<80x64xf32, #tpu.memory_space<vmem>>)
      "tpu.region"() ({
        %run_scoped3A_120 = tpu.sem_alloc : memref<!tpu.dma_semaphore, #tpu.memory_space<semaphore_mem>>
        %dma_start3A_121 = arith.constant 0 : i32
        %dma_start3A_122 = tpu.memref_slice %arg7[%add3A_88, %dma_start3A_121] : memref<125x80xi32, #tpu.memory_space<vmem>> -> memref<1x80xi32, #tpu.memory_space<vmem>>
        %dma_start3A_123 = tpu.memref_squeeze %dma_start3A_122 : memref<1x80xi32, #tpu.memory_space<vmem>> -> memref<80xi32, #tpu.memory_space<vmem>>
        %dma_start3A_124 = arith.constant 0 : i32
        %dma_start3A_125 = arith.constant 0 : i32
        %dma_start3A_126 = tpu.memref_slice %arg13[%dma_start3A_124, %dma_start3A_125] : memref<10000x64xf32, #tpu.memory_space<vmem_shared>> -> memref<10000x64xf32, #tpu.memory_space<vmem_shared>>
        tpu.enqueue_indirect_dma source(%arg10 : memref<80x64xf32, #tpu.memory_space<vmem>>) target(%dma_start3A_126 : memref<10000x64xf32, #tpu.memory_space<vmem_shared>>) offsets(%dma_start3A_123 : memref<80xi32, #tpu.memory_space<vmem>>) semaphore(%run_scoped3A_120 : memref<!tpu.dma_semaphore, #tpu.memory_space<semaphore_mem>>) {add = true}
        %dma_wait3A_127 = arith.constant 0 : i32
        %dma_wait3A_128 = tpu.memref_slice %arg7[%add3A_88, %dma_wait3A_127] : memref<125x80xi32, #tpu.memory_space<vmem>> -> memref<1x80xi32, #tpu.memory_space<vmem>>
        %dma_wait3A_129 = tpu.memref_squeeze %dma_wait3A_128 : memref<1x80xi32, #tpu.memory_space<vmem>> -> memref<80xi32, #tpu.memory_space<vmem>>
        %dma_wait3A_130 = arith.constant 0 : i32
        %dma_wait3A_131 = arith.constant 0 : i32
        %dma_wait3A_132 = tpu.memref_slice %arg13[%dma_wait3A_130, %dma_wait3A_131] : memref<10000x64xf32, #tpu.memory_space<vmem_shared>> -> memref<10000x64xf32, #tpu.memory_space<vmem_shared>>
        tpu.wait_indirect_dma semaphore(%run_scoped3A_120 : memref<!tpu.dma_semaphore, #tpu.memory_space<semaphore_mem>>) src(%arg10 : memref<80x64xf32, #tpu.memory_space<vmem>>) dst(%dma_wait3A_132 : memref<10000x64xf32, #tpu.memory_space<vmem_shared>>)
        tpu.yield
      }) : () -> ()
      %add3A_95 = arith.constant 4 : i32
      %add3A_96 = arith.addi %add3A_88, %add3A_95 : i32
      %lt3A_97 = arith.constant 125 : i32
      %lt3A_98 = arith.cmpi slt, %add3A_96, %lt3A_97 : i32
      %convert_element_type3A_99 = arith.extui %lt3A_98 : i1 to i32
      %cond3A_100 = arith.constant 0 : i32
      %cond3A_101 = arith.cmpi ne, %convert_element_type3A_99, %cond3A_100 : i32
      scf.if %cond3A_101 {
        %add3A_120 = arith.constant 4 : i32
        %add3A_121 = arith.addi %add3A_88, %add3A_120 : i32
        %dma_start3A_122 = arith.constant 0 : i32
        %dma_start3A_123 = tpu.memref_slice %arg6[%add3A_121, %dma_start3A_122] : memref<125x80xi32, #tpu.memory_space<vmem>> -> memref<1x80xi32, #tpu.memory_space<vmem>>
        %dma_start3A_124 = tpu.memref_squeeze %dma_start3A_123 : memref<1x80xi32, #tpu.memory_space<vmem>> -> memref<80xi32, #tpu.memory_space<vmem>>
        %dma_start3A_125 = arith.constant 0 : i32
        %dma_start3A_126 = arith.constant 0 : i32
        %dma_start3A_127 = tpu.memref_slice %arg2[%dma_start3A_125, %dma_start3A_126] : memref<10000x64xf32, #tpu.memory_space<hbm>> -> memref<10000x64xf32, #tpu.memory_space<hbm>>
        tpu.enqueue_indirect_dma source(%dma_start3A_127 : memref<10000x64xf32, #tpu.memory_space<hbm>>) target(%arg10 : memref<80x64xf32, #tpu.memory_space<vmem>>) offsets(%dma_start3A_124 : memref<80xi32, #tpu.memory_space<vmem>>) semaphore(%arg16 : memref<!tpu.dma_semaphore, #tpu.memory_space<semaphore_mem>>)
      } else {
      }
      %mul3A_102 = arith.constant 4 : i32
      %mul3A_103 = arith.muli %mul3A_102, %scan3A_52 : i32
      %add3A_104 = arith.constant 3 : i32
      %add3A_105 = arith.addi %mul3A_103, %add3A_104 : i32
      %dma_wait3A_106 = arith.constant 0 : i32
      %dma_wait3A_107 = tpu.memref_slice %arg6[%add3A_105, %dma_wait3A_106] : memref<125x80xi32, #tpu.memory_space<vmem>> -> memref<1x80xi32, #tpu.memory_space<vmem>>
      %dma_wait3A_108 = tpu.memref_squeeze %dma_wait3A_107 : memref<1x80xi32, #tpu.memory_space<vmem>> -> memref<80xi32, #tpu.memory_space<vmem>>
      %dma_wait3A_109 = arith.constant 0 : i32
      %dma_wait3A_110 = arith.constant 0 : i32
      %dma_wait3A_111 = tpu.memref_slice %arg2[%dma_wait3A_109, %dma_wait3A_110] : memref<10000x64xf32, #tpu.memory_space<hbm>> -> memref<10000x64xf32, #tpu.memory_space<hbm>>
      tpu.wait_indirect_dma semaphore(%arg17 : memref<!tpu.dma_semaphore, #tpu.memory_space<semaphore_mem>>) src(%dma_wait3A_111 : memref<10000x64xf32, #tpu.memory_space<hbm>>) dst(%arg11 : memref<80x64xf32, #tpu.memory_space<vmem>>)
      "tpu.region"() ({
        %run_scoped3A_120 = tpu.sem_alloc : memref<!tpu.dma_semaphore, #tpu.memory_space<semaphore_mem>>
        %dma_start3A_121 = arith.constant 0 : i32
        %dma_start3A_122 = tpu.memref_slice %arg7[%add3A_105, %dma_start3A_121] : memref<125x80xi32, #tpu.memory_space<vmem>> -> memref<1x80xi32, #tpu.memory_space<vmem>>
        %dma_start3A_123 = tpu.memref_squeeze %dma_start3A_122 : memref<1x80xi32, #tpu.memory_space<vmem>> -> memref<80xi32, #tpu.memory_space<vmem>>
        %dma_start3A_124 = arith.constant 0 : i32
        %dma_start3A_125 = arith.constant 0 : i32
        %dma_start3A_126 = tpu.memref_slice %arg13[%dma_start3A_124, %dma_start3A_125] : memref<10000x64xf32, #tpu.memory_space<vmem_shared>> -> memref<10000x64xf32, #tpu.memory_space<vmem_shared>>
        tpu.enqueue_indirect_dma source(%arg11 : memref<80x64xf32, #tpu.memory_space<vmem>>) target(%dma_start3A_126 : memref<10000x64xf32, #tpu.memory_space<vmem_shared>>) offsets(%dma_start3A_123 : memref<80xi32, #tpu.memory_space<vmem>>) semaphore(%run_scoped3A_120 : memref<!tpu.dma_semaphore, #tpu.memory_space<semaphore_mem>>) {add = true}
        %dma_wait3A_127 = arith.constant 0 : i32
        %dma_wait3A_128 = tpu.memref_slice %arg7[%add3A_105, %dma_wait3A_127] : memref<125x80xi32, #tpu.memory_space<vmem>> -> memref<1x80xi32, #tpu.memory_space<vmem>>
        %dma_wait3A_129 = tpu.memref_squeeze %dma_wait3A_128 : memref<1x80xi32, #tpu.memory_space<vmem>> -> memref<80xi32, #tpu.memory_space<vmem>>
        %dma_wait3A_130 = arith.constant 0 : i32
        %dma_wait3A_131 = arith.constant 0 : i32
        %dma_wait3A_132 = tpu.memref_slice %arg13[%dma_wait3A_130, %dma_wait3A_131] : memref<10000x64xf32, #tpu.memory_space<vmem_shared>> -> memref<10000x64xf32, #tpu.memory_space<vmem_shared>>
        tpu.wait_indirect_dma semaphore(%run_scoped3A_120 : memref<!tpu.dma_semaphore, #tpu.memory_space<semaphore_mem>>) src(%arg11 : memref<80x64xf32, #tpu.memory_space<vmem>>) dst(%dma_wait3A_132 : memref<10000x64xf32, #tpu.memory_space<vmem_shared>>)
        tpu.yield
      }) : () -> ()
      %add3A_112 = arith.constant 4 : i32
      %add3A_113 = arith.addi %add3A_105, %add3A_112 : i32
      %lt3A_114 = arith.constant 125 : i32
      %lt3A_115 = arith.cmpi slt, %add3A_113, %lt3A_114 : i32
      %convert_element_type3A_116 = arith.extui %lt3A_115 : i1 to i32
      %cond3A_117 = arith.constant 0 : i32
      %cond3A_118 = arith.cmpi ne, %convert_element_type3A_116, %cond3A_117 : i32
      scf.if %cond3A_118 {
        %add3A_120 = arith.constant 4 : i32
        %add3A_121 = arith.addi %add3A_105, %add3A_120 : i32
        %dma_start3A_122 = arith.constant 0 : i32
        %dma_start3A_123 = tpu.memref_slice %arg6[%add3A_121, %dma_start3A_122] : memref<125x80xi32, #tpu.memory_space<vmem>> -> memref<1x80xi32, #tpu.memory_space<vmem>>
        %dma_start3A_124 = tpu.memref_squeeze %dma_start3A_123 : memref<1x80xi32, #tpu.memory_space<vmem>> -> memref<80xi32, #tpu.memory_space<vmem>>
        %dma_start3A_125 = arith.constant 0 : i32
        %dma_start3A_126 = arith.constant 0 : i32
        %dma_start3A_127 = tpu.memref_slice %arg2[%dma_start3A_125, %dma_start3A_126] : memref<10000x64xf32, #tpu.memory_space<hbm>> -> memref<10000x64xf32, #tpu.memory_space<hbm>>
        tpu.enqueue_indirect_dma source(%dma_start3A_127 : memref<10000x64xf32, #tpu.memory_space<hbm>>) target(%arg11 : memref<80x64xf32, #tpu.memory_space<vmem>>) offsets(%dma_start3A_124 : memref<80xi32, #tpu.memory_space<vmem>>) semaphore(%arg17 : memref<!tpu.dma_semaphore, #tpu.memory_space<semaphore_mem>>)
      } else {
      }
      %scan3A_119 = arith.constant 0 : i32
      scf.yield %scan3A_119 : i32
    }
    %scan3A_42 = arith.constant 31 : i32
    %dma_wait3A = arith.constant 124 : i32
    %dma_wait3A_43 = arith.constant 0 : i32
    %dma_wait3A_44 = tpu.memref_slice %arg6[%dma_wait3A, %dma_wait3A_43] : memref<125x80xi32, #tpu.memory_space<vmem>> -> memref<1x80xi32, #tpu.memory_space<vmem>>
    %dma_wait3A_45 = tpu.memref_squeeze %dma_wait3A_44 : memref<1x80xi32, #tpu.memory_space<vmem>> -> memref<80xi32, #tpu.memory_space<vmem>>
    %dma_wait3A_46 = arith.constant 0 : i32
    %dma_wait3A_47 = arith.constant 0 : i32
    %dma_wait3A_48 = tpu.memref_slice %arg2[%dma_wait3A_46, %dma_wait3A_47] : memref<10000x64xf32, #tpu.memory_space<hbm>> -> memref<10000x64xf32, #tpu.memory_space<hbm>>
    tpu.wait_indirect_dma semaphore(%arg14 : memref<!tpu.dma_semaphore, #tpu.memory_space<semaphore_mem>>) src(%dma_wait3A_48 : memref<10000x64xf32, #tpu.memory_space<hbm>>) dst(%arg8 : memref<80x64xf32, #tpu.memory_space<vmem>>)
    %run_scoped3A = arith.constant 124 : i32
    "tpu.region"() ({
      %run_scoped3A_52 = tpu.sem_alloc : memref<!tpu.dma_semaphore, #tpu.memory_space<semaphore_mem>>
      %dma_start3A_53 = arith.constant 0 : i32
      %dma_start3A_54 = tpu.memref_slice %arg7[%run_scoped3A, %dma_start3A_53] : memref<125x80xi32, #tpu.memory_space<vmem>> -> memref<1x80xi32, #tpu.memory_space<vmem>>
      %dma_start3A_55 = tpu.memref_squeeze %dma_start3A_54 : memref<1x80xi32, #tpu.memory_space<vmem>> -> memref<80xi32, #tpu.memory_space<vmem>>
      %dma_start3A_56 = arith.constant 0 : i32
      %dma_start3A_57 = arith.constant 0 : i32
      %dma_start3A_58 = tpu.memref_slice %arg13[%dma_start3A_56, %dma_start3A_57] : memref<10000x64xf32, #tpu.memory_space<vmem_shared>> -> memref<10000x64xf32, #tpu.memory_space<vmem_shared>>
      tpu.enqueue_indirect_dma source(%arg8 : memref<80x64xf32, #tpu.memory_space<vmem>>) target(%dma_start3A_58 : memref<10000x64xf32, #tpu.memory_space<vmem_shared>>) offsets(%dma_start3A_55 : memref<80xi32, #tpu.memory_space<vmem>>) semaphore(%run_scoped3A_52 : memref<!tpu.dma_semaphore, #tpu.memory_space<semaphore_mem>>) {add = true}
      %dma_wait3A_59 = arith.constant 0 : i32
      %dma_wait3A_60 = tpu.memref_slice %arg7[%run_scoped3A, %dma_wait3A_59] : memref<125x80xi32, #tpu.memory_space<vmem>> -> memref<1x80xi32, #tpu.memory_space<vmem>>
      %dma_wait3A_61 = tpu.memref_squeeze %dma_wait3A_60 : memref<1x80xi32, #tpu.memory_space<vmem>> -> memref<80xi32, #tpu.memory_space<vmem>>
      %dma_wait3A_62 = arith.constant 0 : i32
      %dma_wait3A_63 = arith.constant 0 : i32
      %dma_wait3A_64 = tpu.memref_slice %arg13[%dma_wait3A_62, %dma_wait3A_63] : memref<10000x64xf32, #tpu.memory_space<vmem_shared>> -> memref<10000x64xf32, #tpu.memory_space<vmem_shared>>
      tpu.wait_indirect_dma semaphore(%run_scoped3A_52 : memref<!tpu.dma_semaphore, #tpu.memory_space<semaphore_mem>>) src(%arg8 : memref<80x64xf32, #tpu.memory_space<vmem>>) dst(%dma_wait3A_64 : memref<10000x64xf32, #tpu.memory_space<vmem_shared>>)
      tpu.yield
    }) : () -> ()
    %barrier3A_49 = arith.constant 0 : index
    tpu.barrier barrier_id(%barrier3A_49)
    %mul3A_50 = arith.constant 625 : i32
    %mul3A_51 = arith.muli %arg1, %mul3A_50 : i32
    "tpu.region"() ({
      %run_scoped3A_52 = tpu.sem_alloc : memref<!tpu.dma_semaphore, #tpu.memory_space<semaphore_mem>>
      %dma_start3A_53 = arith.constant 0 : i32
      %dma_start3A_54 = tpu.memref_slice %arg13[%mul3A_51, %dma_start3A_53] : memref<10000x64xf32, #tpu.memory_space<vmem_shared>> -> memref<625x64xf32, #tpu.memory_space<vmem_shared>>
      %dma_start3A_55 = arith.constant 0 : i32
      %dma_start3A_56 = tpu.memref_slice %arg13[%mul3A_51, %dma_start3A_55] : memref<10000x64xf32, #tpu.memory_space<vmem_shared>> -> memref<625x64xf32, #tpu.memory_space<vmem_shared>>
      tpu.enqueue_dma source(%dma_start3A_56 : memref<625x64xf32, #tpu.memory_space<vmem_shared>>) target(%arg12 : memref<625x64xf32, #tpu.memory_space<vmem>>) target_semaphore(%run_scoped3A_52 : memref<!tpu.dma_semaphore, #tpu.memory_space<semaphore_mem>>)
      %dma_wait3A_57 = arith.constant 0 : i32
      %dma_wait3A_58 = tpu.memref_slice %arg13[%mul3A_51, %dma_wait3A_57] : memref<10000x64xf32, #tpu.memory_space<vmem_shared>> -> memref<625x64xf32, #tpu.memory_space<vmem_shared>>
      %dma_wait3A_59 = arith.constant 0 : i32
      %dma_wait3A_60 = tpu.memref_slice %arg13[%mul3A_51, %dma_wait3A_59] : memref<10000x64xf32, #tpu.memory_space<vmem_shared>> -> memref<625x64xf32, #tpu.memory_space<vmem_shared>>
      tpu.wait_dma2 semaphore(%run_scoped3A_52 : memref<!tpu.dma_semaphore, #tpu.memory_space<semaphore_mem>>) src(%dma_wait3A_60 : memref<625x64xf32, #tpu.memory_space<vmem_shared>>) dst(%arg12 : memref<625x64xf32, #tpu.memory_space<vmem>>)
      tpu.yield
    }) : () -> ()
    "tpu.region"() ({
      %run_scoped3A_52 = tpu.sem_alloc : memref<!tpu.dma_semaphore, #tpu.memory_space<semaphore_mem>>
      %dma_start3A_53 = arith.constant 0 : i32
      %dma_start3A_54 = arith.constant 0 : i32
      %dma_start3A_55 = tpu.memref_slice %arg5[%arg0, %arg1, %dma_start3A_53, %dma_start3A_54] : memref<2x16x625x64xf32, #tpu.memory_space<hbm>> -> memref<1x1x625x64xf32, #tpu.memory_space<hbm>>
      %dma_start3A_56 = tpu.memref_squeeze %dma_start3A_55 : memref<1x1x625x64xf32, #tpu.memory_space<hbm>> -> memref<625x64xf32, #tpu.memory_space<hbm>>
      %dma_start3A_57 = arith.constant 0 : i32
      %dma_start3A_58 = arith.constant 0 : i32
      %dma_start3A_59 = tpu.memref_slice %arg5[%arg0, %arg1, %dma_start3A_57, %dma_start3A_58] : memref<2x16x625x64xf32, #tpu.memory_space<hbm>> -> memref<1x1x625x64xf32, #tpu.memory_space<hbm>>
      %dma_start3A_60 = tpu.memref_squeeze %dma_start3A_59 : memref<1x1x625x64xf32, #tpu.memory_space<hbm>> -> memref<625x64xf32, #tpu.memory_space<hbm>>
      tpu.enqueue_dma source(%arg12 : memref<625x64xf32, #tpu.memory_space<vmem>>) target(%dma_start3A_60 : memref<625x64xf32, #tpu.memory_space<hbm>>) target_semaphore(%run_scoped3A_52 : memref<!tpu.dma_semaphore, #tpu.memory_space<semaphore_mem>>)
      %dma_wait3A_61 = arith.constant 0 : i32
      %dma_wait3A_62 = arith.constant 0 : i32
      %dma_wait3A_63 = tpu.memref_slice %arg5[%arg0, %arg1, %dma_wait3A_61, %dma_wait3A_62] : memref<2x16x625x64xf32, #tpu.memory_space<hbm>> -> memref<1x1x625x64xf32, #tpu.memory_space<hbm>>
      %dma_wait3A_64 = tpu.memref_squeeze %dma_wait3A_63 : memref<1x1x625x64xf32, #tpu.memory_space<hbm>> -> memref<625x64xf32, #tpu.memory_space<hbm>>
      %dma_wait3A_65 = arith.constant 0 : i32
      %dma_wait3A_66 = arith.constant 0 : i32
      %dma_wait3A_67 = tpu.memref_slice %arg5[%arg0, %arg1, %dma_wait3A_65, %dma_wait3A_66] : memref<2x16x625x64xf32, #tpu.memory_space<hbm>> -> memref<1x1x625x64xf32, #tpu.memory_space<hbm>>
      %dma_wait3A_68 = tpu.memref_squeeze %dma_wait3A_67 : memref<1x1x625x64xf32, #tpu.memory_space<hbm>> -> memref<625x64xf32, #tpu.memory_space<hbm>>
      tpu.wait_dma2 semaphore(%run_scoped3A_52 : memref<!tpu.dma_semaphore, #tpu.memory_space<semaphore_mem>>) src(%arg12 : memref<625x64xf32, #tpu.memory_space<vmem>>) dst(%dma_wait3A_68 : memref<625x64xf32, #tpu.memory_space<hbm>>)
      tpu.yield
    }) : () -> ()
    return
  }
}

#map = affine_map<(d0, d1) -> (0, 0)>
#map1 = affine_map<(d0, d1) -> (0, 0, 0)>
#map2 = affine_map<(d0, d1) -> (0, 0, 0, 0)>
module attributes {stable_mosaic.version = 14 : i64} {
  func.func @body(%arg0: i32, %arg1: i32, %arg2: memref<10000x64xf32, #tpu.memory_space<hbm>>, %arg3: memref<32x125x80xi32, #tpu.memory_space<hbm>>, %arg4: memref<32x125x80xi32, #tpu.memory_space<hbm>>, %arg5: memref<2x16x625x64xf32, #tpu.memory_space<hbm>>, %arg6: memref<125x80xi32, #tpu.memory_space<vmem>>, %arg7: memref<125x80xi32, #tpu.memory_space<vmem>>, %arg8: memref<80x64xf32, #tpu.memory_space<vmem>>, %arg9: memref<80x64xf32, #tpu.memory_space<vmem>>, %arg10: memref<80x64xf32, #tpu.memory_space<vmem>>, %arg11: memref<80x64xf32, #tpu.memory_space<vmem>>, %arg12: memref<625x64xf32, #tpu.memory_space<vmem>>, %arg13: memref<10000x64xf32, #tpu.memory_space<vmem_shared>>, %arg14: memref<!tpu.dma_semaphore, #tpu.memory_space<semaphore_mem>>, %arg15: memref<!tpu.dma_semaphore, #tpu.memory_space<semaphore_mem>>, %arg16: memref<!tpu.dma_semaphore, #tpu.memory_space<semaphore_mem>>, %arg17: memref<!tpu.dma_semaphore, #tpu.memory_space<semaphore_mem>>) attributes {dimension_semantics = [#tpu.dimension_semantics<core_parallel>, #tpu.dimension_semantics<subcore_parallel>], iteration_bounds = array<i64: 2, 16>, scalar_prefetch = 0 : i64, scratch_operands = 12 : i64, tpu.core_type = #tpu.core_type<sc_vector_subcore>, window_params = [{transform_indices = #map}, {transform_indices = #map1}, {transform_indices = #map1}, {transform_indices = #map2}]} {
    %mul3A = arith.constant 16 : i32
    %mul3A_0 = arith.muli %arg0, %mul3A : i32
    %add3A = arith.addi %mul3A_0, %arg1 : i32
    %scan3A = arith.constant 0 : i32
    %scan3A_1 = arith.constant 0 : i32
    %scan3A_2 = arith.constant 625 : i32
    %scan3A_3 = arith.addi %scan3A_1, %scan3A_2 : i32
    %scan3A_4 = arith.constant 1 : i32
    %scan3A_5 = scf.for %scan3A_52 = %scan3A_1 to %scan3A_3 step %scan3A_4 iter_args(%scan3A_53 = %scan3A) -> (i32)  : i32 {
      %broadcast_in_dim3A = arith.constant 0.000000e+00 : f32
      %broadcast_in_dim3A_54 = vector.broadcast %broadcast_in_dim3A : f32 to vector<16xf32>
      %swap3A = arith.index_cast %scan3A_52 : i32 to index
      %swap3A_55 = arith.constant 0 : index
      %swap3A_56 = tpu.vector_load %arg12[%swap3A, %swap3A_55] {strides = array<i32>} : memref<625x64xf32, #tpu.memory_space<vmem>>, vector<1x16xf32>,
      %swap3A_57 = vector.shape_cast %swap3A_56 : vector<1x16xf32> to vector<16xf32>
      %swap3A_58 = vector.shape_cast %broadcast_in_dim3A_54 : vector<16xf32> to vector<1x16xf32>
      tpu.vector_store %arg12[%swap3A, %swap3A_55], %swap3A_58 {strides = array<i32>} : memref<625x64xf32, #tpu.memory_space<vmem>>, vector<1x16xf32>,
      %broadcast_in_dim3A_59 = arith.constant 0.000000e+00 : f32
      %broadcast_in_dim3A_60 = vector.broadcast %broadcast_in_dim3A_59 : f32 to vector<16xf32>
      %swap3A_61 = arith.index_cast %scan3A_52 : i32 to index
      %swap3A_62 = arith.constant 16 : index
      %swap3A_63 = tpu.vector_load %arg12[%swap3A_61, %swap3A_62] {strides = array<i32>} : memref<625x64xf32, #tpu.memory_space<vmem>>, vector<1x16xf32>,
      %swap3A_64 = vector.shape_cast %swap3A_63 : vector<1x16xf32> to vector<16xf32>
      %swap3A_65 = vector.shape_cast %broadcast_in_dim3A_60 : vector<16xf32> to vector<1x16xf32>
      tpu.vector_store %arg12[%swap3A_61, %swap3A_62], %swap3A_65 {strides = array<i32>} : memref<625x64xf32, #tpu.memory_space<vmem>>, vector<1x16xf32>,
      %broadcast_in_dim3A_66 = arith.constant 0.000000e+00 : f32
      %broadcast_in_dim3A_67 = vector.broadcast %broadcast_in_dim3A_66 : f32 to vector<16xf32>
      %swap3A_68 = arith.index_cast %scan3A_52 : i32 to index
      %swap3A_69 = arith.constant 32 : index
      %swap3A_70 = tpu.vector_load %arg12[%swap3A_68, %swap3A_69] {strides = array<i32>} : memref<625x64xf32, #tpu.memory_space<vmem>>, vector<1x16xf32>,
      %swap3A_71 = vector.shape_cast %swap3A_70 : vector<1x16xf32> to vector<16xf32>
      %swap3A_72 = vector.shape_cast %broadcast_in_dim3A_67 : vector<16xf32> to vector<1x16xf32>
      tpu.vector_store %arg12[%swap3A_68, %swap3A_69], %swap3A_72 {strides = array<i32>} : memref<625x64xf32, #tpu.memory_space<vmem>>, vector<1x16xf32>,
      %broadcast_in_dim3A_73 = arith.constant 0.000000e+00 : f32
      %broadcast_in_dim3A_74 = vector.broadcast %broadcast_in_dim3A_73 : f32 to vector<16xf32>
      %swap3A_75 = arith.index_cast %scan3A_52 : i32 to index
      %swap3A_76 = arith.constant 48 : index
      %swap3A_77 = tpu.vector_load %arg12[%swap3A_75, %swap3A_76] {strides = array<i32>} : memref<625x64xf32, #tpu.memory_space<vmem>>, vector<1x16xf32>,
      %swap3A_78 = vector.shape_cast %swap3A_77 : vector<1x16xf32> to vector<16xf32>
      %swap3A_79 = vector.shape_cast %broadcast_in_dim3A_74 : vector<16xf32> to vector<1x16xf32>
      tpu.vector_store %arg12[%swap3A_75, %swap3A_76], %swap3A_79 {strides = array<i32>} : memref<625x64xf32, #tpu.memory_space<vmem>>, vector<1x16xf32>,
      %scan3A_80 = arith.constant 0 : i32
      scf.yield %scan3A_80 : i32
    }
    %scan3A_6 = arith.constant 625 : i32
    %mul3A_7 = arith.constant 625 : i32
    %mul3A_8 = arith.muli %arg1, %mul3A_7 : i32
    "tpu.region"() ({
      %run_scoped3A_52 = tpu.sem_alloc : memref<!tpu.dma_semaphore, #tpu.memory_space<semaphore_mem>>
      %dma_start3A_53 = arith.constant 0 : i32
      %dma_start3A_54 = tpu.memref_slice %arg13[%mul3A_8, %dma_start3A_53] : memref<10000x64xf32, #tpu.memory_space<vmem_shared>> -> memref<625x64xf32, #tpu.memory_space<vmem_shared>>
      %dma_start3A_55 = arith.constant 0 : i32
      %dma_start3A_56 = tpu.memref_slice %arg13[%mul3A_8, %dma_start3A_55] : memref<10000x64xf32, #tpu.memory_space<vmem_shared>> -> memref<625x64xf32, #tpu.memory_space<vmem_shared>>
      tpu.enqueue_dma source(%arg12 : memref<625x64xf32, #tpu.memory_space<vmem>>) target(%dma_start3A_56 : memref<625x64xf32, #tpu.memory_space<vmem_shared>>) target_semaphore(%run_scoped3A_52 : memref<!tpu.dma_semaphore, #tpu.memory_space<semaphore_mem>>)
      %dma_wait3A_57 = arith.constant 0 : i32
      %dma_wait3A_58 = tpu.memref_slice %arg13[%mul3A_8, %dma_wait3A_57] : memref<10000x64xf32, #tpu.memory_space<vmem_shared>> -> memref<625x64xf32, #tpu.memory_space<vmem_shared>>
      %dma_wait3A_59 = arith.constant 0 : i32
      %dma_wait3A_60 = tpu.memref_slice %arg13[%mul3A_8, %dma_wait3A_59] : memref<10000x64xf32, #tpu.memory_space<vmem_shared>> -> memref<625x64xf32, #tpu.memory_space<vmem_shared>>
      tpu.wait_dma2 semaphore(%run_scoped3A_52 : memref<!tpu.dma_semaphore, #tpu.memory_space<semaphore_mem>>) src(%arg12 : memref<625x64xf32, #tpu.memory_space<vmem>>) dst(%dma_wait3A_60 : memref<625x64xf32, #tpu.memory_space<vmem_shared>>)
      tpu.yield
    }) : () -> ()
    %barrier3A = arith.constant 0 : index
    tpu.barrier barrier_id(%barrier3A)
    "tpu.region"() ({
      %run_scoped3A_52 = tpu.sem_alloc : memref<!tpu.dma_semaphore, #tpu.memory_space<semaphore_mem>>
      %dma_start3A_53 = arith.constant 0 : i32
      %dma_start3A_54 = arith.constant 0 : i32
      %dma_start3A_55 = tpu.memref_slice %arg3[%add3A, %dma_start3A_53, %dma_start3A_54] : memref<32x125x80xi32, #tpu.memory_space<hbm>> -> memref<1x125x80xi32, #tpu.memory_space<hbm>>
      %dma_start3A_56 = tpu.memref_squeeze %dma_start3A_55 : memref<1x125x80xi32, #tpu.memory_space<hbm>> -> memref<125x80xi32, #tpu.memory_space<hbm>>
      %dma_start3A_57 = arith.constant 0 : i32
      %dma_start3A_58 = arith.constant 0 : i32
      %dma_start3A_59 = tpu.memref_slice %arg3[%add3A, %dma_start3A_57, %dma_start3A_58] : memref<32x125x80xi32, #tpu.memory_space<hbm>> -> memref<1x125x80xi32, #tpu.memory_space<hbm>>
      %dma_start3A_60 = tpu.memref_squeeze %dma_start3A_59 : memref<1x125x80xi32, #tpu.memory_space<hbm>> -> memref<125x80xi32, #tpu.memory_space<hbm>>
      tpu.enqueue_dma source(%dma_start3A_60 : memref<125x80xi32, #tpu.memory_space<hbm>>) target(%arg6 : memref<125x80xi32, #tpu.memory_space<vmem>>) target_semaphore(%run_scoped3A_52 : memref<!tpu.dma_semaphore, #tpu.memory_space<semaphore_mem>>)
      %dma_wait3A_61 = arith.constant 0 : i32
      %dma_wait3A_62 = arith.constant 0 : i32
      %dma_wait3A_63 = tpu.memref_slice %arg3[%add3A, %dma_wait3A_61, %dma_wait3A_62] : memref<32x125x80xi32, #tpu.memory_space<hbm>> -> memref<1x125x80xi32, #tpu.memory_space<hbm>>
      %dma_wait3A_64 = tpu.memref_squeeze %dma_wait3A_63 : memref<1x125x80xi32, #tpu.memory_space<hbm>> -> memref<125x80xi32, #tpu.memory_space<hbm>>
      %dma_wait3A_65 = arith.constant 0 : i32
      %dma_wait3A_66 = arith.constant 0 : i32
      %dma_wait3A_67 = tpu.memref_slice %arg3[%add3A, %dma_wait3A_65, %dma_wait3A_66] : memref<32x125x80xi32, #tpu.memory_space<hbm>> -> memref<1x125x80xi32, #tpu.memory_space<hbm>>
      %dma_wait3A_68 = tpu.memref_squeeze %dma_wait3A_67 : memref<1x125x80xi32, #tpu.memory_space<hbm>> -> memref<125x80xi32, #tpu.memory_space<hbm>>
      tpu.wait_dma2 semaphore(%run_scoped3A_52 : memref<!tpu.dma_semaphore, #tpu.memory_space<semaphore_mem>>) src(%dma_wait3A_68 : memref<125x80xi32, #tpu.memory_space<hbm>>) dst(%arg6 : memref<125x80xi32, #tpu.memory_space<vmem>>)
      tpu.yield
    }) : () -> ()
    "tpu.region"() ({
      %run_scoped3A_52 = tpu.sem_alloc : memref<!tpu.dma_semaphore, #tpu.memory_space<semaphore_mem>>
      %dma_start3A_53 = arith.constant 0 : i32
      %dma_start3A_54 = arith.constant 0 : i32
      %dma_start3A_55 = tpu.memref_slice %arg4[%add3A, %dma_start3A_53, %dma_start3A_54] : memref<32x125x80xi32, #tpu.memory_space<hbm>> -> memref<1x125x80xi32, #tpu.memory_space<hbm>>
      %dma_start3A_56 = tpu.memref_squeeze %dma_start3A_55 : memref<1x125x80xi32, #tpu.memory_space<hbm>> -> memref<125x80xi32, #tpu.memory_space<hbm>>
      %dma_start3A_57 = arith.constant 0 : i32
      %dma_start3A_58 = arith.constant 0 : i32
      %dma_start3A_59 = tpu.memref_slice %arg4[%add3A, %dma_start3A_57, %dma_start3A_58] : memref<32x125x80xi32, #tpu.memory_space<hbm>> -> memref<1x125x80xi32, #tpu.memory_space<hbm>>
      %dma_start3A_60 = tpu.memref_squeeze %dma_start3A_59 : memref<1x125x80xi32, #tpu.memory_space<hbm>> -> memref<125x80xi32, #tpu.memory_space<hbm>>
      tpu.enqueue_dma source(%dma_start3A_60 : memref<125x80xi32, #tpu.memory_space<hbm>>) target(%arg7 : memref<125x80xi32, #tpu.memory_space<vmem>>) target_semaphore(%run_scoped3A_52 : memref<!tpu.dma_semaphore, #tpu.memory_space<semaphore_mem>>)
      %dma_wait3A_61 = arith.constant 0 : i32
      %dma_wait3A_62 = arith.constant 0 : i32
      %dma_wait3A_63 = tpu.memref_slice %arg4[%add3A, %dma_wait3A_61, %dma_wait3A_62] : memref<32x125x80xi32, #tpu.memory_space<hbm>> -> memref<1x125x80xi32, #tpu.memory_space<hbm>>
      %dma_wait3A_64 = tpu.memref_squeeze %dma_wait3A_63 : memref<1x125x80xi32, #tpu.memory_space<hbm>> -> memref<125x80xi32, #tpu.memory_space<hbm>>
      %dma_wait3A_65 = arith.constant 0 : i32
      %dma_wait3A_66 = arith.constant 0 : i32
      %dma_wait3A_67 = tpu.memref_slice %arg4[%add3A, %dma_wait3A_65, %dma_wait3A_66] : memref<32x125x80xi32, #tpu.memory_space<hbm>> -> memref<1x125x80xi32, #tpu.memory_space<hbm>>
      %dma_wait3A_68 = tpu.memref_squeeze %dma_wait3A_67 : memref<1x125x80xi32, #tpu.memory_space<hbm>> -> memref<125x80xi32, #tpu.memory_space<hbm>>
      tpu.wait_dma2 semaphore(%run_scoped3A_52 : memref<!tpu.dma_semaphore, #tpu.memory_space<semaphore_mem>>) src(%dma_wait3A_68 : memref<125x80xi32, #tpu.memory_space<hbm>>) dst(%arg7 : memref<125x80xi32, #tpu.memory_space<vmem>>)
      tpu.yield
    }) : () -> ()
    %dma_start3A = arith.constant 0 : i32
    %dma_start3A_9 = arith.constant 0 : i32
    %dma_start3A_10 = tpu.memref_slice %arg6[%dma_start3A, %dma_start3A_9] : memref<125x80xi32, #tpu.memory_space<vmem>> -> memref<1x80xi32, #tpu.memory_space<vmem>>
    %dma_start3A_11 = tpu.memref_squeeze %dma_start3A_10 : memref<1x80xi32, #tpu.memory_space<vmem>> -> memref<80xi32, #tpu.memory_space<vmem>>
    %dma_start3A_12 = arith.constant 0 : i32
    %dma_start3A_13 = arith.constant 0 : i32
    %dma_start3A_14 = tpu.memref_slice %arg2[%dma_start3A_12, %dma_start3A_13] : memref<10000x64xf32, #tpu.memory_space<hbm>> -> memref<10000x64xf32, #tpu.memory_space<hbm>>
    tpu.enqueue_indirect_dma source(%dma_start3A_14 : memref<10000x64xf32, #tpu.memory_space<hbm>>) target(%arg8 : memref<80x64xf32, #tpu.memory_space<vmem>>) offsets(%dma_start3A_11 : memref<80xi32, #tpu.memory_space<vmem>>) semaphore(%arg14 : memref<!tpu.dma_semaphore, #tpu.memory_space<semaphore_mem>>)
    %dma_start3A_15 = arith.constant 1 : i32
    %dma_start3A_16 = arith.constant 0 : i32
    %dma_start3A_17 = tpu.memref_slice %arg6[%dma_start3A_15, %dma_start3A_16] : memref<125x80xi32, #tpu.memory_space<vmem>> -> memref<1x80xi32, #tpu.memory_space<vmem>>
    %dma_start3A_18 = tpu.memref_squeeze %dma_start3A_17 : memref<1x80xi32, #tpu.memory_space<vmem>> -> memref<80xi32, #tpu.memory_space<vmem>>
    %dma_start3A_19 = arith.constant 0 : i32
    %dma_start3A_20 = arith.constant 0 : i32
    %dma_start3A_21 = tpu.memref_slice %arg2[%dma_start3A_19, %dma_start3A_20] : memref<10000x64xf32, #tpu.memory_space<hbm>> -> memref<10000x64xf32, #tpu.memory_space<hbm>>
    tpu.enqueue_indirect_dma source(%dma_start3A_21 : memref<10000x64xf32, #tpu.memory_space<hbm>>) target(%arg9 : memref<80x64xf32, #tpu.memory_space<vmem>>) offsets(%dma_start3A_18 : memref<80xi32, #tpu.memory_space<vmem>>) semaphore(%arg15 : memref<!tpu.dma_semaphore, #tpu.memory_space<semaphore_mem>>)
    %dma_start3A_22 = arith.constant 2 : i32
    %dma_start3A_23 = arith.constant 0 : i32
    %dma_start3A_24 = tpu.memref_slice %arg6[%dma_start3A_22, %dma_start3A_23] : memref<125x80xi32, #tpu.memory_space<vmem>> -> memref<1x80xi32, #tpu.memory_space<vmem>>
    %dma_start3A_25 = tpu.memref_squeeze %dma_start3A_24 : memref<1x80xi32, #tpu.memory_space<vmem>> -> memref<80xi32, #tpu.memory_space<vmem>>
    %dma_start3A_26 = arith.constant 0 : i32
    %dma_start3A_27 = arith.constant 0 : i32
    %dma_start3A_28 = tpu.memref_slice %arg2[%dma_start3A_26, %dma_start3A_27] : memref<10000x64xf32, #tpu.memory_space<hbm>> -> memref<10000x64xf32, #tpu.memory_space<hbm>>
    tpu.enqueue_indirect_dma source(%dma_start3A_28 : memref<10000x64xf32, #tpu.memory_space<hbm>>) target(%arg10 : memref<80x64xf32, #tpu.memory_space<vmem>>) offsets(%dma_start3A_25 : memref<80xi32, #tpu.memory_space<vmem>>) semaphore(%arg16 : memref<!tpu.dma_semaphore, #tpu.memory_space<semaphore_mem>>)
    %dma_start3A_29 = arith.constant 3 : i32
    %dma_start3A_30 = arith.constant 0 : i32
    %dma_start3A_31 = tpu.memref_slice %arg6[%dma_start3A_29, %dma_start3A_30] : memref<125x80xi32, #tpu.memory_space<vmem>> -> memref<1x80xi32, #tpu.memory_space<vmem>>
    %dma_start3A_32 = tpu.memref_squeeze %dma_start3A_31 : memref<1x80xi32, #tpu.memory_space<vmem>> -> memref<80xi32, #tpu.memory_space<vmem>>
    %dma_start3A_33 = arith.constant 0 : i32
    %dma_start3A_34 = arith.constant 0 : i32
    %dma_start3A_35 = tpu.memref_slice %arg2[%dma_start3A_33, %dma_start3A_34] : memref<10000x64xf32, #tpu.memory_space<hbm>> -> memref<10000x64xf32, #tpu.memory_space<hbm>>
    tpu.enqueue_indirect_dma source(%dma_start3A_35 : memref<10000x64xf32, #tpu.memory_space<hbm>>) target(%arg11 : memref<80x64xf32, #tpu.memory_space<vmem>>) offsets(%dma_start3A_32 : memref<80xi32, #tpu.memory_space<vmem>>) semaphore(%arg17 : memref<!tpu.dma_semaphore, #tpu.memory_space<semaphore_mem>>)
    %scan3A_36 = arith.constant 0 : i32
    %scan3A_37 = arith.constant 0 : i32
    %scan3A_38 = arith.constant 31 : i32
    %scan3A_39 = arith.addi %scan3A_37, %scan3A_38 : i32
    %scan3A_40 = arith.constant 1 : i32
    %scan3A_41 = scf.for %scan3A_52 = %scan3A_37 to %scan3A_39 step %scan3A_40 iter_args(%scan3A_53 = %scan3A_36) -> (i32)  : i32 {
      %mul3A_54 = arith.constant 4 : i32
      %mul3A_55 = arith.muli %mul3A_54, %scan3A_52 : i32
      %add3A_56 = arith.constant 0 : i32
      %add3A_57 = arith.addi %mul3A_55, %add3A_56 : i32
      %dma_wait3A_58 = arith.constant 0 : i32
      %dma_wait3A_59 = tpu.memref_slice %arg6[%add3A_57, %dma_wait3A_58] : memref<125x80xi32, #tpu.memory_space<vmem>> -> memref<1x80xi32, #tpu.memory_space<vmem>>
      %dma_wait3A_60 = tpu.memref_squeeze %dma_wait3A_59 : memref<1x80xi32, #tpu.memory_space<vmem>> -> memref<80xi32, #tpu.memory_space<vmem>>
      %dma_wait3A_61 = arith.constant 0 : i32
      %dma_wait3A_62 = arith.constant 0 : i32
      %dma_wait3A_63 = tpu.memref_slice %arg2[%dma_wait3A_61, %dma_wait3A_62] : memref<10000x64xf32, #tpu.memory_space<hbm>> -> memref<10000x64xf32, #tpu.memory_space<hbm>>
      tpu.wait_indirect_dma semaphore(%arg14 : memref<!tpu.dma_semaphore, #tpu.memory_space<semaphore_mem>>) src(%dma_wait3A_63 : memref<10000x64xf32, #tpu.memory_space<hbm>>) dst(%arg8 : memref<80x64xf32, #tpu.memory_space<vmem>>)
      "tpu.region"() ({
        %run_scoped3A_120 = tpu.sem_alloc : memref<!tpu.dma_semaphore, #tpu.memory_space<semaphore_mem>>
        %dma_start3A_121 = arith.constant 0 : i32
        %dma_start3A_122 = tpu.memref_slice %arg7[%add3A_57, %dma_start3A_121] : memref<125x80xi32, #tpu.memory_space<vmem>> -> memref<1x80xi32, #tpu.memory_space<vmem>>
        %dma_start3A_123 = tpu.memref_squeeze %dma_start3A_122 : memref<1x80xi32, #tpu.memory_space<vmem>> -> memref<80xi32, #tpu.memory_space<vmem>>
        %dma_start3A_124 = arith.constant 0 : i32
        %dma_start3A_125 = arith.constant 0 : i32
        %dma_start3A_126 = tpu.memref_slice %arg13[%dma_start3A_124, %dma_start3A_125] : memref<10000x64xf32, #tpu.memory_space<vmem_shared>> -> memref<10000x64xf32, #tpu.memory_space<vmem_shared>>
        tpu.enqueue_indirect_dma source(%arg8 : memref<80x64xf32, #tpu.memory_space<vmem>>) target(%dma_start3A_126 : memref<10000x64xf32, #tpu.memory_space<vmem_shared>>) offsets(%dma_start3A_123 : memref<80xi32, #tpu.memory_space<vmem>>) semaphore(%run_scoped3A_120 : memref<!tpu.dma_semaphore, #tpu.memory_space<semaphore_mem>>) {add = true}
        %dma_wait3A_127 = arith.constant 0 : i32
        %dma_wait3A_128 = tpu.memref_slice %arg7[%add3A_57, %dma_wait3A_127] : memref<125x80xi32, #tpu.memory_space<vmem>> -> memref<1x80xi32, #tpu.memory_space<vmem>>
        %dma_wait3A_129 = tpu.memref_squeeze %dma_wait3A_128 : memref<1x80xi32, #tpu.memory_space<vmem>> -> memref<80xi32, #tpu.memory_space<vmem>>
        %dma_wait3A_130 = arith.constant 0 : i32
        %dma_wait3A_131 = arith.constant 0 : i32
        %dma_wait3A_132 = tpu.memref_slice %arg13[%dma_wait3A_130, %dma_wait3A_131] : memref<10000x64xf32, #tpu.memory_space<vmem_shared>> -> memref<10000x64xf32, #tpu.memory_space<vmem_shared>>
        tpu.wait_indirect_dma semaphore(%run_scoped3A_120 : memref<!tpu.dma_semaphore, #tpu.memory_space<semaphore_mem>>) src(%arg8 : memref<80x64xf32, #tpu.memory_space<vmem>>) dst(%dma_wait3A_132 : memref<10000x64xf32, #tpu.memory_space<vmem_shared>>)
        tpu.yield
      }) : () -> ()
      %add3A_64 = arith.constant 4 : i32
      %add3A_65 = arith.addi %add3A_57, %add3A_64 : i32
      %lt3A = arith.constant 125 : i32
      %lt3A_66 = arith.cmpi slt, %add3A_65, %lt3A : i32
      %convert_element_type3A = arith.extui %lt3A_66 : i1 to i32
      %cond3A = arith.constant 0 : i32
      %cond3A_67 = arith.cmpi ne, %convert_element_type3A, %cond3A : i32
      scf.if %cond3A_67 {
        %add3A_120 = arith.constant 4 : i32
        %add3A_121 = arith.addi %add3A_57, %add3A_120 : i32
        %dma_start3A_122 = arith.constant 0 : i32
        %dma_start3A_123 = tpu.memref_slice %arg6[%add3A_121, %dma_start3A_122] : memref<125x80xi32, #tpu.memory_space<vmem>> -> memref<1x80xi32, #tpu.memory_space<vmem>>
        %dma_start3A_124 = tpu.memref_squeeze %dma_start3A_123 : memref<1x80xi32, #tpu.memory_space<vmem>> -> memref<80xi32, #tpu.memory_space<vmem>>
        %dma_start3A_125 = arith.constant 0 : i32
        %dma_start3A_126 = arith.constant 0 : i32
        %dma_start3A_127 = tpu.memref_slice %arg2[%dma_start3A_125, %dma_start3A_126] : memref<10000x64xf32, #tpu.memory_space<hbm>> -> memref<10000x64xf32, #tpu.memory_space<hbm>>
        tpu.enqueue_indirect_dma source(%dma_start3A_127 : memref<10000x64xf32, #tpu.memory_space<hbm>>) target(%arg8 : memref<80x64xf32, #tpu.memory_space<vmem>>) offsets(%dma_start3A_124 : memref<80xi32, #tpu.memory_space<vmem>>) semaphore(%arg14 : memref<!tpu.dma_semaphore, #tpu.memory_space<semaphore_mem>>)
      } else {
      }
      %mul3A_68 = arith.constant 4 : i32
      %mul3A_69 = arith.muli %mul3A_68, %scan3A_52 : i32
      %add3A_70 = arith.constant 1 : i32
      %add3A_71 = arith.addi %mul3A_69, %add3A_70 : i32
      %dma_wait3A_72 = arith.constant 0 : i32
      %dma_wait3A_73 = tpu.memref_slice %arg6[%add3A_71, %dma_wait3A_72] : memref<125x80xi32, #tpu.memory_space<vmem>> -> memref<1x80xi32, #tpu.memory_space<vmem>>
      %dma_wait3A_74 = tpu.memref_squeeze %dma_wait3A_73 : memref<1x80xi32, #tpu.memory_space<vmem>> -> memref<80xi32, #tpu.memory_space<vmem>>
      %dma_wait3A_75 = arith.constant 0 : i32
      %dma_wait3A_76 = arith.constant 0 : i32
      %dma_wait3A_77 = tpu.memref_slice %arg2[%dma_wait3A_75, %dma_wait3A_76] : memref<10000x64xf32, #tpu.memory_space<hbm>> -> memref<10000x64xf32, #tpu.memory_space<hbm>>
      tpu.wait_indirect_dma semaphore(%arg15 : memref<!tpu.dma_semaphore, #tpu.memory_space<semaphore_mem>>) src(%dma_wait3A_77 : memref<10000x64xf32, #tpu.memory_space<hbm>>) dst(%arg9 : memref<80x64xf32, #tpu.memory_space<vmem>>)
      "tpu.region"() ({
        %run_scoped3A_120 = tpu.sem_alloc : memref<!tpu.dma_semaphore, #tpu.memory_space<semaphore_mem>>
        %dma_start3A_121 = arith.constant 0 : i32
        %dma_start3A_122 = tpu.memref_slice %arg7[%add3A_71, %dma_start3A_121] : memref<125x80xi32, #tpu.memory_space<vmem>> -> memref<1x80xi32, #tpu.memory_space<vmem>>
        %dma_start3A_123 = tpu.memref_squeeze %dma_start3A_122 : memref<1x80xi32, #tpu.memory_space<vmem>> -> memref<80xi32, #tpu.memory_space<vmem>>
        %dma_start3A_124 = arith.constant 0 : i32
        %dma_start3A_125 = arith.constant 0 : i32
        %dma_start3A_126 = tpu.memref_slice %arg13[%dma_start3A_124, %dma_start3A_125] : memref<10000x64xf32, #tpu.memory_space<vmem_shared>> -> memref<10000x64xf32, #tpu.memory_space<vmem_shared>>
        tpu.enqueue_indirect_dma source(%arg9 : memref<80x64xf32, #tpu.memory_space<vmem>>) target(%dma_start3A_126 : memref<10000x64xf32, #tpu.memory_space<vmem_shared>>) offsets(%dma_start3A_123 : memref<80xi32, #tpu.memory_space<vmem>>) semaphore(%run_scoped3A_120 : memref<!tpu.dma_semaphore, #tpu.memory_space<semaphore_mem>>) {add = true}
        %dma_wait3A_127 = arith.constant 0 : i32
        %dma_wait3A_128 = tpu.memref_slice %arg7[%add3A_71, %dma_wait3A_127] : memref<125x80xi32, #tpu.memory_space<vmem>> -> memref<1x80xi32, #tpu.memory_space<vmem>>
        %dma_wait3A_129 = tpu.memref_squeeze %dma_wait3A_128 : memref<1x80xi32, #tpu.memory_space<vmem>> -> memref<80xi32, #tpu.memory_space<vmem>>
        %dma_wait3A_130 = arith.constant 0 : i32
        %dma_wait3A_131 = arith.constant 0 : i32
        %dma_wait3A_132 = tpu.memref_slice %arg13[%dma_wait3A_130, %dma_wait3A_131] : memref<10000x64xf32, #tpu.memory_space<vmem_shared>> -> memref<10000x64xf32, #tpu.memory_space<vmem_shared>>
        tpu.wait_indirect_dma semaphore(%run_scoped3A_120 : memref<!tpu.dma_semaphore, #tpu.memory_space<semaphore_mem>>) src(%arg9 : memref<80x64xf32, #tpu.memory_space<vmem>>) dst(%dma_wait3A_132 : memref<10000x64xf32, #tpu.memory_space<vmem_shared>>)
        tpu.yield
      }) : () -> ()
      %add3A_78 = arith.constant 4 : i32
      %add3A_79 = arith.addi %add3A_71, %add3A_78 : i32
      %lt3A_80 = arith.constant 125 : i32
      %lt3A_81 = arith.cmpi slt, %add3A_79, %lt3A_80 : i32
      %convert_element_type3A_82 = arith.extui %lt3A_81 : i1 to i32
      %cond3A_83 = arith.constant 0 : i32
      %cond3A_84 = arith.cmpi ne, %convert_element_type3A_82, %cond3A_83 : i32
      scf.if %cond3A_84 {
        %add3A_120 = arith.constant 4 : i32
        %add3A_121 = arith.addi %add3A_71, %add3A_120 : i32
        %dma_start3A_122 = arith.constant 0 : i32
        %dma_start3A_123 = tpu.memref_slice %arg6[%add3A_121, %dma_start3A_122] : memref<125x80xi32, #tpu.memory_space<vmem>> -> memref<1x80xi32, #tpu.memory_space<vmem>>
        %dma_start3A_124 = tpu.memref_squeeze %dma_start3A_123 : memref<1x80xi32, #tpu.memory_space<vmem>> -> memref<80xi32, #tpu.memory_space<vmem>>
        %dma_start3A_125 = arith.constant 0 : i32
        %dma_start3A_126 = arith.constant 0 : i32
        %dma_start3A_127 = tpu.memref_slice %arg2[%dma_start3A_125, %dma_start3A_126] : memref<10000x64xf32, #tpu.memory_space<hbm>> -> memref<10000x64xf32, #tpu.memory_space<hbm>>
        tpu.enqueue_indirect_dma source(%dma_start3A_127 : memref<10000x64xf32, #tpu.memory_space<hbm>>) target(%arg9 : memref<80x64xf32, #tpu.memory_space<vmem>>) offsets(%dma_start3A_124 : memref<80xi32, #tpu.memory_space<vmem>>) semaphore(%arg15 : memref<!tpu.dma_semaphore, #tpu.memory_space<semaphore_mem>>)
      } else {
      }
      %mul3A_85 = arith.constant 4 : i32
      %mul3A_86 = arith.muli %mul3A_85, %scan3A_52 : i32
      %add3A_87 = arith.constant 2 : i32
      %add3A_88 = arith.addi %mul3A_86, %add3A_87 : i32
      %dma_wait3A_89 = arith.constant 0 : i32
      %dma_wait3A_90 = tpu.memref_slice %arg6[%add3A_88, %dma_wait3A_89] : memref<125x80xi32, #tpu.memory_space<vmem>> -> memref<1x80xi32, #tpu.memory_space<vmem>>
      %dma_wait3A_91 = tpu.memref_squeeze %dma_wait3A_90 : memref<1x80xi32, #tpu.memory_space<vmem>> -> memref<80xi32, #tpu.memory_space<vmem>>
      %dma_wait3A_92 = arith.constant 0 : i32
      %dma_wait3A_93 = arith.constant 0 : i32
      %dma_wait3A_94 = tpu.memref_slice %arg2[%dma_wait3A_92, %dma_wait3A_93] : memref<10000x64xf32, #tpu.memory_space<hbm>> -> memref<10000x64xf32, #tpu.memory_space<hbm>>
      tpu.wait_indirect_dma semaphore(%arg16 : memref<!tpu.dma_semaphore, #tpu.memory_space<semaphore_mem>>) src(%dma_wait3A_94 : memref<10000x64xf32, #tpu.memory_space<hbm>>) dst(%arg10 : memref<80x64xf32, #tpu.memory_space<vmem>>)
      "tpu.region"() ({
        %run_scoped3A_120 = tpu.sem_alloc : memref<!tpu.dma_semaphore, #tpu.memory_space<semaphore_mem>>
        %dma_start3A_121 = arith.constant 0 : i32
        %dma_start3A_122 = tpu.memref_slice %arg7[%add3A_88, %dma_start3A_121] : memref<125x80xi32, #tpu.memory_space<vmem>> -> memref<1x80xi32, #tpu.memory_space<vmem>>
        %dma_start3A_123 = tpu.memref_squeeze %dma_start3A_122 : memref<1x80xi32, #tpu.memory_space<vmem>> -> memref<80xi32, #tpu.memory_space<vmem>>
        %dma_start3A_124 = arith.constant 0 : i32
        %dma_start3A_125 = arith.constant 0 : i32
        %dma_start3A_126 = tpu.memref_slice %arg13[%dma_start3A_124, %dma_start3A_125] : memref<10000x64xf32, #tpu.memory_space<vmem_shared>> -> memref<10000x64xf32, #tpu.memory_space<vmem_shared>>
        tpu.enqueue_indirect_dma source(%arg10 : memref<80x64xf32, #tpu.memory_space<vmem>>) target(%dma_start3A_126 : memref<10000x64xf32, #tpu.memory_space<vmem_shared>>) offsets(%dma_start3A_123 : memref<80xi32, #tpu.memory_space<vmem>>) semaphore(%run_scoped3A_120 : memref<!tpu.dma_semaphore, #tpu.memory_space<semaphore_mem>>) {add = true}
        %dma_wait3A_127 = arith.constant 0 : i32
        %dma_wait3A_128 = tpu.memref_slice %arg7[%add3A_88, %dma_wait3A_127] : memref<125x80xi32, #tpu.memory_space<vmem>> -> memref<1x80xi32, #tpu.memory_space<vmem>>
        %dma_wait3A_129 = tpu.memref_squeeze %dma_wait3A_128 : memref<1x80xi32, #tpu.memory_space<vmem>> -> memref<80xi32, #tpu.memory_space<vmem>>
        %dma_wait3A_130 = arith.constant 0 : i32
        %dma_wait3A_131 = arith.constant 0 : i32
        %dma_wait3A_132 = tpu.memref_slice %arg13[%dma_wait3A_130, %dma_wait3A_131] : memref<10000x64xf32, #tpu.memory_space<vmem_shared>> -> memref<10000x64xf32, #tpu.memory_space<vmem_shared>>
        tpu.wait_indirect_dma semaphore(%run_scoped3A_120 : memref<!tpu.dma_semaphore, #tpu.memory_space<semaphore_mem>>) src(%arg10 : memref<80x64xf32, #tpu.memory_space<vmem>>) dst(%dma_wait3A_132 : memref<10000x64xf32, #tpu.memory_space<vmem_shared>>)
        tpu.yield
      }) : () -> ()
      %add3A_95 = arith.constant 4 : i32
      %add3A_96 = arith.addi %add3A_88, %add3A_95 : i32
      %lt3A_97 = arith.constant 125 : i32
      %lt3A_98 = arith.cmpi slt, %add3A_96, %lt3A_97 : i32
      %convert_element_type3A_99 = arith.extui %lt3A_98 : i1 to i32
      %cond3A_100 = arith.constant 0 : i32
      %cond3A_101 = arith.cmpi ne, %convert_element_type3A_99, %cond3A_100 : i32
      scf.if %cond3A_101 {
        %add3A_120 = arith.constant 4 : i32
        %add3A_121 = arith.addi %add3A_88, %add3A_120 : i32
        %dma_start3A_122 = arith.constant 0 : i32
        %dma_start3A_123 = tpu.memref_slice %arg6[%add3A_121, %dma_start3A_122] : memref<125x80xi32, #tpu.memory_space<vmem>> -> memref<1x80xi32, #tpu.memory_space<vmem>>
        %dma_start3A_124 = tpu.memref_squeeze %dma_start3A_123 : memref<1x80xi32, #tpu.memory_space<vmem>> -> memref<80xi32, #tpu.memory_space<vmem>>
        %dma_start3A_125 = arith.constant 0 : i32
        %dma_start3A_126 = arith.constant 0 : i32
        %dma_start3A_127 = tpu.memref_slice %arg2[%dma_start3A_125, %dma_start3A_126] : memref<10000x64xf32, #tpu.memory_space<hbm>> -> memref<10000x64xf32, #tpu.memory_space<hbm>>
        tpu.enqueue_indirect_dma source(%dma_start3A_127 : memref<10000x64xf32, #tpu.memory_space<hbm>>) target(%arg10 : memref<80x64xf32, #tpu.memory_space<vmem>>) offsets(%dma_start3A_124 : memref<80xi32, #tpu.memory_space<vmem>>) semaphore(%arg16 : memref<!tpu.dma_semaphore, #tpu.memory_space<semaphore_mem>>)
      } else {
      }
      %mul3A_102 = arith.constant 4 : i32
      %mul3A_103 = arith.muli %mul3A_102, %scan3A_52 : i32
      %add3A_104 = arith.constant 3 : i32
      %add3A_105 = arith.addi %mul3A_103, %add3A_104 : i32
      %dma_wait3A_106 = arith.constant 0 : i32
      %dma_wait3A_107 = tpu.memref_slice %arg6[%add3A_105, %dma_wait3A_106] : memref<125x80xi32, #tpu.memory_space<vmem>> -> memref<1x80xi32, #tpu.memory_space<vmem>>
      %dma_wait3A_108 = tpu.memref_squeeze %dma_wait3A_107 : memref<1x80xi32, #tpu.memory_space<vmem>> -> memref<80xi32, #tpu.memory_space<vmem>>
      %dma_wait3A_109 = arith.constant 0 : i32
      %dma_wait3A_110 = arith.constant 0 : i32
      %dma_wait3A_111 = tpu.memref_slice %arg2[%dma_wait3A_109, %dma_wait3A_110] : memref<10000x64xf32, #tpu.memory_space<hbm>> -> memref<10000x64xf32, #tpu.memory_space<hbm>>
      tpu.wait_indirect_dma semaphore(%arg17 : memref<!tpu.dma_semaphore, #tpu.memory_space<semaphore_mem>>) src(%dma_wait3A_111 : memref<10000x64xf32, #tpu.memory_space<hbm>>) dst(%arg11 : memref<80x64xf32, #tpu.memory_space<vmem>>)
      "tpu.region"() ({
        %run_scoped3A_120 = tpu.sem_alloc : memref<!tpu.dma_semaphore, #tpu.memory_space<semaphore_mem>>
        %dma_start3A_121 = arith.constant 0 : i32
        %dma_start3A_122 = tpu.memref_slice %arg7[%add3A_105, %dma_start3A_121] : memref<125x80xi32, #tpu.memory_space<vmem>> -> memref<1x80xi32, #tpu.memory_space<vmem>>
        %dma_start3A_123 = tpu.memref_squeeze %dma_start3A_122 : memref<1x80xi32, #tpu.memory_space<vmem>> -> memref<80xi32, #tpu.memory_space<vmem>>
        %dma_start3A_124 = arith.constant 0 : i32
        %dma_start3A_125 = arith.constant 0 : i32
        %dma_start3A_126 = tpu.memref_slice %arg13[%dma_start3A_124, %dma_start3A_125] : memref<10000x64xf32, #tpu.memory_space<vmem_shared>> -> memref<10000x64xf32, #tpu.memory_space<vmem_shared>>
        tpu.enqueue_indirect_dma source(%arg11 : memref<80x64xf32, #tpu.memory_space<vmem>>) target(%dma_start3A_126 : memref<10000x64xf32, #tpu.memory_space<vmem_shared>>) offsets(%dma_start3A_123 : memref<80xi32, #tpu.memory_space<vmem>>) semaphore(%run_scoped3A_120 : memref<!tpu.dma_semaphore, #tpu.memory_space<semaphore_mem>>) {add = true}
        %dma_wait3A_127 = arith.constant 0 : i32
        %dma_wait3A_128 = tpu.memref_slice %arg7[%add3A_105, %dma_wait3A_127] : memref<125x80xi32, #tpu.memory_space<vmem>> -> memref<1x80xi32, #tpu.memory_space<vmem>>
        %dma_wait3A_129 = tpu.memref_squeeze %dma_wait3A_128 : memref<1x80xi32, #tpu.memory_space<vmem>> -> memref<80xi32, #tpu.memory_space<vmem>>
        %dma_wait3A_130 = arith.constant 0 : i32
        %dma_wait3A_131 = arith.constant 0 : i32
        %dma_wait3A_132 = tpu.memref_slice %arg13[%dma_wait3A_130, %dma_wait3A_131] : memref<10000x64xf32, #tpu.memory_space<vmem_shared>> -> memref<10000x64xf32, #tpu.memory_space<vmem_shared>>
        tpu.wait_indirect_dma semaphore(%run_scoped3A_120 : memref<!tpu.dma_semaphore, #tpu.memory_space<semaphore_mem>>) src(%arg11 : memref<80x64xf32, #tpu.memory_space<vmem>>) dst(%dma_wait3A_132 : memref<10000x64xf32, #tpu.memory_space<vmem_shared>>)
        tpu.yield
      }) : () -> ()
      %add3A_112 = arith.constant 4 : i32
      %add3A_113 = arith.addi %add3A_105, %add3A_112 : i32
      %lt3A_114 = arith.constant 125 : i32
      %lt3A_115 = arith.cmpi slt, %add3A_113, %lt3A_114 : i32
      %convert_element_type3A_116 = arith.extui %lt3A_115 : i1 to i32
      %cond3A_117 = arith.constant 0 : i32
      %cond3A_118 = arith.cmpi ne, %convert_element_type3A_116, %cond3A_117 : i32
      scf.if %cond3A_118 {
        %add3A_120 = arith.constant 4 : i32
        %add3A_121 = arith.addi %add3A_105, %add3A_120 : i32
        %dma_start3A_122 = arith.constant 0 : i32
        %dma_start3A_123 = tpu.memref_slice %arg6[%add3A_121, %dma_start3A_122] : memref<125x80xi32, #tpu.memory_space<vmem>> -> memref<1x80xi32, #tpu.memory_space<vmem>>
        %dma_start3A_124 = tpu.memref_squeeze %dma_start3A_123 : memref<1x80xi32, #tpu.memory_space<vmem>> -> memref<80xi32, #tpu.memory_space<vmem>>
        %dma_start3A_125 = arith.constant 0 : i32
        %dma_start3A_126 = arith.constant 0 : i32
        %dma_start3A_127 = tpu.memref_slice %arg2[%dma_start3A_125, %dma_start3A_126] : memref<10000x64xf32, #tpu.memory_space<hbm>> -> memref<10000x64xf32, #tpu.memory_space<hbm>>
        tpu.enqueue_indirect_dma source(%dma_start3A_127 : memref<10000x64xf32, #tpu.memory_space<hbm>>) target(%arg11 : memref<80x64xf32, #tpu.memory_space<vmem>>) offsets(%dma_start3A_124 : memref<80xi32, #tpu.memory_space<vmem>>) semaphore(%arg17 : memref<!tpu.dma_semaphore, #tpu.memory_space<semaphore_mem>>)
      } else {
      }
      %scan3A_119 = arith.constant 0 : i32
      scf.yield %scan3A_119 : i32
    }
    %scan3A_42 = arith.constant 31 : i32
    %dma_wait3A = arith.constant 124 : i32
    %dma_wait3A_43 = arith.constant 0 : i32
    %dma_wait3A_44 = tpu.memref_slice %arg6[%dma_wait3A, %dma_wait3A_43] : memref<125x80xi32, #tpu.memory_space<vmem>> -> memref<1x80xi32, #tpu.memory_space<vmem>>
    %dma_wait3A_45 = tpu.memref_squeeze %dma_wait3A_44 : memref<1x80xi32, #tpu.memory_space<vmem>> -> memref<80xi32, #tpu.memory_space<vmem>>
    %dma_wait3A_46 = arith.constant 0 : i32
    %dma_wait3A_47 = arith.constant 0 : i32
    %dma_wait3A_48 = tpu.memref_slice %arg2[%dma_wait3A_46, %dma_wait3A_47] : memref<10000x64xf32, #tpu.memory_space<hbm>> -> memref<10000x64xf32, #tpu.memory_space<hbm>>
    tpu.wait_indirect_dma semaphore(%arg14 : memref<!tpu.dma_semaphore, #tpu.memory_space<semaphore_mem>>) src(%dma_wait3A_48 : memref<10000x64xf32, #tpu.memory_space<hbm>>) dst(%arg8 : memref<80x64xf32, #tpu.memory_space<vmem>>)
    %run_scoped3A = arith.constant 124 : i32
    "tpu.region"() ({
      %run_scoped3A_52 = tpu.sem_alloc : memref<!tpu.dma_semaphore, #tpu.memory_space<semaphore_mem>>
      %dma_start3A_53 = arith.constant 0 : i32
      %dma_start3A_54 = tpu.memref_slice %arg7[%run_scoped3A, %dma_start3A_53] : memref<125x80xi32, #tpu.memory_space<vmem>> -> memref<1x80xi32, #tpu.memory_space<vmem>>
      %dma_start3A_55 = tpu.memref_squeeze %dma_start3A_54 : memref<1x80xi32, #tpu.memory_space<vmem>> -> memref<80xi32, #tpu.memory_space<vmem>>
      %dma_start3A_56 = arith.constant 0 : i32
      %dma_start3A_57 = arith.constant 0 : i32
      %dma_start3A_58 = tpu.memref_slice %arg13[%dma_start3A_56, %dma_start3A_57] : memref<10000x64xf32, #tpu.memory_space<vmem_shared>> -> memref<10000x64xf32, #tpu.memory_space<vmem_shared>>
      tpu.enqueue_indirect_dma source(%arg8 : memref<80x64xf32, #tpu.memory_space<vmem>>) target(%dma_start3A_58 : memref<10000x64xf32, #tpu.memory_space<vmem_shared>>) offsets(%dma_start3A_55 : memref<80xi32, #tpu.memory_space<vmem>>) semaphore(%run_scoped3A_52 : memref<!tpu.dma_semaphore, #tpu.memory_space<semaphore_mem>>) {add = true}
      %dma_wait3A_59 = arith.constant 0 : i32
      %dma_wait3A_60 = tpu.memref_slice %arg7[%run_scoped3A, %dma_wait3A_59] : memref<125x80xi32, #tpu.memory_space<vmem>> -> memref<1x80xi32, #tpu.memory_space<vmem>>
      %dma_wait3A_61 = tpu.memref_squeeze %dma_wait3A_60 : memref<1x80xi32, #tpu.memory_space<vmem>> -> memref<80xi32, #tpu.memory_space<vmem>>
      %dma_wait3A_62 = arith.constant 0 : i32
      %dma_wait3A_63 = arith.constant 0 : i32
      %dma_wait3A_64 = tpu.memref_slice %arg13[%dma_wait3A_62, %dma_wait3A_63] : memref<10000x64xf32, #tpu.memory_space<vmem_shared>> -> memref<10000x64xf32, #tpu.memory_space<vmem_shared>>
      tpu.wait_indirect_dma semaphore(%run_scoped3A_52 : memref<!tpu.dma_semaphore, #tpu.memory_space<semaphore_mem>>) src(%arg8 : memref<80x64xf32, #tpu.memory_space<vmem>>) dst(%dma_wait3A_64 : memref<10000x64xf32, #tpu.memory_space<vmem_shared>>)
      tpu.yield
    }) : () -> ()
    %barrier3A_49 = arith.constant 0 : index
    tpu.barrier barrier_id(%barrier3A_49)
    %mul3A_50 = arith.constant 625 : i32
    %mul3A_51 = arith.muli %arg1, %mul3A_50 : i32
    "tpu.region"() ({
      %run_scoped3A_52 = tpu.sem_alloc : memref<!tpu.dma_semaphore, #tpu.memory_space<semaphore_mem>>
      %dma_start3A_53 = arith.constant 0 : i32
      %dma_start3A_54 = tpu.memref_slice %arg13[%mul3A_51, %dma_start3A_53] : memref<10000x64xf32, #tpu.memory_space<vmem_shared>> -> memref<625x64xf32, #tpu.memory_space<vmem_shared>>
      %dma_start3A_55 = arith.constant 0 : i32
      %dma_start3A_56 = tpu.memref_slice %arg13[%mul3A_51, %dma_start3A_55] : memref<10000x64xf32, #tpu.memory_space<vmem_shared>> -> memref<625x64xf32, #tpu.memory_space<vmem_shared>>
      tpu.enqueue_dma source(%dma_start3A_56 : memref<625x64xf32, #tpu.memory_space<vmem_shared>>) target(%arg12 : memref<625x64xf32, #tpu.memory_space<vmem>>) target_semaphore(%run_scoped3A_52 : memref<!tpu.dma_semaphore, #tpu.memory_space<semaphore_mem>>)
      %dma_wait3A_57 = arith.constant 0 : i32
      %dma_wait3A_58 = tpu.memref_slice %arg13[%mul3A_51, %dma_wait3A_57] : memref<10000x64xf32, #tpu.memory_space<vmem_shared>> -> memref<625x64xf32, #tpu.memory_space<vmem_shared>>
      %dma_wait3A_59 = arith.constant 0 : i32
      %dma_wait3A_60 = tpu.memref_slice %arg13[%mul3A_51, %dma_wait3A_59] : memref<10000x64xf32, #tpu.memory_space<vmem_shared>> -> memref<625x64xf32, #tpu.memory_space<vmem_shared>>
      tpu.wait_dma2 semaphore(%run_scoped3A_52 : memref<!tpu.dma_semaphore, #tpu.memory_space<semaphore_mem>>) src(%dma_wait3A_60 : memref<625x64xf32, #tpu.memory_space<vmem_shared>>) dst(%arg12 : memref<625x64xf32, #tpu.memory_space<vmem>>)
      tpu.yield
    }) : () -> ()
    "tpu.region"() ({
      %run_scoped3A_52 = tpu.sem_alloc : memref<!tpu.dma_semaphore, #tpu.memory_space<semaphore_mem>>
      %dma_start3A_53 = arith.constant 0 : i32
      %dma_start3A_54 = arith.constant 0 : i32
      %dma_start3A_55 = tpu.memref_slice %arg5[%arg0, %arg1, %dma_start3A_53, %dma_start3A_54] : memref<2x16x625x64xf32, #tpu.memory_space<hbm>> -> memref<1x1x625x64xf32, #tpu.memory_space<hbm>>
      %dma_start3A_56 = tpu.memref_squeeze %dma_start3A_55 : memref<1x1x625x64xf32, #tpu.memory_space<hbm>> -> memref<625x64xf32, #tpu.memory_space<hbm>>
      %dma_start3A_57 = arith.constant 0 : i32
      %dma_start3A_58 = arith.constant 0 : i32
      %dma_start3A_59 = tpu.memref_slice %arg5[%arg0, %arg1, %dma_start3A_57, %dma_start3A_58] : memref<2x16x625x64xf32, #tpu.memory_space<hbm>> -> memref<1x1x625x64xf32, #tpu.memory_space<hbm>>
      %dma_start3A_60 = tpu.memref_squeeze %dma_start3A_59 : memref<1x1x625x64xf32, #tpu.memory_space<hbm>> -> memref<625x64xf32, #tpu.memory_space<hbm>>
      tpu.enqueue_dma source(%arg12 : memref<625x64xf32, #tpu.memory_space<vmem>>) target(%dma_start3A_60 : memref<625x64xf32, #tpu.memory_space<hbm>>) target_semaphore(%run_scoped3A_52 : memref<!tpu.dma_semaphore, #tpu.memory_space<semaphore_mem>>)
      %dma_wait3A_61 = arith.constant 0 : i32
      %dma_wait3A_62 = arith.constant 0 : i32
      %dma_wait3A_63 = tpu.memref_slice %arg5[%arg0, %arg1, %dma_wait3A_61, %dma_wait3A_62] : memref<2x16x625x64xf32, #tpu.memory_space<hbm>> -> memref<1x1x625x64xf32, #tpu.memory_space<hbm>>
      %dma_wait3A_64 = tpu.memref_squeeze %dma_wait3A_63 : memref<1x1x625x64xf32, #tpu.memory_space<hbm>> -> memref<625x64xf32, #tpu.memory_space<hbm>>
      %dma_wait3A_65 = arith.constant 0 : i32
      %dma_wait3A_66 = arith.constant 0 : i32
      %dma_wait3A_67 = tpu.memref_slice %arg5[%arg0, %arg1, %dma_wait3A_65, %dma_wait3A_66] : memref<2x16x625x64xf32, #tpu.memory_space<hbm>> -> memref<1x1x625x64xf32, #tpu.memory_space<hbm>>
      %dma_wait3A_68 = tpu.memref_squeeze %dma_wait3A_67 : memref<1x1x625x64xf32, #tpu.memory_space<hbm>> -> memref<625x64xf32, #tpu.memory_space<hbm>>
      tpu.wait_dma2 semaphore(%run_scoped3A_52 : memref<!tpu.dma_semaphore, #tpu.memory_space<semaphore_mem>>) src(%arg12 : memref<625x64xf32, #tpu.memory_space<vmem>>) dst(%dma_wait3A_68 : memref<625x64xf32, #tpu.memory_space<hbm>>)
      tpu.yield
    }) : () -> ()
    return
  }
}

module attributes {stable_mosaic.version = 14 : i64} {
  func.func @body(%arg0: i32, %arg1: memref<2000x128xf32, #tpu.memory_space<vmem>>, %arg2: memref<64x128xf32, #tpu.memory_space<vmem>>, %arg3: memref<2x2000x16xf32, #tpu.memory_space<vmem>>, %arg4: memref<2000x64xf32, #tpu.memory_space<vmem>>, %arg5: memref<2000x16xf32, #tpu.memory_space<vmem>>) attributes {dimension_semantics = [#tpu.dimension_semantics<arbitrary>], iteration_bounds = array<i64: 5>, scalar_prefetch = 0 : i64, scratch_operands = 0 : i64, tpu.core_type = #tpu.core_type<tc>, window_params = [{transform_indices = @transform_0, window_bounds = array<i64: 2000, 128>}, {pipeline_mode = #tpu.pipeline_mode<synchronous>, transform_indices = @transform_1, window_bounds = array<i64: 64, 128>}, {transform_indices = @transform_2, window_bounds = array<i64: 2, 2000, 16>}, {transform_indices = @transform_3, window_bounds = array<i64: 2000, 64>}, {transform_indices = @transform_4, window_bounds = array<i64: 2000, 16>}]} {
    %get3A = arith.constant 0 : index
    %get3A_0 = arith.constant 0 : index
    %get3A_1 = arith.constant 0 : index
    %get3A_2 = vector.load %arg3[%get3A, %get3A_0, %get3A_1] : memref<2x2000x16xf32, #tpu.memory_space<vmem>>, vector<1x2000x16xf32>
    %get3A_3 = vector.shape_cast %get3A_2 : vector<1x2000x16xf32> to vector<2000x16xf32>
    %get3A_4 = arith.constant 1 : index
    %get3A_5 = arith.constant 0 : index
    %get3A_6 = arith.constant 0 : index
    %get3A_7 = vector.load %arg3[%get3A_4, %get3A_5, %get3A_6] : memref<2x2000x16xf32, #tpu.memory_space<vmem>>, vector<1x2000x16xf32>
    %get3A_8 = vector.shape_cast %get3A_7 : vector<1x2000x16xf32> to vector<2000x16xf32>
    %add3A = arith.addf %get3A_3, %get3A_8 : vector<2000x16xf32>
    %add3A_9 = arith.constant 1.000000e+00 : f32
    %add3A_10 = vector.broadcast %add3A_9 : f32 to vector<2000x16xf32>
    %add3A_11 = arith.addf %add3A, %add3A_10 : vector<2000x16xf32>
    %rsqrt3A = math.rsqrt %add3A_11 : vector<2000x16xf32>
    %swap3A = arith.constant 0 : index
    %swap3A_12 = arith.constant 0 : index
    %swap3A_13 = vector.load %arg5[%swap3A, %swap3A_12] : memref<2000x16xf32, #tpu.memory_space<vmem>>, vector<2000x16xf32>
    tpu.vector_store %arg5[%swap3A, %swap3A_12], %rsqrt3A {strides = array<i32>} : memref<2000x16xf32, #tpu.memory_space<vmem>>, vector<2000x16xf32>,
    %get3A_14 = arith.constant 0 : index
    %get3A_15 = arith.constant 0 : index
    %get3A_16 = vector.load %arg1[%get3A_14, %get3A_15] : memref<2000x128xf32, #tpu.memory_space<vmem>>, vector<2000x128xf32>
    %get3A_17 = arith.constant 0 : index
    %get3A_18 = arith.constant 0 : index
    %get3A_19 = vector.load %arg2[%get3A_17, %get3A_18] : memref<64x128xf32, #tpu.memory_space<vmem>>, vector<64x128xf32>
    %dot_general3A = arith.constant dense<0.000000e+00> : vector<2000x64xf32>
    %dot_general3A_20 = tpu.matmul %get3A_16, %get3A_19, %dot_general3A {dimension_numbers = #tpu.dot_dimension_numbers<[1], [1], [0], [0], [0, 0, 1, 0], [], []>, transpose_lhs_hint = false} : vector<2000x128xf32>, vector<64x128xf32>, vector<2000x64xf32> -> vector<2000x64xf32>
    %slice3A = vector.extract_strided_slice %rsqrt3A {offsets = [0, 0], sizes = [2000, 1], strides = [1, 1]} : vector<2000x16xf32> to vector<2000x1xf32>
    %mul3A = vector.broadcast %slice3A : vector<2000x1xf32> to vector<2000x64xf32>
    %mul3A_21 = arith.mulf %dot_general3A_20, %mul3A : vector<2000x64xf32>
    %swap3A_22 = arith.constant 0 : index
    %swap3A_23 = arith.constant 0 : index
    %swap3A_24 = vector.load %arg4[%swap3A_22, %swap3A_23] : memref<2000x64xf32, #tpu.memory_space<vmem>>, vector<2000x64xf32>
    tpu.vector_store %arg4[%swap3A_22, %swap3A_23], %mul3A_21 {strides = array<i32>} : memref<2000x64xf32, #tpu.memory_space<vmem>>, vector<2000x64xf32>,
    return
  }
  func.func @transform_0(%arg0: i32) -> (i32, i32) {
    %c0_i32 = arith.constant 0 : i32
    %c0_i32_0 = arith.constant 0 : i32
    return %arg0, %c0_i32 : i32, i32
  }
  func.func @transform_1(%arg0: i32) -> (i32, i32) {
    %c0_i32 = arith.constant 0 : i32
    %c0_i32_0 = arith.constant 0 : i32
    %c0_i32_1 = arith.constant 0 : i32
    return %c0_i32, %c0_i32_0 : i32, i32
  }
  func.func @transform_2(%arg0: i32) -> (i32, i32, i32) {
    %c0_i32 = arith.constant 0 : i32
    %c0_i32_0 = arith.constant 0 : i32
    %c0_i32_1 = arith.constant 0 : i32
    return %c0_i32, %arg0, %c0_i32_0 : i32, i32, i32
  }
  func.func @transform_3(%arg0: i32) -> (i32, i32) {
    %c0_i32 = arith.constant 0 : i32
    %c0_i32_0 = arith.constant 0 : i32
    return %arg0, %c0_i32 : i32, i32
  }
  func.func @transform_4(%arg0: i32) -> (i32, i32) {
    %c0_i32 = arith.constant 0 : i32
    %c0_i32_0 = arith.constant 0 : i32
    return %arg0, %c0_i32 : i32, i32
  }
}

module attributes {stable_mosaic.version = 14 : i64} {
  func.func @body(%arg0: i32, %arg1: i32, %arg2: memref<2x2000x64xf32, #tpu.memory_space<vmem>>, %arg3: memref<2000x64xf32, #tpu.memory_space<vmem>>, %arg4: memref<1x64xf32, #tpu.memory_space<vmem>>, %arg5: memref<1x64xf32, #tpu.memory_space<vmem>>, %arg6: memref<1x64xf32, #tpu.memory_space<vmem>>, %arg7: memref<64x64xf32, #tpu.memory_space<vmem>>, %arg8: memref<2000x16xf32, #tpu.memory_space<vmem>>, %arg9: memref<2000x64xf32, #tpu.memory_space<vmem>>, %arg10: memref<2000x64xf32, #tpu.memory_space<vmem>>, %arg11: memref<5x2000x64xf32, #tpu.memory_space<vmem>>, %arg12: memref<2x64xf32, #tpu.memory_space<vmem>>) attributes {dimension_semantics = [#tpu.dimension_semantics<arbitrary>, #tpu.dimension_semantics<arbitrary>], iteration_bounds = array<i64: 2, 5>, scalar_prefetch = 0 : i64, scratch_operands = 2 : i64, tpu.core_type = #tpu.core_type<tc>, window_params = [{transform_indices = @transform_0, window_bounds = array<i64: 2, 2000, 64>}, {transform_indices = @transform_1, window_bounds = array<i64: 2000, 64>}, {pipeline_mode = #tpu.pipeline_mode<synchronous>, transform_indices = @transform_2, window_bounds = array<i64: 1, 64>}, {pipeline_mode = #tpu.pipeline_mode<synchronous>, transform_indices = @transform_3, window_bounds = array<i64: 1, 64>}, {pipeline_mode = #tpu.pipeline_mode<synchronous>, transform_indices = @transform_4, window_bounds = array<i64: 1, 64>}, {pipeline_mode = #tpu.pipeline_mode<synchronous>, transform_indices = @transform_5, window_bounds = array<i64: 64, 64>}, {transform_indices = @transform_6, window_bounds = array<i64: 2000, 16>}, {transform_indices = @transform_7, window_bounds = array<i64: 2000, 64>}, {transform_indices = @transform_8, window_bounds = array<i64: 2000, 64>}]} {
    %eq3A = arith.constant 0 : i32
    %eq3A_0 = arith.cmpi eq, %arg0, %eq3A : i32
    %convert_element_type3A = arith.extui %eq3A_0 : i1 to i32
    %cond3A = arith.constant 0 : i32
    %cond3A_1 = arith.cmpi ne, %convert_element_type3A, %cond3A : i32
    scf.if %cond3A_1 {
      %get3A = arith.constant 0 : index
      %get3A_7 = arith.constant 0 : index
      %get3A_8 = vector.load %arg8[%get3A, %get3A_7] : memref<2000x16xf32, #tpu.memory_space<vmem>>, vector<2000x1xf32>
      %get3A_9 = arith.constant 0 : index
      %get3A_10 = arith.constant 0 : index
      %get3A_11 = arith.constant 0 : index
      %get3A_12 = vector.load %arg2[%get3A_9, %get3A_10, %get3A_11] : memref<2x2000x64xf32, #tpu.memory_space<vmem>>, vector<1x2000x64xf32>
      %get3A_13 = vector.shape_cast %get3A_12 : vector<1x2000x64xf32> to vector<2000x64xf32>
      %get3A_14 = arith.constant 1 : index
      %get3A_15 = arith.constant 0 : index
      %get3A_16 = arith.constant 0 : index
      %get3A_17 = vector.load %arg2[%get3A_14, %get3A_15, %get3A_16] : memref<2x2000x64xf32, #tpu.memory_space<vmem>>, vector<1x2000x64xf32>
      %get3A_18 = vector.shape_cast %get3A_17 : vector<1x2000x64xf32> to vector<2000x64xf32>
      %add3A = arith.addf %get3A_13, %get3A_18 : vector<2000x64xf32>
      %get3A_19 = arith.constant 0 : index
      %get3A_20 = arith.constant 0 : index
      %get3A_21 = vector.load %arg3[%get3A_19, %get3A_20] : memref<2000x64xf32, #tpu.memory_space<vmem>>, vector<2000x64xf32>
      %add3A_22 = arith.addf %add3A, %get3A_21 : vector<2000x64xf32>
      %mul3A = vector.broadcast %get3A_8 : vector<2000x1xf32> to vector<2000x64xf32>
      %mul3A_23 = arith.mulf %mul3A, %add3A_22 : vector<2000x64xf32>
      %get3A_24 = arith.constant 0 : index
      %get3A_25 = arith.constant 0 : index
      %get3A_26 = vector.load %arg4[%get3A_24, %get3A_25] : memref<1x64xf32, #tpu.memory_space<vmem>>, vector<1x64xf32>
      %add3A_27 = vector.broadcast %get3A_26 : vector<1x64xf32> to vector<2000x64xf32>
      %add3A_28 = arith.addf %mul3A_23, %add3A_27 : vector<2000x64xf32>
      %swap3A = arith.index_cast %arg1 : i32 to index
      %swap3A_29 = arith.constant 0 : index
      %swap3A_30 = arith.constant 0 : index
      %swap3A_31 = vector.load %arg11[%swap3A, %swap3A_29, %swap3A_30] : memref<5x2000x64xf32, #tpu.memory_space<vmem>>, vector<1x2000x64xf32>
      %swap3A_32 = vector.shape_cast %swap3A_31 : vector<1x2000x64xf32> to vector<2000x64xf32>
      %swap3A_33 = vector.shape_cast %add3A_28 : vector<2000x64xf32> to vector<1x2000x64xf32>
      tpu.vector_store %arg11[%swap3A, %swap3A_29, %swap3A_30], %swap3A_33 {strides = array<i32>} : memref<5x2000x64xf32, #tpu.memory_space<vmem>>, vector<1x2000x64xf32>,
      %reduce_sum3A = arith.constant dense<0.000000e+00> : vector<64xf32>
      %reduce_sum3A_34 = vector.multi_reduction <add>, %add3A_28, %reduce_sum3A [0] : vector<2000x64xf32> to vector<64xf32>
      %broadcast_in_dim3A = vector.shape_cast %reduce_sum3A_34 : vector<64xf32> to vector<1x64xf32>
      %mul3A_35 = arith.mulf %add3A_28, %add3A_28 : vector<2000x64xf32>
      %reduce_sum3A_36 = arith.constant dense<0.000000e+00> : vector<64xf32>
      %reduce_sum3A_37 = vector.multi_reduction <add>, %mul3A_35, %reduce_sum3A_36 [0] : vector<2000x64xf32> to vector<64xf32>
      %broadcast_in_dim3A_38 = vector.shape_cast %reduce_sum3A_37 : vector<64xf32> to vector<1x64xf32>
      %concatenate3A = tpu.concatenate %broadcast_in_dim3A, %broadcast_in_dim3A_38 in 0 : vector<1x64xf32>, vector<1x64xf32> -> vector<2x64xf32>
      %eq3A_39 = arith.constant 0 : i32
      %eq3A_40 = arith.cmpi eq, %arg1, %eq3A_39 : i32
      %convert_element_type3A_41 = arith.extui %eq3A_40 : i1 to i32
      %cond3A_42 = arith.constant 0 : i32
      %cond3A_43 = arith.cmpi ne, %convert_element_type3A_41, %cond3A_42 : i32
      scf.if %cond3A_43 {
        %swap3A_48 = arith.constant 0 : index
        %swap3A_49 = arith.constant 0 : index
        %swap3A_50 = vector.load %arg12[%swap3A_48, %swap3A_49] : memref<2x64xf32, #tpu.memory_space<vmem>>, vector<2x64xf32>
        tpu.vector_store %arg12[%swap3A_48, %swap3A_49], %concatenate3A {strides = array<i32>} : memref<2x64xf32, #tpu.memory_space<vmem>>, vector<2x64xf32>,
      } else {
      }
      %gt3A = arith.constant 0 : i32
      %gt3A_44 = arith.cmpi sgt, %arg1, %gt3A : i32
      %convert_element_type3A_45 = arith.extui %gt3A_44 : i1 to i32
      %cond3A_46 = arith.constant 0 : i32
      %cond3A_47 = arith.cmpi ne, %convert_element_type3A_45, %cond3A_46 : i32
      scf.if %cond3A_47 {
        %get3A_48 = arith.constant 0 : index
        %get3A_49 = arith.constant 0 : index
        %get3A_50 = vector.load %arg12[%get3A_48, %get3A_49] : memref<2x64xf32, #tpu.memory_space<vmem>>, vector<2x64xf32>
        %add3A_51 = arith.addf %get3A_50, %concatenate3A : vector<2x64xf32>
        %swap3A_52 = arith.constant 0 : index
        %swap3A_53 = arith.constant 0 : index
        %swap3A_54 = vector.load %arg12[%swap3A_52, %swap3A_53] : memref<2x64xf32, #tpu.memory_space<vmem>>, vector<2x64xf32>
        tpu.vector_store %arg12[%swap3A_52, %swap3A_53], %add3A_51 {strides = array<i32>} : memref<2x64xf32, #tpu.memory_space<vmem>>, vector<2x64xf32>,
      } else {
      }
    } else {
    }
    %eq3A_2 = arith.constant 1 : i32
    %eq3A_3 = arith.cmpi eq, %arg0, %eq3A_2 : i32
    %convert_element_type3A_4 = arith.extui %eq3A_3 : i1 to i32
    %cond3A_5 = arith.constant 0 : i32
    %cond3A_6 = arith.cmpi ne, %convert_element_type3A_4, %cond3A_5 : i32
    scf.if %cond3A_6 {
      %get3A = arith.constant 0 : index
      %get3A_7 = arith.constant 0 : index
      %get3A_8 = vector.load %arg12[%get3A, %get3A_7] : memref<2x64xf32, #tpu.memory_space<vmem>>, vector<1x64xf32>
      %div3A = arith.constant 1.000000e+04 : f32
      %div3A_9 = vector.broadcast %div3A : f32 to vector<1x64xf32>
      %div3A_10 = arith.divf %get3A_8, %div3A_9 : vector<1x64xf32>
      %get3A_11 = arith.constant 1 : index
      %get3A_12 = arith.constant 0 : index
      %get3A_13 = vector.load %arg12[%get3A_11, %get3A_12] : memref<2x64xf32, #tpu.memory_space<vmem>>, vector<1x64xf32>
      %div3A_14 = arith.constant 1.000000e+04 : f32
      %div3A_15 = vector.broadcast %div3A_14 : f32 to vector<1x64xf32>
      %div3A_16 = arith.divf %get3A_13, %div3A_15 : vector<1x64xf32>
      %mul3A = arith.mulf %div3A_10, %div3A_10 : vector<1x64xf32>
      %sub3A = arith.subf %div3A_16, %mul3A : vector<1x64xf32>
      %add3A = arith.constant 9.99999974E-6 : f32
      %add3A_17 = vector.broadcast %add3A : f32 to vector<1x64xf32>
      %add3A_18 = arith.addf %sub3A, %add3A_17 : vector<1x64xf32>
      %rsqrt3A = math.rsqrt %add3A_18 : vector<1x64xf32>
      %get3A_19 = arith.constant 0 : index
      %get3A_20 = arith.constant 0 : index
      %get3A_21 = vector.load %arg5[%get3A_19, %get3A_20] : memref<1x64xf32, #tpu.memory_space<vmem>>, vector<1x64xf32>
      %mul3A_22 = arith.mulf %rsqrt3A, %get3A_21 : vector<1x64xf32>
      %get3A_23 = arith.index_cast %arg1 : i32 to index
      %get3A_24 = arith.constant 0 : index
      %get3A_25 = arith.constant 0 : index
      %get3A_26 = vector.load %arg11[%get3A_23, %get3A_24, %get3A_25] : memref<5x2000x64xf32, #tpu.memory_space<vmem>>, vector<1x2000x64xf32>
      %get3A_27 = vector.shape_cast %get3A_26 : vector<1x2000x64xf32> to vector<2000x64xf32>
      %sub3A_28 = vector.broadcast %div3A_10 : vector<1x64xf32> to vector<2000x64xf32>
      %sub3A_29 = arith.subf %get3A_27, %sub3A_28 : vector<2000x64xf32>
      %mul3A_30 = vector.broadcast %mul3A_22 : vector<1x64xf32> to vector<2000x64xf32>
      %mul3A_31 = arith.mulf %sub3A_29, %mul3A_30 : vector<2000x64xf32>
      %get3A_32 = arith.constant 0 : index
      %get3A_33 = arith.constant 0 : index
      %get3A_34 = vector.load %arg6[%get3A_32, %get3A_33] : memref<1x64xf32, #tpu.memory_space<vmem>>, vector<1x64xf32>
      %add3A_35 = vector.broadcast %get3A_34 : vector<1x64xf32> to vector<2000x64xf32>
      %add3A_36 = arith.addf %mul3A_31, %add3A_35 : vector<2000x64xf32>
      %max3A = arith.constant 0.000000e+00 : f32
      %max3A_37 = vector.broadcast %max3A : f32 to vector<2000x64xf32>
      %max3A_38 = arith.maximumf %add3A_36, %max3A_37 : vector<2000x64xf32>
      %swap3A = arith.constant 0 : index
      %swap3A_39 = arith.constant 0 : index
      %swap3A_40 = vector.load %arg9[%swap3A, %swap3A_39] : memref<2000x64xf32, #tpu.memory_space<vmem>>, vector<2000x64xf32>
      tpu.vector_store %arg9[%swap3A, %swap3A_39], %max3A_38 {strides = array<i32>} : memref<2000x64xf32, #tpu.memory_space<vmem>>, vector<2000x64xf32>,
      %get3A_41 = arith.constant 0 : index
      %get3A_42 = arith.constant 0 : index
      %get3A_43 = vector.load %arg7[%get3A_41, %get3A_42] : memref<64x64xf32, #tpu.memory_space<vmem>>, vector<64x64xf32>
      %dot_general3A = arith.constant dense<0.000000e+00> : vector<2000x64xf32>
      %dot_general3A_44 = tpu.matmul %max3A_38, %get3A_43, %dot_general3A {dimension_numbers = #tpu.dot_dimension_numbers<[1], [1], [0], [0], [0, 0, 1, 0], [], []>, transpose_lhs_hint = false} : vector<2000x64xf32>, vector<64x64xf32>, vector<2000x64xf32> -> vector<2000x64xf32>
      %get3A_45 = arith.constant 0 : index
      %get3A_46 = arith.constant 0 : index
      %get3A_47 = vector.load %arg8[%get3A_45, %get3A_46] : memref<2000x16xf32, #tpu.memory_space<vmem>>, vector<2000x1xf32>
      %mul3A_48 = vector.broadcast %get3A_47 : vector<2000x1xf32> to vector<2000x64xf32>
      %mul3A_49 = arith.mulf %dot_general3A_44, %mul3A_48 : vector<2000x64xf32>
      %swap3A_50 = arith.constant 0 : index
      %swap3A_51 = arith.constant 0 : index
      %swap3A_52 = vector.load %arg10[%swap3A_50, %swap3A_51] : memref<2000x64xf32, #tpu.memory_space<vmem>>, vector<2000x64xf32>
      tpu.vector_store %arg10[%swap3A_50, %swap3A_51], %mul3A_49 {strides = array<i32>} : memref<2000x64xf32, #tpu.memory_space<vmem>>, vector<2000x64xf32>,
    } else {
    }
    return
  }
  func.func @transform_0(%arg0: i32, %arg1: i32) -> (i32, i32, i32) {
    %sub3A = arith.constant 1 : i32
    %sub3A_0 = arith.subi %sub3A, %arg0 : i32
    %mul3A = arith.muli %arg1, %sub3A_0 : i32
    %mul3A_1 = arith.constant 4 : i32
    %mul3A_2 = arith.muli %mul3A_1, %arg0 : i32
    %add3A = arith.addi %mul3A, %mul3A_2 : i32
    %c0_i32 = arith.constant 0 : i32
    %c0_i32_3 = arith.constant 0 : i32
    %c0_i32_4 = arith.constant 0 : i32
    return %c0_i32, %add3A, %c0_i32_3 : i32, i32, i32
  }
  func.func @transform_1(%arg0: i32, %arg1: i32) -> (i32, i32) {
    %sub3A = arith.constant 1 : i32
    %sub3A_0 = arith.subi %sub3A, %arg0 : i32
    %mul3A = arith.muli %arg1, %sub3A_0 : i32
    %mul3A_1 = arith.constant 4 : i32
    %mul3A_2 = arith.muli %mul3A_1, %arg0 : i32
    %add3A = arith.addi %mul3A, %mul3A_2 : i32
    %c0_i32 = arith.constant 0 : i32
    %c0_i32_3 = arith.constant 0 : i32
    return %add3A, %c0_i32 : i32, i32
  }
  func.func @transform_2(%arg0: i32, %arg1: i32) -> (i32, i32) {
    %c0_i32 = arith.constant 0 : i32
    %c0_i32_0 = arith.constant 0 : i32
    %c0_i32_1 = arith.constant 0 : i32
    return %c0_i32, %c0_i32_0 : i32, i32
  }
  func.func @transform_3(%arg0: i32, %arg1: i32) -> (i32, i32) {
    %c0_i32 = arith.constant 0 : i32
    %c0_i32_0 = arith.constant 0 : i32
    %c0_i32_1 = arith.constant 0 : i32
    return %c0_i32, %c0_i32_0 : i32, i32
  }
  func.func @transform_4(%arg0: i32, %arg1: i32) -> (i32, i32) {
    %c0_i32 = arith.constant 0 : i32
    %c0_i32_0 = arith.constant 0 : i32
    %c0_i32_1 = arith.constant 0 : i32
    return %c0_i32, %c0_i32_0 : i32, i32
  }
  func.func @transform_5(%arg0: i32, %arg1: i32) -> (i32, i32) {
    %c0_i32 = arith.constant 0 : i32
    %c0_i32_0 = arith.constant 0 : i32
    %c0_i32_1 = arith.constant 0 : i32
    return %c0_i32, %c0_i32_0 : i32, i32
  }
  func.func @transform_6(%arg0: i32, %arg1: i32) -> (i32, i32) {
    %c0_i32 = arith.constant 0 : i32
    %c0_i32_0 = arith.constant 0 : i32
    return %arg1, %c0_i32 : i32, i32
  }
  func.func @transform_7(%arg0: i32, %arg1: i32) -> (i32, i32) {
    %c0_i32 = arith.constant 0 : i32
    %c0_i32_0 = arith.constant 0 : i32
    return %arg1, %c0_i32 : i32, i32
  }
  func.func @transform_8(%arg0: i32, %arg1: i32) -> (i32, i32) {
    %c0_i32 = arith.constant 0 : i32
    %c0_i32_0 = arith.constant 0 : i32
    return %arg1, %c0_i32 : i32, i32
  }
}

module attributes {stable_mosaic.version = 14 : i64} {
  func.func @body(%arg0: i32, %arg1: i32, %arg2: memref<2x2000x64xf32, #tpu.memory_space<vmem>>, %arg3: memref<2000x64xf32, #tpu.memory_space<vmem>>, %arg4: memref<1x64xf32, #tpu.memory_space<vmem>>, %arg5: memref<1x64xf32, #tpu.memory_space<vmem>>, %arg6: memref<1x64xf32, #tpu.memory_space<vmem>>, %arg7: memref<2000x64xf32, #tpu.memory_space<vmem>>, %arg8: memref<64x64xf32, #tpu.memory_space<vmem>>, %arg9: memref<2000x16xf32, #tpu.memory_space<vmem>>, %arg10: memref<2000x64xf32, #tpu.memory_space<vmem>>, %arg11: memref<2000x64xf32, #tpu.memory_space<vmem>>, %arg12: memref<5x2000x64xf32, #tpu.memory_space<vmem>>, %arg13: memref<2x64xf32, #tpu.memory_space<vmem>>) attributes {dimension_semantics = [#tpu.dimension_semantics<arbitrary>, #tpu.dimension_semantics<arbitrary>], iteration_bounds = array<i64: 2, 5>, scalar_prefetch = 0 : i64, scratch_operands = 2 : i64, tpu.core_type = #tpu.core_type<tc>, window_params = [{transform_indices = @transform_0, window_bounds = array<i64: 2, 2000, 64>}, {transform_indices = @transform_1, window_bounds = array<i64: 2000, 64>}, {pipeline_mode = #tpu.pipeline_mode<synchronous>, transform_indices = @transform_2, window_bounds = array<i64: 1, 64>}, {pipeline_mode = #tpu.pipeline_mode<synchronous>, transform_indices = @transform_3, window_bounds = array<i64: 1, 64>}, {pipeline_mode = #tpu.pipeline_mode<synchronous>, transform_indices = @transform_4, window_bounds = array<i64: 1, 64>}, {transform_indices = @transform_5, window_bounds = array<i64: 2000, 64>}, {pipeline_mode = #tpu.pipeline_mode<synchronous>, transform_indices = @transform_6, window_bounds = array<i64: 64, 64>}, {transform_indices = @transform_7, window_bounds = array<i64: 2000, 16>}, {transform_indices = @transform_8, window_bounds = array<i64: 2000, 64>}, {transform_indices = @transform_9, window_bounds = array<i64: 2000, 64>}]} {
    %eq3A = arith.constant 0 : i32
    %eq3A_0 = arith.cmpi eq, %arg0, %eq3A : i32
    %convert_element_type3A = arith.extui %eq3A_0 : i1 to i32
    %cond3A = arith.constant 0 : i32
    %cond3A_1 = arith.cmpi ne, %convert_element_type3A, %cond3A : i32
    scf.if %cond3A_1 {
      %get3A = arith.constant 0 : index
      %get3A_7 = arith.constant 0 : index
      %get3A_8 = vector.load %arg9[%get3A, %get3A_7] : memref<2000x16xf32, #tpu.memory_space<vmem>>, vector<2000x1xf32>
      %get3A_9 = arith.constant 0 : index
      %get3A_10 = arith.constant 0 : index
      %get3A_11 = arith.constant 0 : index
      %get3A_12 = vector.load %arg2[%get3A_9, %get3A_10, %get3A_11] : memref<2x2000x64xf32, #tpu.memory_space<vmem>>, vector<1x2000x64xf32>
      %get3A_13 = vector.shape_cast %get3A_12 : vector<1x2000x64xf32> to vector<2000x64xf32>
      %get3A_14 = arith.constant 1 : index
      %get3A_15 = arith.constant 0 : index
      %get3A_16 = arith.constant 0 : index
      %get3A_17 = vector.load %arg2[%get3A_14, %get3A_15, %get3A_16] : memref<2x2000x64xf32, #tpu.memory_space<vmem>>, vector<1x2000x64xf32>
      %get3A_18 = vector.shape_cast %get3A_17 : vector<1x2000x64xf32> to vector<2000x64xf32>
      %add3A = arith.addf %get3A_13, %get3A_18 : vector<2000x64xf32>
      %get3A_19 = arith.constant 0 : index
      %get3A_20 = arith.constant 0 : index
      %get3A_21 = vector.load %arg3[%get3A_19, %get3A_20] : memref<2000x64xf32, #tpu.memory_space<vmem>>, vector<2000x64xf32>
      %add3A_22 = arith.addf %add3A, %get3A_21 : vector<2000x64xf32>
      %mul3A = vector.broadcast %get3A_8 : vector<2000x1xf32> to vector<2000x64xf32>
      %mul3A_23 = arith.mulf %mul3A, %add3A_22 : vector<2000x64xf32>
      %get3A_24 = arith.constant 0 : index
      %get3A_25 = arith.constant 0 : index
      %get3A_26 = vector.load %arg4[%get3A_24, %get3A_25] : memref<1x64xf32, #tpu.memory_space<vmem>>, vector<1x64xf32>
      %add3A_27 = vector.broadcast %get3A_26 : vector<1x64xf32> to vector<2000x64xf32>
      %add3A_28 = arith.addf %mul3A_23, %add3A_27 : vector<2000x64xf32>
      %swap3A = arith.index_cast %arg1 : i32 to index
      %swap3A_29 = arith.constant 0 : index
      %swap3A_30 = arith.constant 0 : index
      %swap3A_31 = vector.load %arg12[%swap3A, %swap3A_29, %swap3A_30] : memref<5x2000x64xf32, #tpu.memory_space<vmem>>, vector<1x2000x64xf32>
      %swap3A_32 = vector.shape_cast %swap3A_31 : vector<1x2000x64xf32> to vector<2000x64xf32>
      %swap3A_33 = vector.shape_cast %add3A_28 : vector<2000x64xf32> to vector<1x2000x64xf32>
      tpu.vector_store %arg12[%swap3A, %swap3A_29, %swap3A_30], %swap3A_33 {strides = array<i32>} : memref<5x2000x64xf32, #tpu.memory_space<vmem>>, vector<1x2000x64xf32>,
      %reduce_sum3A = arith.constant dense<0.000000e+00> : vector<64xf32>
      %reduce_sum3A_34 = vector.multi_reduction <add>, %add3A_28, %reduce_sum3A [0] : vector<2000x64xf32> to vector<64xf32>
      %broadcast_in_dim3A = vector.shape_cast %reduce_sum3A_34 : vector<64xf32> to vector<1x64xf32>
      %mul3A_35 = arith.mulf %add3A_28, %add3A_28 : vector<2000x64xf32>
      %reduce_sum3A_36 = arith.constant dense<0.000000e+00> : vector<64xf32>
      %reduce_sum3A_37 = vector.multi_reduction <add>, %mul3A_35, %reduce_sum3A_36 [0] : vector<2000x64xf32> to vector<64xf32>
      %broadcast_in_dim3A_38 = vector.shape_cast %reduce_sum3A_37 : vector<64xf32> to vector<1x64xf32>
      %concatenate3A = tpu.concatenate %broadcast_in_dim3A, %broadcast_in_dim3A_38 in 0 : vector<1x64xf32>, vector<1x64xf32> -> vector<2x64xf32>
      %eq3A_39 = arith.constant 0 : i32
      %eq3A_40 = arith.cmpi eq, %arg1, %eq3A_39 : i32
      %convert_element_type3A_41 = arith.extui %eq3A_40 : i1 to i32
      %cond3A_42 = arith.constant 0 : i32
      %cond3A_43 = arith.cmpi ne, %convert_element_type3A_41, %cond3A_42 : i32
      scf.if %cond3A_43 {
        %swap3A_48 = arith.constant 0 : index
        %swap3A_49 = arith.constant 0 : index
        %swap3A_50 = vector.load %arg13[%swap3A_48, %swap3A_49] : memref<2x64xf32, #tpu.memory_space<vmem>>, vector<2x64xf32>
        tpu.vector_store %arg13[%swap3A_48, %swap3A_49], %concatenate3A {strides = array<i32>} : memref<2x64xf32, #tpu.memory_space<vmem>>, vector<2x64xf32>,
      } else {
      }
      %gt3A = arith.constant 0 : i32
      %gt3A_44 = arith.cmpi sgt, %arg1, %gt3A : i32
      %convert_element_type3A_45 = arith.extui %gt3A_44 : i1 to i32
      %cond3A_46 = arith.constant 0 : i32
      %cond3A_47 = arith.cmpi ne, %convert_element_type3A_45, %cond3A_46 : i32
      scf.if %cond3A_47 {
        %get3A_48 = arith.constant 0 : index
        %get3A_49 = arith.constant 0 : index
        %get3A_50 = vector.load %arg13[%get3A_48, %get3A_49] : memref<2x64xf32, #tpu.memory_space<vmem>>, vector<2x64xf32>
        %add3A_51 = arith.addf %get3A_50, %concatenate3A : vector<2x64xf32>
        %swap3A_52 = arith.constant 0 : index
        %swap3A_53 = arith.constant 0 : index
        %swap3A_54 = vector.load %arg13[%swap3A_52, %swap3A_53] : memref<2x64xf32, #tpu.memory_space<vmem>>, vector<2x64xf32>
        tpu.vector_store %arg13[%swap3A_52, %swap3A_53], %add3A_51 {strides = array<i32>} : memref<2x64xf32, #tpu.memory_space<vmem>>, vector<2x64xf32>,
      } else {
      }
    } else {
    }
    %eq3A_2 = arith.constant 1 : i32
    %eq3A_3 = arith.cmpi eq, %arg0, %eq3A_2 : i32
    %convert_element_type3A_4 = arith.extui %eq3A_3 : i1 to i32
    %cond3A_5 = arith.constant 0 : i32
    %cond3A_6 = arith.cmpi ne, %convert_element_type3A_4, %cond3A_5 : i32
    scf.if %cond3A_6 {
      %get3A = arith.constant 0 : index
      %get3A_7 = arith.constant 0 : index
      %get3A_8 = vector.load %arg13[%get3A, %get3A_7] : memref<2x64xf32, #tpu.memory_space<vmem>>, vector<1x64xf32>
      %div3A = arith.constant 1.000000e+04 : f32
      %div3A_9 = vector.broadcast %div3A : f32 to vector<1x64xf32>
      %div3A_10 = arith.divf %get3A_8, %div3A_9 : vector<1x64xf32>
      %get3A_11 = arith.constant 1 : index
      %get3A_12 = arith.constant 0 : index
      %get3A_13 = vector.load %arg13[%get3A_11, %get3A_12] : memref<2x64xf32, #tpu.memory_space<vmem>>, vector<1x64xf32>
      %div3A_14 = arith.constant 1.000000e+04 : f32
      %div3A_15 = vector.broadcast %div3A_14 : f32 to vector<1x64xf32>
      %div3A_16 = arith.divf %get3A_13, %div3A_15 : vector<1x64xf32>
      %mul3A = arith.mulf %div3A_10, %div3A_10 : vector<1x64xf32>
      %sub3A = arith.subf %div3A_16, %mul3A : vector<1x64xf32>
      %add3A = arith.constant 9.99999974E-6 : f32
      %add3A_17 = vector.broadcast %add3A : f32 to vector<1x64xf32>
      %add3A_18 = arith.addf %sub3A, %add3A_17 : vector<1x64xf32>
      %rsqrt3A = math.rsqrt %add3A_18 : vector<1x64xf32>
      %get3A_19 = arith.constant 0 : index
      %get3A_20 = arith.constant 0 : index
      %get3A_21 = vector.load %arg5[%get3A_19, %get3A_20] : memref<1x64xf32, #tpu.memory_space<vmem>>, vector<1x64xf32>
      %mul3A_22 = arith.mulf %rsqrt3A, %get3A_21 : vector<1x64xf32>
      %get3A_23 = arith.index_cast %arg1 : i32 to index
      %get3A_24 = arith.constant 0 : index
      %get3A_25 = arith.constant 0 : index
      %get3A_26 = vector.load %arg12[%get3A_23, %get3A_24, %get3A_25] : memref<5x2000x64xf32, #tpu.memory_space<vmem>>, vector<1x2000x64xf32>
      %get3A_27 = vector.shape_cast %get3A_26 : vector<1x2000x64xf32> to vector<2000x64xf32>
      %sub3A_28 = vector.broadcast %div3A_10 : vector<1x64xf32> to vector<2000x64xf32>
      %sub3A_29 = arith.subf %get3A_27, %sub3A_28 : vector<2000x64xf32>
      %mul3A_30 = vector.broadcast %mul3A_22 : vector<1x64xf32> to vector<2000x64xf32>
      %mul3A_31 = arith.mulf %sub3A_29, %mul3A_30 : vector<2000x64xf32>
      %get3A_32 = arith.constant 0 : index
      %get3A_33 = arith.constant 0 : index
      %get3A_34 = vector.load %arg6[%get3A_32, %get3A_33] : memref<1x64xf32, #tpu.memory_space<vmem>>, vector<1x64xf32>
      %add3A_35 = vector.broadcast %get3A_34 : vector<1x64xf32> to vector<2000x64xf32>
      %add3A_36 = arith.addf %mul3A_31, %add3A_35 : vector<2000x64xf32>
      %max3A = arith.constant 0.000000e+00 : f32
      %max3A_37 = vector.broadcast %max3A : f32 to vector<2000x64xf32>
      %max3A_38 = arith.maximumf %add3A_36, %max3A_37 : vector<2000x64xf32>
      %get3A_39 = arith.constant 0 : index
      %get3A_40 = arith.constant 0 : index
      %get3A_41 = vector.load %arg7[%get3A_39, %get3A_40] : memref<2000x64xf32, #tpu.memory_space<vmem>>, vector<2000x64xf32>
      %add3A_42 = arith.addf %max3A_38, %get3A_41 : vector<2000x64xf32>
      %swap3A = arith.constant 0 : index
      %swap3A_43 = arith.constant 0 : index
      %swap3A_44 = vector.load %arg10[%swap3A, %swap3A_43] : memref<2000x64xf32, #tpu.memory_space<vmem>>, vector<2000x64xf32>
      tpu.vector_store %arg10[%swap3A, %swap3A_43], %add3A_42 {strides = array<i32>} : memref<2000x64xf32, #tpu.memory_space<vmem>>, vector<2000x64xf32>,
      %get3A_45 = arith.constant 0 : index
      %get3A_46 = arith.constant 0 : index
      %get3A_47 = vector.load %arg8[%get3A_45, %get3A_46] : memref<64x64xf32, #tpu.memory_space<vmem>>, vector<64x64xf32>
      %dot_general3A = arith.constant dense<0.000000e+00> : vector<2000x64xf32>
      %dot_general3A_48 = tpu.matmul %add3A_42, %get3A_47, %dot_general3A {dimension_numbers = #tpu.dot_dimension_numbers<[1], [1], [0], [0], [0, 0, 1, 0], [], []>, transpose_lhs_hint = false} : vector<2000x64xf32>, vector<64x64xf32>, vector<2000x64xf32> -> vector<2000x64xf32>
      %get3A_49 = arith.constant 0 : index
      %get3A_50 = arith.constant 0 : index
      %get3A_51 = vector.load %arg9[%get3A_49, %get3A_50] : memref<2000x16xf32, #tpu.memory_space<vmem>>, vector<2000x1xf32>
      %mul3A_52 = vector.broadcast %get3A_51 : vector<2000x1xf32> to vector<2000x64xf32>
      %mul3A_53 = arith.mulf %dot_general3A_48, %mul3A_52 : vector<2000x64xf32>
      %swap3A_54 = arith.constant 0 : index
      %swap3A_55 = arith.constant 0 : index
      %swap3A_56 = vector.load %arg11[%swap3A_54, %swap3A_55] : memref<2000x64xf32, #tpu.memory_space<vmem>>, vector<2000x64xf32>
      tpu.vector_store %arg11[%swap3A_54, %swap3A_55], %mul3A_53 {strides = array<i32>} : memref<2000x64xf32, #tpu.memory_space<vmem>>, vector<2000x64xf32>,
    } else {
    }
    return
  }
  func.func @transform_0(%arg0: i32, %arg1: i32) -> (i32, i32, i32) {
    %sub3A = arith.constant 1 : i32
    %sub3A_0 = arith.subi %sub3A, %arg0 : i32
    %mul3A = arith.muli %arg1, %sub3A_0 : i32
    %mul3A_1 = arith.constant 4 : i32
    %mul3A_2 = arith.muli %mul3A_1, %arg0 : i32
    %add3A = arith.addi %mul3A, %mul3A_2 : i32
    %c0_i32 = arith.constant 0 : i32
    %c0_i32_3 = arith.constant 0 : i32
    %c0_i32_4 = arith.constant 0 : i32
    return %c0_i32, %add3A, %c0_i32_3 : i32, i32, i32
  }
  func.func @transform_1(%arg0: i32, %arg1: i32) -> (i32, i32) {
    %sub3A = arith.constant 1 : i32
    %sub3A_0 = arith.subi %sub3A, %arg0 : i32
    %mul3A = arith.muli %arg1, %sub3A_0 : i32
    %mul3A_1 = arith.constant 4 : i32
    %mul3A_2 = arith.muli %mul3A_1, %arg0 : i32
    %add3A = arith.addi %mul3A, %mul3A_2 : i32
    %c0_i32 = arith.constant 0 : i32
    %c0_i32_3 = arith.constant 0 : i32
    return %add3A, %c0_i32 : i32, i32
  }
  func.func @transform_2(%arg0: i32, %arg1: i32) -> (i32, i32) {
    %c0_i32 = arith.constant 0 : i32
    %c0_i32_0 = arith.constant 0 : i32
    %c0_i32_1 = arith.constant 0 : i32
    return %c0_i32, %c0_i32_0 : i32, i32
  }
  func.func @transform_3(%arg0: i32, %arg1: i32) -> (i32, i32) {
    %c0_i32 = arith.constant 0 : i32
    %c0_i32_0 = arith.constant 0 : i32
    %c0_i32_1 = arith.constant 0 : i32
    return %c0_i32, %c0_i32_0 : i32, i32
  }
  func.func @transform_4(%arg0: i32, %arg1: i32) -> (i32, i32) {
    %c0_i32 = arith.constant 0 : i32
    %c0_i32_0 = arith.constant 0 : i32
    %c0_i32_1 = arith.constant 0 : i32
    return %c0_i32, %c0_i32_0 : i32, i32
  }
  func.func @transform_5(%arg0: i32, %arg1: i32) -> (i32, i32) {
    %mul3A = arith.muli %arg1, %arg0 : i32
    %c0_i32 = arith.constant 0 : i32
    %c0_i32_0 = arith.constant 0 : i32
    return %mul3A, %c0_i32 : i32, i32
  }
  func.func @transform_6(%arg0: i32, %arg1: i32) -> (i32, i32) {
    %c0_i32 = arith.constant 0 : i32
    %c0_i32_0 = arith.constant 0 : i32
    %c0_i32_1 = arith.constant 0 : i32
    return %c0_i32, %c0_i32_0 : i32, i32
  }
  func.func @transform_7(%arg0: i32, %arg1: i32) -> (i32, i32) {
    %c0_i32 = arith.constant 0 : i32
    %c0_i32_0 = arith.constant 0 : i32
    return %arg1, %c0_i32 : i32, i32
  }
  func.func @transform_8(%arg0: i32, %arg1: i32) -> (i32, i32) {
    %c0_i32 = arith.constant 0 : i32
    %c0_i32_0 = arith.constant 0 : i32
    return %arg1, %c0_i32 : i32, i32
  }
  func.func @transform_9(%arg0: i32, %arg1: i32) -> (i32, i32) {
    %c0_i32 = arith.constant 0 : i32
    %c0_i32_0 = arith.constant 0 : i32
    return %arg1, %c0_i32 : i32, i32
  }
}

module attributes {stable_mosaic.version = 14 : i64} {
  func.func @body(%arg0: i32, %arg1: i32, %arg2: memref<2x2000x64xf32, #tpu.memory_space<vmem>>, %arg3: memref<2000x64xf32, #tpu.memory_space<vmem>>, %arg4: memref<1x64xf32, #tpu.memory_space<vmem>>, %arg5: memref<1x64xf32, #tpu.memory_space<vmem>>, %arg6: memref<1x64xf32, #tpu.memory_space<vmem>>, %arg7: memref<2000x64xf32, #tpu.memory_space<vmem>>, %arg8: memref<2000x1xi32, #tpu.memory_space<vmem>>, %arg9: memref<64x64xf32, #tpu.memory_space<vmem>>, %arg10: memref<1x64xf32, #tpu.memory_space<vmem>>, %arg11: memref<128x64xf32, #tpu.memory_space<vmem>>, %arg12: memref<1x128xf32, #tpu.memory_space<vmem>>, %arg13: memref<2000x16xf32, #tpu.memory_space<vmem>>, %arg14: memref<128x128xf32, #tpu.memory_space<vmem>>, %arg15: memref<5x2000x64xf32, #tpu.memory_space<vmem>>, %arg16: memref<2x64xf32, #tpu.memory_space<vmem>>, %arg17: memref<128x64xf32, #tpu.memory_space<vmem>>, %arg18: memref<128x8xf32, #tpu.memory_space<vmem>>) attributes {dimension_semantics = [#tpu.dimension_semantics<arbitrary>, #tpu.dimension_semantics<arbitrary>], iteration_bounds = array<i64: 2, 5>, scalar_prefetch = 0 : i64, scratch_operands = 4 : i64, tpu.core_type = #tpu.core_type<tc>, window_params = [{transform_indices = @transform_0, window_bounds = array<i64: 2, 2000, 64>}, {transform_indices = @transform_1, window_bounds = array<i64: 2000, 64>}, {pipeline_mode = #tpu.pipeline_mode<synchronous>, transform_indices = @transform_2, window_bounds = array<i64: 1, 64>}, {pipeline_mode = #tpu.pipeline_mode<synchronous>, transform_indices = @transform_3, window_bounds = array<i64: 1, 64>}, {pipeline_mode = #tpu.pipeline_mode<synchronous>, transform_indices = @transform_4, window_bounds = array<i64: 1, 64>}, {transform_indices = @transform_5, window_bounds = array<i64: 2000, 64>}, {transform_indices = @transform_6, window_bounds = array<i64: 2000, 1>}, {pipeline_mode = #tpu.pipeline_mode<synchronous>, transform_indices = @transform_7, window_bounds = array<i64: 64, 64>}, {pipeline_mode = #tpu.pipeline_mode<synchronous>, transform_indices = @transform_8, window_bounds = array<i64: 1, 64>}, {pipeline_mode = #tpu.pipeline_mode<synchronous>, transform_indices = @transform_9, window_bounds = array<i64: 128, 64>}, {pipeline_mode = #tpu.pipeline_mode<synchronous>, transform_indices = @transform_10, window_bounds = array<i64: 1, 128>}, {transform_indices = @transform_11, window_bounds = array<i64: 2000, 16>}, {pipeline_mode = #tpu.pipeline_mode<synchronous>, transform_indices = @transform_12, window_bounds = array<i64: 128, 128>}]} {
    %eq3A = arith.constant 0 : i32
    %eq3A_0 = arith.cmpi eq, %arg0, %eq3A : i32
    %convert_element_type3A = arith.extui %eq3A_0 : i1 to i32
    %cond3A = arith.constant 0 : i32
    %cond3A_1 = arith.cmpi ne, %convert_element_type3A, %cond3A : i32
    scf.if %cond3A_1 {
      %get3A = arith.constant 0 : index
      %get3A_7 = arith.constant 0 : index
      %get3A_8 = vector.load %arg13[%get3A, %get3A_7] : memref<2000x16xf32, #tpu.memory_space<vmem>>, vector<2000x1xf32>
      %get3A_9 = arith.constant 0 : index
      %get3A_10 = arith.constant 0 : index
      %get3A_11 = arith.constant 0 : index
      %get3A_12 = vector.load %arg2[%get3A_9, %get3A_10, %get3A_11] : memref<2x2000x64xf32, #tpu.memory_space<vmem>>, vector<1x2000x64xf32>
      %get3A_13 = vector.shape_cast %get3A_12 : vector<1x2000x64xf32> to vector<2000x64xf32>
      %get3A_14 = arith.constant 1 : index
      %get3A_15 = arith.constant 0 : index
      %get3A_16 = arith.constant 0 : index
      %get3A_17 = vector.load %arg2[%get3A_14, %get3A_15, %get3A_16] : memref<2x2000x64xf32, #tpu.memory_space<vmem>>, vector<1x2000x64xf32>
      %get3A_18 = vector.shape_cast %get3A_17 : vector<1x2000x64xf32> to vector<2000x64xf32>
      %add3A = arith.addf %get3A_13, %get3A_18 : vector<2000x64xf32>
      %get3A_19 = arith.constant 0 : index
      %get3A_20 = arith.constant 0 : index
      %get3A_21 = vector.load %arg3[%get3A_19, %get3A_20] : memref<2000x64xf32, #tpu.memory_space<vmem>>, vector<2000x64xf32>
      %add3A_22 = arith.addf %add3A, %get3A_21 : vector<2000x64xf32>
      %mul3A = vector.broadcast %get3A_8 : vector<2000x1xf32> to vector<2000x64xf32>
      %mul3A_23 = arith.mulf %mul3A, %add3A_22 : vector<2000x64xf32>
      %get3A_24 = arith.constant 0 : index
      %get3A_25 = arith.constant 0 : index
      %get3A_26 = vector.load %arg4[%get3A_24, %get3A_25] : memref<1x64xf32, #tpu.memory_space<vmem>>, vector<1x64xf32>
      %add3A_27 = vector.broadcast %get3A_26 : vector<1x64xf32> to vector<2000x64xf32>
      %add3A_28 = arith.addf %mul3A_23, %add3A_27 : vector<2000x64xf32>
      %swap3A = arith.index_cast %arg1 : i32 to index
      %swap3A_29 = arith.constant 0 : index
      %swap3A_30 = arith.constant 0 : index
      %swap3A_31 = vector.load %arg15[%swap3A, %swap3A_29, %swap3A_30] : memref<5x2000x64xf32, #tpu.memory_space<vmem>>, vector<1x2000x64xf32>
      %swap3A_32 = vector.shape_cast %swap3A_31 : vector<1x2000x64xf32> to vector<2000x64xf32>
      %swap3A_33 = vector.shape_cast %add3A_28 : vector<2000x64xf32> to vector<1x2000x64xf32>
      tpu.vector_store %arg15[%swap3A, %swap3A_29, %swap3A_30], %swap3A_33 {strides = array<i32>} : memref<5x2000x64xf32, #tpu.memory_space<vmem>>, vector<1x2000x64xf32>,
      %reduce_sum3A = arith.constant dense<0.000000e+00> : vector<64xf32>
      %reduce_sum3A_34 = vector.multi_reduction <add>, %add3A_28, %reduce_sum3A [0] : vector<2000x64xf32> to vector<64xf32>
      %broadcast_in_dim3A = vector.shape_cast %reduce_sum3A_34 : vector<64xf32> to vector<1x64xf32>
      %mul3A_35 = arith.mulf %add3A_28, %add3A_28 : vector<2000x64xf32>
      %reduce_sum3A_36 = arith.constant dense<0.000000e+00> : vector<64xf32>
      %reduce_sum3A_37 = vector.multi_reduction <add>, %mul3A_35, %reduce_sum3A_36 [0] : vector<2000x64xf32> to vector<64xf32>
      %broadcast_in_dim3A_38 = vector.shape_cast %reduce_sum3A_37 : vector<64xf32> to vector<1x64xf32>
      %concatenate3A = tpu.concatenate %broadcast_in_dim3A, %broadcast_in_dim3A_38 in 0 : vector<1x64xf32>, vector<1x64xf32> -> vector<2x64xf32>
      %eq3A_39 = arith.constant 0 : i32
      %eq3A_40 = arith.cmpi eq, %arg1, %eq3A_39 : i32
      %convert_element_type3A_41 = arith.extui %eq3A_40 : i1 to i32
      %cond3A_42 = arith.constant 0 : i32
      %cond3A_43 = arith.cmpi ne, %convert_element_type3A_41, %cond3A_42 : i32
      scf.if %cond3A_43 {
        %swap3A_48 = arith.constant 0 : index
        %swap3A_49 = arith.constant 0 : index
        %swap3A_50 = vector.load %arg16[%swap3A_48, %swap3A_49] : memref<2x64xf32, #tpu.memory_space<vmem>>, vector<2x64xf32>
        tpu.vector_store %arg16[%swap3A_48, %swap3A_49], %concatenate3A {strides = array<i32>} : memref<2x64xf32, #tpu.memory_space<vmem>>, vector<2x64xf32>,
      } else {
      }
      %gt3A = arith.constant 0 : i32
      %gt3A_44 = arith.cmpi sgt, %arg1, %gt3A : i32
      %convert_element_type3A_45 = arith.extui %gt3A_44 : i1 to i32
      %cond3A_46 = arith.constant 0 : i32
      %cond3A_47 = arith.cmpi ne, %convert_element_type3A_45, %cond3A_46 : i32
      scf.if %cond3A_47 {
        %get3A_48 = arith.constant 0 : index
        %get3A_49 = arith.constant 0 : index
        %get3A_50 = vector.load %arg16[%get3A_48, %get3A_49] : memref<2x64xf32, #tpu.memory_space<vmem>>, vector<2x64xf32>
        %add3A_51 = arith.addf %get3A_50, %concatenate3A : vector<2x64xf32>
        %swap3A_52 = arith.constant 0 : index
        %swap3A_53 = arith.constant 0 : index
        %swap3A_54 = vector.load %arg16[%swap3A_52, %swap3A_53] : memref<2x64xf32, #tpu.memory_space<vmem>>, vector<2x64xf32>
        tpu.vector_store %arg16[%swap3A_52, %swap3A_53], %add3A_51 {strides = array<i32>} : memref<2x64xf32, #tpu.memory_space<vmem>>, vector<2x64xf32>,
      } else {
      }
    } else {
    }
    %eq3A_2 = arith.constant 1 : i32
    %eq3A_3 = arith.cmpi eq, %arg0, %eq3A_2 : i32
    %convert_element_type3A_4 = arith.extui %eq3A_3 : i1 to i32
    %cond3A_5 = arith.constant 0 : i32
    %cond3A_6 = arith.cmpi ne, %convert_element_type3A_4, %cond3A_5 : i32
    scf.if %cond3A_6 {
      %get3A = arith.constant 0 : index
      %get3A_7 = arith.constant 0 : index
      %get3A_8 = vector.load %arg16[%get3A, %get3A_7] : memref<2x64xf32, #tpu.memory_space<vmem>>, vector<1x64xf32>
      %div3A = arith.constant 1.000000e+04 : f32
      %div3A_9 = vector.broadcast %div3A : f32 to vector<1x64xf32>
      %div3A_10 = arith.divf %get3A_8, %div3A_9 : vector<1x64xf32>
      %get3A_11 = arith.constant 1 : index
      %get3A_12 = arith.constant 0 : index
      %get3A_13 = vector.load %arg16[%get3A_11, %get3A_12] : memref<2x64xf32, #tpu.memory_space<vmem>>, vector<1x64xf32>
      %div3A_14 = arith.constant 1.000000e+04 : f32
      %div3A_15 = vector.broadcast %div3A_14 : f32 to vector<1x64xf32>
      %div3A_16 = arith.divf %get3A_13, %div3A_15 : vector<1x64xf32>
      %mul3A = arith.mulf %div3A_10, %div3A_10 : vector<1x64xf32>
      %sub3A = arith.subf %div3A_16, %mul3A : vector<1x64xf32>
      %add3A = arith.constant 9.99999974E-6 : f32
      %add3A_17 = vector.broadcast %add3A : f32 to vector<1x64xf32>
      %add3A_18 = arith.addf %sub3A, %add3A_17 : vector<1x64xf32>
      %rsqrt3A = math.rsqrt %add3A_18 : vector<1x64xf32>
      %get3A_19 = arith.constant 0 : index
      %get3A_20 = arith.constant 0 : index
      %get3A_21 = vector.load %arg5[%get3A_19, %get3A_20] : memref<1x64xf32, #tpu.memory_space<vmem>>, vector<1x64xf32>
      %mul3A_22 = arith.mulf %rsqrt3A, %get3A_21 : vector<1x64xf32>
      %get3A_23 = arith.index_cast %arg1 : i32 to index
      %get3A_24 = arith.constant 0 : index
      %get3A_25 = arith.constant 0 : index
      %get3A_26 = vector.load %arg15[%get3A_23, %get3A_24, %get3A_25] : memref<5x2000x64xf32, #tpu.memory_space<vmem>>, vector<1x2000x64xf32>
      %get3A_27 = vector.shape_cast %get3A_26 : vector<1x2000x64xf32> to vector<2000x64xf32>
      %sub3A_28 = vector.broadcast %div3A_10 : vector<1x64xf32> to vector<2000x64xf32>
      %sub3A_29 = arith.subf %get3A_27, %sub3A_28 : vector<2000x64xf32>
      %mul3A_30 = vector.broadcast %mul3A_22 : vector<1x64xf32> to vector<2000x64xf32>
      %mul3A_31 = arith.mulf %sub3A_29, %mul3A_30 : vector<2000x64xf32>
      %get3A_32 = arith.constant 0 : index
      %get3A_33 = arith.constant 0 : index
      %get3A_34 = vector.load %arg6[%get3A_32, %get3A_33] : memref<1x64xf32, #tpu.memory_space<vmem>>, vector<1x64xf32>
      %add3A_35 = vector.broadcast %get3A_34 : vector<1x64xf32> to vector<2000x64xf32>
      %add3A_36 = arith.addf %mul3A_31, %add3A_35 : vector<2000x64xf32>
      %max3A = arith.constant 0.000000e+00 : f32
      %max3A_37 = vector.broadcast %max3A : f32 to vector<2000x64xf32>
      %max3A_38 = arith.maximumf %add3A_36, %max3A_37 : vector<2000x64xf32>
      %get3A_39 = arith.constant 0 : index
      %get3A_40 = arith.constant 0 : index
      %get3A_41 = vector.load %arg7[%get3A_39, %get3A_40] : memref<2000x64xf32, #tpu.memory_space<vmem>>, vector<2000x64xf32>
      %add3A_42 = arith.addf %max3A_38, %get3A_41 : vector<2000x64xf32>
      %iota3A = tpu.iota {dimensions = array<i32: 1>} : vector<1x128xi32>
      %get3A_43 = arith.constant 0 : index
      %get3A_44 = arith.constant 0 : index
      %get3A_45 = vector.load %arg8[%get3A_43, %get3A_44] : memref<2000x1xi32, #tpu.memory_space<vmem>>, vector<2000x1xi32>
      %eq3A_46 = vector.broadcast %get3A_45 : vector<2000x1xi32> to vector<2000x128xi32>
      %eq3A_47 = vector.broadcast %iota3A : vector<1x128xi32> to vector<2000x128xi32>
      %eq3A_48 = arith.cmpi eq, %eq3A_46, %eq3A_47 : vector<2000x128xi32>
      %convert_element_type3A_49 = arith.extui %eq3A_48 : vector<2000x128xi1> to vector<2000x128xi32>
      %convert_element_type3A_50 = arith.sitofp %convert_element_type3A_49 : vector<2000x128xi32> to vector<2000x128xf32>
      %dot_general3A = arith.constant dense<0.000000e+00> : vector<128x64xf32>
      %dot_general3A_51 = tpu.matmul %convert_element_type3A_50, %add3A_42, %dot_general3A {dimension_numbers = #tpu.dot_dimension_numbers<[0], [0], [1], [1], [0, 1, 1, 1], [], []>, transpose_lhs_hint = false} : vector<2000x128xf32>, vector<2000x64xf32>, vector<128x64xf32> -> vector<128x64xf32>
      %broadcast_in_dim3A = arith.constant 1.000000e+00 : f32
      %broadcast_in_dim3A_52 = vector.broadcast %broadcast_in_dim3A : f32 to vector<2000x8xf32>
      %dot_general3A_53 = arith.constant dense<0.000000e+00> : vector<128x8xf32>
      %dot_general3A_54 = tpu.matmul %convert_element_type3A_50, %broadcast_in_dim3A_52, %dot_general3A_53 {dimension_numbers = #tpu.dot_dimension_numbers<[0], [0], [1], [1], [0, 1, 1, 1], [], []>, transpose_lhs_hint = false} : vector<2000x128xf32>, vector<2000x8xf32>, vector<128x8xf32> -> vector<128x8xf32>
      %eq3A_55 = arith.constant 0 : i32
      %eq3A_56 = arith.cmpi eq, %arg1, %eq3A_55 : i32
      %convert_element_type3A_57 = arith.extui %eq3A_56 : i1 to i32
      %cond3A_58 = arith.constant 0 : i32
      %cond3A_59 = arith.cmpi ne, %convert_element_type3A_57, %cond3A_58 : i32
      scf.if %cond3A_59 {
        %swap3A = arith.constant 0 : index
        %swap3A_69 = arith.constant 0 : index
        %swap3A_70 = vector.load %arg17[%swap3A, %swap3A_69] : memref<128x64xf32, #tpu.memory_space<vmem>>, vector<128x64xf32>
        tpu.vector_store %arg17[%swap3A, %swap3A_69], %dot_general3A_51 {strides = array<i32>} : memref<128x64xf32, #tpu.memory_space<vmem>>, vector<128x64xf32>,
        %swap3A_71 = arith.constant 0 : index
        %swap3A_72 = arith.constant 0 : index
        %swap3A_73 = vector.load %arg18[%swap3A_71, %swap3A_72] : memref<128x8xf32, #tpu.memory_space<vmem>>, vector<128x8xf32>
        tpu.vector_store %arg18[%swap3A_71, %swap3A_72], %dot_general3A_54 {strides = array<i32>} : memref<128x8xf32, #tpu.memory_space<vmem>>, vector<128x8xf32>,
      } else {
      }
      %gt3A = arith.constant 0 : i32
      %gt3A_60 = arith.cmpi sgt, %arg1, %gt3A : i32
      %convert_element_type3A_61 = arith.extui %gt3A_60 : i1 to i32
      %cond3A_62 = arith.constant 0 : i32
      %cond3A_63 = arith.cmpi ne, %convert_element_type3A_61, %cond3A_62 : i32
      scf.if %cond3A_63 {
        %get3A_69 = arith.constant 0 : index
        %get3A_70 = arith.constant 0 : index
        %get3A_71 = vector.load %arg17[%get3A_69, %get3A_70] : memref<128x64xf32, #tpu.memory_space<vmem>>, vector<128x64xf32>
        %add3A_72 = arith.addf %get3A_71, %dot_general3A_51 : vector<128x64xf32>
        %swap3A = arith.constant 0 : index
        %swap3A_73 = arith.constant 0 : index
        %swap3A_74 = vector.load %arg17[%swap3A, %swap3A_73] : memref<128x64xf32, #tpu.memory_space<vmem>>, vector<128x64xf32>
        tpu.vector_store %arg17[%swap3A, %swap3A_73], %add3A_72 {strides = array<i32>} : memref<128x64xf32, #tpu.memory_space<vmem>>, vector<128x64xf32>,
        %get3A_75 = arith.constant 0 : index
        %get3A_76 = arith.constant 0 : index
        %get3A_77 = vector.load %arg18[%get3A_75, %get3A_76] : memref<128x8xf32, #tpu.memory_space<vmem>>, vector<128x8xf32>
        %add3A_78 = arith.addf %get3A_77, %dot_general3A_54 : vector<128x8xf32>
        %swap3A_79 = arith.constant 0 : index
        %swap3A_80 = arith.constant 0 : index
        %swap3A_81 = vector.load %arg18[%swap3A_79, %swap3A_80] : memref<128x8xf32, #tpu.memory_space<vmem>>, vector<128x8xf32>
        tpu.vector_store %arg18[%swap3A_79, %swap3A_80], %add3A_78 {strides = array<i32>} : memref<128x8xf32, #tpu.memory_space<vmem>>, vector<128x8xf32>,
      } else {
      }
      %eq3A_64 = arith.constant 4 : i32
      %eq3A_65 = arith.cmpi eq, %arg1, %eq3A_64 : i32
      %convert_element_type3A_66 = arith.extui %eq3A_65 : i1 to i32
      %cond3A_67 = arith.constant 0 : i32
      %cond3A_68 = arith.cmpi ne, %convert_element_type3A_66, %cond3A_67 : i32
      scf.if %cond3A_68 {
        %get3A_69 = arith.constant 0 : index
        %get3A_70 = arith.constant 0 : index
        %get3A_71 = vector.load %arg18[%get3A_69, %get3A_70] : memref<128x8xf32, #tpu.memory_space<vmem>>, vector<128x1xf32>
        %max3A_72 = arith.constant 1.000000e+00 : f32
        %max3A_73 = vector.broadcast %max3A_72 : f32 to vector<128x1xf32>
        %max3A_74 = arith.maximumf %get3A_71, %max3A_73 : vector<128x1xf32>
        %get3A_75 = arith.constant 0 : index
        %get3A_76 = arith.constant 0 : index
        %get3A_77 = vector.load %arg17[%get3A_75, %get3A_76] : memref<128x64xf32, #tpu.memory_space<vmem>>, vector<128x64xf32>
        %div3A_78 = vector.broadcast %max3A_74 : vector<128x1xf32> to vector<128x64xf32>
        %div3A_79 = arith.divf %get3A_77, %div3A_78 : vector<128x64xf32>
        %get3A_80 = arith.constant 0 : index
        %get3A_81 = arith.constant 0 : index
        %get3A_82 = vector.load %arg9[%get3A_80, %get3A_81] : memref<64x64xf32, #tpu.memory_space<vmem>>, vector<64x64xf32>
        %dot_general3A_83 = arith.constant dense<0.000000e+00> : vector<128x64xf32>
        %dot_general3A_84 = tpu.matmul %div3A_79, %get3A_82, %dot_general3A_83 {dimension_numbers = #tpu.dot_dimension_numbers<[1], [1], [0], [0], [0, 0, 1, 0], [], []>, transpose_lhs_hint = false} : vector<128x64xf32>, vector<64x64xf32>, vector<128x64xf32> -> vector<128x64xf32>
        %get3A_85 = arith.constant 0 : index
        %get3A_86 = arith.constant 0 : index
        %get3A_87 = vector.load %arg10[%get3A_85, %get3A_86] : memref<1x64xf32, #tpu.memory_space<vmem>>, vector<1x64xf32>
        %add3A_88 = vector.broadcast %get3A_87 : vector<1x64xf32> to vector<128x64xf32>
        %add3A_89 = arith.addf %dot_general3A_84, %add3A_88 : vector<128x64xf32>
        %max3A_90 = arith.constant 0.000000e+00 : f32
        %max3A_91 = vector.broadcast %max3A_90 : f32 to vector<128x64xf32>
        %max3A_92 = arith.maximumf %add3A_89, %max3A_91 : vector<128x64xf32>
        %get3A_93 = arith.constant 0 : index
        %get3A_94 = arith.constant 0 : index
        %get3A_95 = vector.load %arg11[%get3A_93, %get3A_94] : memref<128x64xf32, #tpu.memory_space<vmem>>, vector<128x64xf32>
        %dot_general3A_96 = arith.constant dense<0.000000e+00> : vector<128x128xf32>
        %dot_general3A_97 = tpu.matmul %max3A_92, %get3A_95, %dot_general3A_96 {dimension_numbers = #tpu.dot_dimension_numbers<[1], [1], [0], [0], [0, 0, 1, 0], [], []>, transpose_lhs_hint = false} : vector<128x64xf32>, vector<128x64xf32>, vector<128x128xf32> -> vector<128x128xf32>
        %get3A_98 = arith.constant 0 : index
        %get3A_99 = arith.constant 0 : index
        %get3A_100 = vector.load %arg12[%get3A_98, %get3A_99] : memref<1x128xf32, #tpu.memory_space<vmem>>, vector<1x128xf32>
        %add3A_101 = vector.broadcast %get3A_100 : vector<1x128xf32> to vector<128x128xf32>
        %add3A_102 = arith.addf %dot_general3A_97, %add3A_101 : vector<128x128xf32>
        %swap3A = arith.constant 0 : index
        %swap3A_103 = arith.constant 0 : index
        %swap3A_104 = vector.load %arg14[%swap3A, %swap3A_103] : memref<128x128xf32, #tpu.memory_space<vmem>>, vector<128x128xf32>
        tpu.vector_store %arg14[%swap3A, %swap3A_103], %add3A_102 {strides = array<i32>} : memref<128x128xf32, #tpu.memory_space<vmem>>, vector<128x128xf32>,
      } else {
      }
    } else {
    }
    return
  }
  func.func @transform_0(%arg0: i32, %arg1: i32) -> (i32, i32, i32) {
    %sub3A = arith.constant 1 : i32
    %sub3A_0 = arith.subi %sub3A, %arg0 : i32
    %mul3A = arith.muli %arg1, %sub3A_0 : i32
    %mul3A_1 = arith.constant 4 : i32
    %mul3A_2 = arith.muli %mul3A_1, %arg0 : i32
    %add3A = arith.addi %mul3A, %mul3A_2 : i32
    %c0_i32 = arith.constant 0 : i32
    %c0_i32_3 = arith.constant 0 : i32
    %c0_i32_4 = arith.constant 0 : i32
    return %c0_i32, %add3A, %c0_i32_3 : i32, i32, i32
  }
  func.func @transform_1(%arg0: i32, %arg1: i32) -> (i32, i32) {
    %sub3A = arith.constant 1 : i32
    %sub3A_0 = arith.subi %sub3A, %arg0 : i32
    %mul3A = arith.muli %arg1, %sub3A_0 : i32
    %mul3A_1 = arith.constant 4 : i32
    %mul3A_2 = arith.muli %mul3A_1, %arg0 : i32
    %add3A = arith.addi %mul3A, %mul3A_2 : i32
    %c0_i32 = arith.constant 0 : i32
    %c0_i32_3 = arith.constant 0 : i32
    return %add3A, %c0_i32 : i32, i32
  }
  func.func @transform_2(%arg0: i32, %arg1: i32) -> (i32, i32) {
    %c0_i32 = arith.constant 0 : i32
    %c0_i32_0 = arith.constant 0 : i32
    %c0_i32_1 = arith.constant 0 : i32
    return %c0_i32, %c0_i32_0 : i32, i32
  }
  func.func @transform_3(%arg0: i32, %arg1: i32) -> (i32, i32) {
    %c0_i32 = arith.constant 0 : i32
    %c0_i32_0 = arith.constant 0 : i32
    %c0_i32_1 = arith.constant 0 : i32
    return %c0_i32, %c0_i32_0 : i32, i32
  }
  func.func @transform_4(%arg0: i32, %arg1: i32) -> (i32, i32) {
    %c0_i32 = arith.constant 0 : i32
    %c0_i32_0 = arith.constant 0 : i32
    %c0_i32_1 = arith.constant 0 : i32
    return %c0_i32, %c0_i32_0 : i32, i32
  }
  func.func @transform_5(%arg0: i32, %arg1: i32) -> (i32, i32) {
    %mul3A = arith.muli %arg1, %arg0 : i32
    %c0_i32 = arith.constant 0 : i32
    %c0_i32_0 = arith.constant 0 : i32
    return %mul3A, %c0_i32 : i32, i32
  }
  func.func @transform_6(%arg0: i32, %arg1: i32) -> (i32, i32) {
    %mul3A = arith.muli %arg1, %arg0 : i32
    %c0_i32 = arith.constant 0 : i32
    %c0_i32_0 = arith.constant 0 : i32
    return %mul3A, %c0_i32 : i32, i32
  }
  func.func @transform_7(%arg0: i32, %arg1: i32) -> (i32, i32) {
    %c0_i32 = arith.constant 0 : i32
    %c0_i32_0 = arith.constant 0 : i32
    %c0_i32_1 = arith.constant 0 : i32
    return %c0_i32, %c0_i32_0 : i32, i32
  }
  func.func @transform_8(%arg0: i32, %arg1: i32) -> (i32, i32) {
    %c0_i32 = arith.constant 0 : i32
    %c0_i32_0 = arith.constant 0 : i32
    %c0_i32_1 = arith.constant 0 : i32
    return %c0_i32, %c0_i32_0 : i32, i32
  }
  func.func @transform_9(%arg0: i32, %arg1: i32) -> (i32, i32) {
    %c0_i32 = arith.constant 0 : i32
    %c0_i32_0 = arith.constant 0 : i32
    %c0_i32_1 = arith.constant 0 : i32
    return %c0_i32, %c0_i32_0 : i32, i32
  }
  func.func @transform_10(%arg0: i32, %arg1: i32) -> (i32, i32) {
    %c0_i32 = arith.constant 0 : i32
    %c0_i32_0 = arith.constant 0 : i32
    %c0_i32_1 = arith.constant 0 : i32
    return %c0_i32, %c0_i32_0 : i32, i32
  }
  func.func @transform_11(%arg0: i32, %arg1: i32) -> (i32, i32) {
    %c0_i32 = arith.constant 0 : i32
    %c0_i32_0 = arith.constant 0 : i32
    return %arg1, %c0_i32 : i32, i32
  }
  func.func @transform_12(%arg0: i32, %arg1: i32) -> (i32, i32) {
    %c0_i32 = arith.constant 0 : i32
    %c0_i32_0 = arith.constant 0 : i32
    %c0_i32_1 = arith.constant 0 : i32
    return %c0_i32, %c0_i32_0 : i32, i32
  }
}

</mosaic_0001>

<sc_bundles>
// kernel: kernel.10.cloned.1.call-start
scs
__scs_entry_jumppad:
0x0: {  	(pc) =	sbr.rel $0x88, $3  }
0x1: {  	(tag) =	ssettag $0x0;
	lr =	simm.s32 $0x1  }
0x2: {  	[smem:$0x3F8E] =	sst lr;
	_ =	strace $0xD0000000  }
0x3: {  	_ = 	snop  }
0x4: {  	_ = 	snop  }
0x5: {  	_ = 	snop  }
0x6: {  	_ = 	snop  }
0x7: {  	_ = 	snop  }
__scs_overlays_trampoline_lowered:
0x8: {  	[smem:$0x3F9D] =	sst s0  }
0x9: {  	[smem:$0x3F9E] =	sst s1  }
0xa: {  	[smem:$0x3F9F] =	sst s2  }
0xb: {  	[smem:$0x3FA0] =	sst s3  }
0xc: {  	[smem:$0x3FA1] =	sst s4  }
0xd: {  	[smem:$0x3FA2] =	sst s5  }
0xe: {  	[smem:$0x3FA3] =	sst s6  }
0xf: {  	[smem:$0x3FA4] =	sst s7  }
0x10: {  	[smem:$0x3FA5] =	sst s8  }
0x11: {  	[smem:$0x3FA6] =	sst s9;
	s0 =	simm.s32 @!p0 $0x0  }
0x12: {  	s1 =	sld [smem:$0x3F8C];
	s0 =	simm.s32 @p0 $0x1  }
0x13: {  	[smem:$0x3FA7] =	sst s0;
	s0 =	simm.s32 @!p1 $0x0  }
0x14: {  	s2 =	sld [smem:$0x3F8B];
	s0 =	simm.s32 @p1 $0x1  }
0x15: {  	[smem:$0x3FA8] =	sst s0;
	s0 =	simm.s32 @!p2 $0x0  }
0x16: {  	s3 =	sld [smem:$0x3FDB];
	s0 =	simm.s32 @p2 $0x1  }
0x17: {  	s4 =	simm.s32 $0x1BF5;
	[smem:$0x3FAA] =	sst s0  }
0x18: {  	s0 =	sld [smem:$0x3F8D];
	_ =	swait.ge [sflag:s4], $0x0  }
0x19: {  	s7 =	sld [smem:$0x3F8E]  }
0x1a: {  	s8 =	sadd.s32 $0xFFFFE003, lr  }
0x1b: {  	s9 =	sadd.s32 $0xFFFFFEF7, lr;
	s5 =	simm.s32 $0xFFFFFFFF;
	p2 =	slt.u32 s8, $0xFFFFF086  }
0x1c: {  	p1 =	slt.u32 s9, $0xF7A;
	s5 =	simm.s32 @!p2 $0x0  }
0x1d: {  	s5 =	simm.s32 @p1 $0x1;
	p0 =	seq.s32 s7, s2  }
0x1e: {  	s7 =	smul.u32 @!p0 $0xF7A, s2;
	p2 =	seq.s32 @!p0 s5, $0x0  }
0x1f: {  	s9 =	smul.u32 $0xF7A, s1;
	s8 =	simm.s32 @!p0 $0x1BF5;
	p2 =	por !p2, p0  }
0x20: {  	[sflag:s8] =	ssyncset.s32 @!p0 $0xFFFFF086;
	s6 =	sadd.s32 @!p0 s3, s7;
	s7 =	simm.s32 @!p0 $0x108  }
0x21: {  	s3 =	sadd.s32 s3, s9;
	s6 =	sadd.s32 @!p0 $0x88, s6;
	s7 =	simm.s32 @p2 $0x1082  }
0x22: {  	[simem:s7], [sflag:s8] =	dma.local @!p0 [hbm:s6], $0xF7A  }
0x23: {  	s9 =	sor.u32 $0xD0000000, s2;
	s6 =	simm.s32 $0x108;
	_ =	swait.ge @!p0 [sflag:s8], $0x0  }
0x24: {  	s3 =	sadd.s32 $0x88, s3;
	s6 =	simm.s32 @!p1 $0x1082;
	[sflag:s4] =	ssyncset.s32 $0xFFFFF086  }
0x25: {  	[simem:s6], [sflag:s4] =	dma.local [hbm:s3], $0xF7A  }
0x26: {  	[smem:$0x3F8E] =	sst s1;
	(tag) =	ssettag s2;
	_ =	strace s9  }
0x27: {  	s1 =	sld [smem:$0x3F9E]  }
0x28: {  	s2 =	sld [smem:$0x3F9F]  }
0x29: {  	s4 =	sld [smem:$0x3FA1]  }
0x2a: {  	p0 =	seq.s32 s5, $0x0;
	s5 =	sld [smem:$0x3FA2]  }
0x2b: {  	s6 =	sld [smem:$0x3FA3]  }
0x2c: {  	s7 =	sld [smem:$0x3FA4]  }
0x2d: {  	s3 =	simm.s32 $0x108;
	s8 =	sld [smem:$0x3FA5]  }
0x2e: {  	s3 =	simm.s32 @!p0 $0x1082;
	s9 =	sld [smem:$0x3FA6]  }
0x2f: {  	lr =	sadd.s32 s0, s3;
	s0 =	sld [smem:$0x3F9D]  }
0x30: {  	s3 =	sld [smem:$0x3FA0]  }
0x31: {  	[smem:$0x3FA9] =	sst s10  }
0x32: {  	s10 =	sld [smem:$0x3FA7];
	_ =	sdelay $0x3  }
0x33: {  	p0 =	seq.s32 s10, $0x1;
	s10 =	sld [smem:$0x3FA9];
	_ =	sdelay $0x3  }
0x34: {  	[smem:$0x3FA9] =	sst s10  }
0x35: {  	s10 =	sld [smem:$0x3FA8];
	_ =	sdelay $0x3  }
0x36: {  	p1 =	seq.s32 s10, $0x1;
	s10 =	sld [smem:$0x3FA9];
	_ =	sdelay $0x3  }
0x37: {  	[smem:$0x3FA9] =	sst s10  }
0x38: {  	s10 =	sld [smem:$0x3FAA]  }
0x39: {  	_ = 	snop;
	(pc) =	sbr.ind lr, $3  }
0x3a: {  	_ = 	snop  }
0x3b: {  	_ = 	snop  }
0x3c: {  	p2 =	seq.s32 s10, $0x1;
	s10 =	sld [smem:$0x3FA9]  }
0x3d: {  	_ =	shalt  }
0x3e: {  	_ =	shalt  }
0x3f: {  	_ =	shalt  }
0x40: {  	_ =	shalt  }
0x41: {  	_ =	shalt  }
0x42: {  	_ =	shalt  }
0x43: {  	_ =	shalt  }
0x44: {  	_ =	shalt  }
0x45: {  	_ =	shalt  }
0x46: {  	_ =	shalt  }
0x47: {  	_ =	shalt  }
0x48: {  	_ =	shalt  }
0x49: {  	_ =	shalt  }
0x4a: {  	_ =	shalt  }
0x4b: {  	_ =	shalt  }
0x4c: {  	_ =	shalt  }
0x4d: {  	_ =	shalt  }
0x4e: {  	_ =	shalt  }
0x4f: {  	_ =	shalt  }
0x50: {  	_ =	shalt  }
0x51: {  	_ =	shalt  }
0x52: {  	_ =	shalt  }
0x53: {  	_ =	shalt  }
0x54: {  	_ =	shalt  }
0x55: {  	_ =	shalt  }
0x56: {  	_ =	shalt  }
0x57: {  	_ =	shalt  }
0x58: {  	_ =	shalt  }
0x59: {  	_ =	shalt  }
0x5a: {  	_ =	shalt  }
0x5b: {  	_ =	shalt  }
0x5c: {  	_ =	shalt  }
0x5d: {  	_ =	shalt  }
0x5e: {  	_ =	shalt  }
0x5f: {  	_ =	shalt  }
0x60: {  	_ =	shalt  }
0x61: {  	_ =	shalt  }
0x62: {  	_ =	shalt  }
0x63: {  	_ =	shalt  }
0x64: {  	_ =	shalt  }
0x65: {  	_ =	shalt  }
0x66: {  	_ =	shalt  }
0x67: {  	_ =	shalt  }
0x68: {  	_ =	shalt  }
0x69: {  	_ =	shalt  }
0x6a: {  	_ =	shalt  }
0x6b: {  	_ =	shalt  }
0x6c: {  	_ =	shalt  }
0x6d: {  	_ =	shalt  }
0x6e: {  	_ =	shalt  }
0x6f: {  	_ =	shalt  }
0x70: {  	_ =	shalt  }
0x71: {  	_ =	shalt  }
0x72: {  	_ =	shalt  }
0x73: {  	_ =	shalt  }
0x74: {  	_ =	shalt  }
0x75: {  	_ =	shalt  }
0x76: {  	_ =	shalt  }
0x77: {  	_ =	shalt  }
0x78: {  	_ =	shalt  }
0x79: {  	_ =	shalt  }
0x7a: {  	_ =	shalt  }
0x7b: {  	_ =	shalt  }
0x7c: {  	_ =	shalt  }
0x7d: {  	_ =	shalt  }
0x7e: {  	_ =	shalt  }
0x7f: {  	_ =	shalt  }
0x80: {  	_ =	shalt  }
0x81: {  	_ =	shalt  }
0x82: {  	_ =	shalt  }
0x83: {  	_ =	shalt  }
0x84: {  	_ =	shalt  }
0x85: {  	_ =	shalt  }
0x86: {  	_ =	shalt  }
0x87: {  	_ =	shalt  }
.Lfunc_end0:
.L_simem_size_0:
called_computation_lowered:
.L_overlay_start_0:
0x88: {  	s2 =	sld [smem:$0x3FD9]  }
0x89: {  	s3 =	sld [smem:$0x3FFE];
	_ =	sdelay $0x1  }
0x8a: {  	s1 =	srdreg.scid  }
0x8b: {  	s0 =	sand.u32 $0x1, s1  }
0x8c: {  	s16 =	sshll.u32 s0, $0xA;
	s2 =	sadd.s32 s3, s2  }
0x8d: {  	s2 =	sadd.s32 s2, s16  }
0x8e: {  	[smem:$0x3FB5] =	sst s2  }
0x8f: {  	_ = 	snop  }
0x90: {  	(tm) =	ssettm $0x1  }
0x91: {  	s17 =	sld [smem:$0x3FFB];
	_ =	sdelay $0x3  }
0x92: {  	_ =	strace s17  }
0x93: {  	s2 =	sld [smem:$0x3FFC];
	_ =	sdelay $0x3  }
0x94: {  	_ =	strace s2  }
0x95: {  	s2 =	sld [smem:$0x3FFD];
	_ =	sdelay $0x3  }
0x96: {  	_ =	strace s2  }
0x97: {  	_ =	strace $0x8FFFFFFF  }
0x98: {  	s18 =	sld [smem:$0x3FDB];
	_ =	sdelay $0x1  }
0x99: {  	s19 =	simm.s32 $_scs_section_size  }
0x9a: {  	s4 =	simm.s32 $_size__tile_overlayer_lowered;
	s5 =	simm.s32 $_tile_overlayer_lowered  }
0x9b: {  	s22 =	simm.s32 $0x1BFF;
	s21 =	sshll.u32 s5, $0x1;
	s2 =	sadd.s32 s19, s18  }
0x9c: {  	s6 =	simm.s32 $0x0;
	s20 =	sshll.u32 s4, $0x1;
	s4 =	sadd.s32 s21, s2  }
0x9d: {  	[timem:s6], [sflag:s22] =	dma.local [hbm:s4], s20  }
0x9e: {  	_ =	swait.ge [sflag:s22], s20  }
0x9f: {  	s3 =	ssub.s32 $0x0, s20;
	[sflag:s22] =	ssyncset.done $0x0  }
0xa0: {  	[sflag:s22] =	ssyncadd.s32 s3;
	_ =	sdelay $0x1  }
0xa1: {  	s23 =	simm.s32 $0x1B8B  }
0xa2: {  	_ =	swait.ge [sflag:s23], $0x1  }
0xa3: {  	[sflag:s23] =	ssyncset.done $0x0  }
0xa4: {  	s25 =	simm.s32 $0x1B8E;
	s24 =	sld [smem:$0x3FFE];
	[sflag:s23] =	ssyncadd.s32 $0xFFFFFFFF  }
0xa5: {  	s26 =	simm.s32 $execute0_lowered;
	[smem:$0x3FD2] =	sst s25  }
0xa6: {  	s4 =	sshll.u32 s26, $0x1;
	_ =	strace $0x80000046;
	[dreg:$0x1] =	wrdreg $0xFFFFFFFF  }
0xa7: {  	s28 =	simm.s32 $_size_execute0_lowered;
	s2 =	sadd.s32 s2, s4;
	[dreg:$0x0] =	wrdreg $0x0  }
0xa8: {  	s4 =	sshll.u32 s28, $0x1;
	[dreg:$0x2] =	wrdreg s2  }
0xa9: {  	[dreg:$0x3] =	wrdreg s4  }
0xaa: {  	[dreg:$0x4] =	wrdreg $0xC0  }
0xab: {  	_ =	task [dreg:s6], $0x5FFFF  }
0xac: {  	[dreg:$0x1] =	wrdreg $0xFFFFFFFF  }
0xad: {  	[dreg:$0x0] =	wrdreg $0x60  }
0xae: {  	[dreg:$0x2] =	wrdreg s24  }
0xaf: {  	[dreg:$0x3] =	wrdreg $0x53200  }
0xb0: {  	[dreg:$0x4] =	wrdreg $0x9  }
0xb1: {  	_ =	task.clear_ibuf [dreg:s6], $0x5FFFF;
	_ =	strace $0x90000046  }
0xb2: {  	s29 =	simm.s32 $0x9;
	_ =	strace $0x80000048  }
0xb3: {  	_ =	swait.ge [sflag:s29], $0x1  }
0xb4: {  	[sflag:s29] =	ssyncadd.s32 $0xFFFFFFFF  }
0xb5: {  	_ =	strace $0x90000048  }
0xb6: {  	_ =	sfence  }
0xb7: {  	s30 =	sld [smem:$0x0];
	_ =	sdelay $0x2  }
0xb8: {  	s31 =	sshll.u32 s1, $0xD;
	s1 =	sshrl.u32 s1, $0x2  }
0xb9: {  	s3 =	sand.u32 $0x4000, s31;
	s1 =	sadd.s32 s1, s30  }
0xba: {  	s0 =	sor.u32 s3, s0;
	s1 =	sshll.u32 s1, $0x11  }
0xbb: {  	s0 =	sor.u32 s1, s0  }
0xbc: {  	s0 =	sadd.s32 $0x8F2B, s0  }
0xbd: {  	[sflag:s0] =	ssyncadd.remote.s32 $0x1  }
0xbe: {  	_ =	sfence.sel $0xFFFF  }
0xbf: {  	[dreg:$0x0] =	wrdreg $0xFFFFFFFF;
	(pc) =	sbr.abs _section_cstart, $3  }
0xc0: {  	[dreg:$0x1] =	wrdreg $0xFFFFFFFF  }
0xc1: {  	_ =	task.clear_ibuf [dreg:s6], $0x2FFFF;
	_ =	strace $0x9FFFFFFF  }
0xc2: {  	(tm) =	ssettm $0x7FFFFFFF  }
0xc3: {  	_ =	shalt  }
tec
execute0_lowered:
.L_overlay_start_1:
0x0: {  	(tag) =	ssettag $0x1  }
0x1: {  	s5 =	rddreg [dreg:$0x0]  }
0x2: {  	s0 =	srdreg.scid;
	s2 =	rddreg [dreg:$0x1]  }
0x3: {  	s3 =	simm.s32 $0x0;
	s10 =	simm.s32 $0x50;
	s11 =	simm.s32 $0x2710  }
0x4: {  	s12 =	simm.s32 $0x1;
	s4 =	sand.u32 $0x1, s0;
	s0 =	stileid.u32  }
0x5: {  	s13 =	simm.s32 $0x0;
	[smem:$0x7FF] =	sst s3;
	s7 =	smul.u32 $0x27100, s4  }
0x6: {  	s1 =	sshll.u32 s4, $0x4;
	s8 =	smul.u32 $0x2710, s0;
	s4 =	ssub.s32 $0x2, s4  }
0x7: {  	s9 =	smul.u32 $0x9C40, s0;
	s1 =	sor.u32 s0, s1;
	s31 =	sshrl.u32 s4, $0x1  }
0x8: {  	s6 =	smul.u32 $0x4E2, s1;
	s1 =	rddreg [dreg:$0x2];
	_ =	strace $0x80000047  }
0x9: {  	s7 =	sadd.s32 s8, s7;
	s9 =	sshrl.u32 s9, $0x2;
	s8 =	ssub.s32 s4, s31  }
0xa: {  	s7 =	sshrl.u32 s7, $0x3;
	s4 =	sadd.s32 s9, s2;
	s6 =	sadd.s32 s6, s5  }
0xb: {  	s9 =	simm.s32 $0x2;
	s7 =	sadd.s32 s7, s5;
	s5 =	sadd.s32 $0xD800, s6  }
0xc: {  	v0 =	vimm.f32 $0.0e+00;
	v1 =	vimm.f32 $1.000000000e+00;
	s6 =	sadd.s32 $0x17600, s7;
	s7 =	smax.u32 s8, $0x1;
	s8 =	simm.s32 $0x2C10  }
.LBB2_1:
0xd: {  	s14 =	simm.s32 $0x0  }
.LBB2_2:
0xe: {  	p0 =	sne.s32 s14, $0x9C00  }
.Ltmp0:
0xf: {  	_ = 	snop;
	(pc) =	sbr.rel @p0 .LBB2_2-.Ltmp0, $3  }
0x10: {  	_ =	sdelay $0x1  }
0x11: {  	s15 =	sshra.s32 s14, $0x2  }
0x12: {  	s14 =	sadd.s32 $0x40, s14;
	[tilespmem:s15+$0x2C10] =	vst v0  }
0x13: {  	s14 =	simm.s32 $0x40;
	s15 =	simm.s32 $0x0  }
.LBB2_4:
0x14: {  	p0 =	sne.s32 s14, $0x13C0;
	[tilespmem:s15+$0x2710] =	vst v1;
	s15 =	smov.u32 s14;
	s14 =	sadd.s32 $0x40, s14  }
.Ltmp1:
0x15: {  	(pc) =	sbr.rel @p0 .LBB2_4-.Ltmp1, $2  }
0x16: {  	_ =	sdelay $0x2  }
0x17: {  	s15 =	sshra.s32 s15, $0x2  }
0x18: {  	[tilespmem:s15+$0x2710] =	vst v1  }
0x19: {  	[spmem:s4] =	stream.linear.scatter [tilespmem:s8], [sflag:$0x2], $0x2710, $0x38;
	[tilespmem:$0x7A30] =	vst v63  }
0x1a: {  	_ =	swait.ge [sflag:s9], $0x2710  }
0x1b: {  	[sflag:s9] =	ssyncset.done $0x0  }
0x1c: {  	[sflag:s9] =	ssyncadd.s32 $0xFFFFD8F0  }
0x1d: {  	s14 =	simm.s32 $0x0;
	[bflag:$0x0] =	sbarrier.arrive $0xFFFF  }
0x1e: {  	[tilespmem:s14], [sflag:$0x2] =	stream.linear.gather [hbm4b:s5+s14], $0x2710, $0x38;
	[tilespmem:$0x7A30] =	vst v63  }
0x1f: {  	_ =	swait.ge [sflag:s9], $0x2710  }
0x20: {  	[sflag:s9] =	ssyncset.done $0x0  }
0x21: {  	[sflag:s9] =	ssyncadd.s32 $0xFFFFD8F0  }
.LBB2_6:
0x22: {  	p0 =	sne.s32 s14, $0x9B00  }
.Ltmp2:
0x23: {  	_ = 	snop;
	(pc) =	sbr.rel @p0 .LBB2_6-.Ltmp2, $3  }
0x24: {  	_ =	sdelay $0x1  }
0x25: {  	s15 =	sshra.s32 s14, $0x2;
	s14 =	sadd.s32 $0x140, s14  }
0x26: {  	[spmem:s2] =	stream.indirect.scatter.add.f32 [tilespmem:s11], [sflag:$0x1], $0x10, s15, s10, $0xb8;
	[tilespmem:$0x7A30] =	vst v63  }
0x27: {  	_ =	swait.ge [sflag:s12], $0x500  }
0x28: {  	s14 =	simm.s32 $0x7C;
	[sflag:s12] =	ssyncset.done $0x0  }
.LBB2_8:
0x29: {  	p0 =	sne.s32 s14, $0x1;
	s14 =	sadd.s32 $0xFFFFFFFF, s14;
	[sflag:s12] =	ssyncadd.s32 $0xFFFFFB00  }
.Ltmp3:
0x2a: {  	(pc) =	sbr.rel @p0 .LBB2_8-.Ltmp3, $3  }
0x2b: {  	_ =	sdelay $0x1  }
0x2c: {  	_ =	swait.ge [sflag:s12], $0x500  }
0x2d: {  	[sflag:s12] =	ssyncset.done $0x0  }
0x2e: {  	[sflag:s12] =	ssyncadd.s32 $0xFFFFFB00  }
0x2f: {  	[bflag:$0x0] =	sbarrier.arrive $0xFFFF  }
0x30: {  	[tilespmem:s8], [sflag:$0x2] =	stream.linear.gather [spmem:s4], $0x2710, $0x38;
	[tilespmem:$0x7A30] =	vst v63  }
0x31: {  	s13 =	sadd.s32 $0x1, s13;
	_ =	swait.ge [sflag:s9], $0x2710  }
0x32: {  	p0 =	sne.s32 s13, s7;
	[sflag:s9] =	ssyncset.done $0x0  }
.Ltmp4:
0x33: {  	[sflag:s9] =	ssyncadd.s32 $0xFFFFD8F0;
	(pc) =	sbr.rel @p0 .LBB2_1-.Ltmp4, $4  }
0x34: {  	[hbm4b:s6+s3] =	stream.linear.scatter [tilespmem:s8], [sflag:$0x2], $0x2710, $0x38;
	[tilespmem:$0x7A30] =	vst v63  }
0x35: {  	_ =	swait.ge [sflag:s9], $0x2710  }
0x36: {  	[sflag:s9] =	ssyncset.done $0x0  }
0x37: {  	[sflag:s9] =	ssyncadd.s32 $0xFFFFD8F0  }
0x38: {  	_ =	sfence.sel $0x180000  }
0x39: {  	[bflag:$0x0] =	sbarrier.arrive $0xFFFF  }
0x3a: {  	p0 =	sne.s32 s0, $0x0;
	_ =	strace $0x90000047  }
0x3b: {  	s0 =	sadd.s32 @!p0 $0x100000, s1;
	[bflag:$0x2] =	sbarrier.arrive $0xFFFF  }
0x3c: {  	[sflag:s0] =	ssyncadd.tile.s32 @!p0 $0x1;
	_ =	shalt  }
.Lfunc_end2:
_tile_overlayer_lowered:
.L_overlay_start_2:
0x3d: {  	(tag) =	ssettag $0x2  }
0x3e: {  	s0 =	rddreg [dreg:$0x0];
	s2 =	stileid.u32  }
0x3f: {  	s1 =	rddreg [dreg:$0x1];
	p0 =	sne.s32 s2, $0x0  }
0x40: {  	s3 =	rddreg [dreg:$0x2];
	[bflag:$0x3] =	sbarrier.arrive $0xFFFF;
	s2 =	simm.s32 @!p0 $0x1C02  }
0x41: {  	[timem:s3], [sflag:s2] =	dma.local @!p0 [hbm:s0], s1  }
0x42: {  	s0 =	simm.s32 @!p0 $0x2  }
0x43: {  	_ =	swait.ge @!p0 [sflag:s0], s1  }
0x44: {  	s1 =	ssub.s32 @!p0 $0x0, s1;
	[sflag:s0] =	ssyncset.done @!p0 $0x0  }
0x45: {  	[sflag:s0] =	ssyncadd.s32 @!p0 s1  }
0x46: {  	[bflag:$0x3] =	sbarrier.arrive $0xFFFF  }
0x47: {  	_ =	shalt  }

// kernel: kernel.13.cloned.1.call-start
scs
__scs_entry_jumppad:
0x0: {  	(pc) =	sbr.rel $0x88, $3  }
0x1: {  	(tag) =	ssettag $0x0;
	lr =	simm.s32 $0x1  }
0x2: {  	[smem:$0x3F8E] =	sst lr;
	_ =	strace $0xD0000000  }
0x3: {  	_ = 	snop  }
0x4: {  	_ = 	snop  }
0x5: {  	_ = 	snop  }
0x6: {  	_ = 	snop  }
0x7: {  	_ = 	snop  }
__scs_overlays_trampoline_lowered:
0x8: {  	[smem:$0x3F9D] =	sst s0  }
0x9: {  	[smem:$0x3F9E] =	sst s1  }
0xa: {  	[smem:$0x3F9F] =	sst s2  }
0xb: {  	[smem:$0x3FA0] =	sst s3  }
0xc: {  	[smem:$0x3FA1] =	sst s4  }
0xd: {  	[smem:$0x3FA2] =	sst s5  }
0xe: {  	[smem:$0x3FA3] =	sst s6  }
0xf: {  	[smem:$0x3FA4] =	sst s7  }
0x10: {  	[smem:$0x3FA5] =	sst s8  }
0x11: {  	[smem:$0x3FA6] =	sst s9;
	s0 =	simm.s32 @!p0 $0x0  }
0x12: {  	s1 =	sld [smem:$0x3F8C];
	s0 =	simm.s32 @p0 $0x1  }
0x13: {  	[smem:$0x3FA7] =	sst s0;
	s0 =	simm.s32 @!p1 $0x0  }
0x14: {  	s2 =	sld [smem:$0x3F8B];
	s0 =	simm.s32 @p1 $0x1  }
0x15: {  	[smem:$0x3FA8] =	sst s0;
	s0 =	simm.s32 @!p2 $0x0  }
0x16: {  	s3 =	sld [smem:$0x3FDB];
	s0 =	simm.s32 @p2 $0x1  }
0x17: {  	s4 =	simm.s32 $0x1BF5;
	[smem:$0x3FAA] =	sst s0  }
0x18: {  	s0 =	sld [smem:$0x3F8D];
	_ =	swait.ge [sflag:s4], $0x0  }
0x19: {  	s7 =	sld [smem:$0x3F8E]  }
0x1a: {  	s8 =	sadd.s32 $0xFFFFE003, lr  }
0x1b: {  	s9 =	sadd.s32 $0xFFFFFEF7, lr;
	s5 =	simm.s32 $0xFFFFFFFF;
	p2 =	slt.u32 s8, $0xFFFFF086  }
0x1c: {  	p1 =	slt.u32 s9, $0xF7A;
	s5 =	simm.s32 @!p2 $0x0  }
0x1d: {  	s5 =	simm.s32 @p1 $0x1;
	p0 =	seq.s32 s7, s2  }
0x1e: {  	s7 =	smul.u32 @!p0 $0xF7A, s2;
	p2 =	seq.s32 @!p0 s5, $0x0  }
0x1f: {  	s9 =	smul.u32 $0xF7A, s1;
	s8 =	simm.s32 @!p0 $0x1BF5;
	p2 =	por !p2, p0  }
0x20: {  	[sflag:s8] =	ssyncset.s32 @!p0 $0xFFFFF086;
	s6 =	sadd.s32 @!p0 s3, s7;
	s7 =	simm.s32 @!p0 $0x108  }
0x21: {  	s3 =	sadd.s32 s3, s9;
	s6 =	sadd.s32 @!p0 $0x88, s6;
	s7 =	simm.s32 @p2 $0x1082  }
0x22: {  	[simem:s7], [sflag:s8] =	dma.local @!p0 [hbm:s6], $0xF7A  }
0x23: {  	s9 =	sor.u32 $0xD0000000, s2;
	s6 =	simm.s32 $0x108;
	_ =	swait.ge @!p0 [sflag:s8], $0x0  }
0x24: {  	s3 =	sadd.s32 $0x88, s3;
	s6 =	simm.s32 @!p1 $0x1082;
	[sflag:s4] =	ssyncset.s32 $0xFFFFF086  }
0x25: {  	[simem:s6], [sflag:s4] =	dma.local [hbm:s3], $0xF7A  }
0x26: {  	[smem:$0x3F8E] =	sst s1;
	(tag) =	ssettag s2;
	_ =	strace s9  }
0x27: {  	s1 =	sld [smem:$0x3F9E]  }
0x28: {  	s2 =	sld [smem:$0x3F9F]  }
0x29: {  	s4 =	sld [smem:$0x3FA1]  }
0x2a: {  	p0 =	seq.s32 s5, $0x0;
	s5 =	sld [smem:$0x3FA2]  }
0x2b: {  	s6 =	sld [smem:$0x3FA3]  }
0x2c: {  	s7 =	sld [smem:$0x3FA4]  }
0x2d: {  	s3 =	simm.s32 $0x108;
	s8 =	sld [smem:$0x3FA5]  }
0x2e: {  	s3 =	simm.s32 @!p0 $0x1082;
	s9 =	sld [smem:$0x3FA6]  }
0x2f: {  	lr =	sadd.s32 s0, s3;
	s0 =	sld [smem:$0x3F9D]  }
0x30: {  	s3 =	sld [smem:$0x3FA0]  }
0x31: {  	[smem:$0x3FA9] =	sst s10  }
0x32: {  	s10 =	sld [smem:$0x3FA7];
	_ =	sdelay $0x3  }
0x33: {  	p0 =	seq.s32 s10, $0x1;
	s10 =	sld [smem:$0x3FA9];
	_ =	sdelay $0x3  }
0x34: {  	[smem:$0x3FA9] =	sst s10  }
0x35: {  	s10 =	sld [smem:$0x3FA8];
	_ =	sdelay $0x3  }
0x36: {  	p1 =	seq.s32 s10, $0x1;
	s10 =	sld [smem:$0x3FA9];
	_ =	sdelay $0x3  }
0x37: {  	[smem:$0x3FA9] =	sst s10  }
0x38: {  	s10 =	sld [smem:$0x3FAA]  }
0x39: {  	_ = 	snop;
	(pc) =	sbr.ind lr, $3  }
0x3a: {  	_ = 	snop  }
0x3b: {  	_ = 	snop  }
0x3c: {  	p2 =	seq.s32 s10, $0x1;
	s10 =	sld [smem:$0x3FA9]  }
0x3d: {  	_ =	shalt  }
0x3e: {  	_ =	shalt  }
0x3f: {  	_ =	shalt  }
0x40: {  	_ =	shalt  }
0x41: {  	_ =	shalt  }
0x42: {  	_ =	shalt  }
0x43: {  	_ =	shalt  }
0x44: {  	_ =	shalt  }
0x45: {  	_ =	shalt  }
0x46: {  	_ =	shalt  }
0x47: {  	_ =	shalt  }
0x48: {  	_ =	shalt  }
0x49: {  	_ =	shalt  }
0x4a: {  	_ =	shalt  }
0x4b: {  	_ =	shalt  }
0x4c: {  	_ =	shalt  }
0x4d: {  	_ =	shalt  }
0x4e: {  	_ =	shalt  }
0x4f: {  	_ =	shalt  }
0x50: {  	_ =	shalt  }
0x51: {  	_ =	shalt  }
0x52: {  	_ =	shalt  }
0x53: {  	_ =	shalt  }
0x54: {  	_ =	shalt  }
0x55: {  	_ =	shalt  }
0x56: {  	_ =	shalt  }
0x57: {  	_ =	shalt  }
0x58: {  	_ =	shalt  }
0x59: {  	_ =	shalt  }
0x5a: {  	_ =	shalt  }
0x5b: {  	_ =	shalt  }
0x5c: {  	_ =	shalt  }
0x5d: {  	_ =	shalt  }
0x5e: {  	_ =	shalt  }
0x5f: {  	_ =	shalt  }
0x60: {  	_ =	shalt  }
0x61: {  	_ =	shalt  }
0x62: {  	_ =	shalt  }
0x63: {  	_ =	shalt  }
0x64: {  	_ =	shalt  }
0x65: {  	_ =	shalt  }
0x66: {  	_ =	shalt  }
0x67: {  	_ =	shalt  }
0x68: {  	_ =	shalt  }
0x69: {  	_ =	shalt  }
0x6a: {  	_ =	shalt  }
0x6b: {  	_ =	shalt  }
0x6c: {  	_ =	shalt  }
0x6d: {  	_ =	shalt  }
0x6e: {  	_ =	shalt  }
0x6f: {  	_ =	shalt  }
0x70: {  	_ =	shalt  }
0x71: {  	_ =	shalt  }
0x72: {  	_ =	shalt  }
0x73: {  	_ =	shalt  }
0x74: {  	_ =	shalt  }
0x75: {  	_ =	shalt  }
0x76: {  	_ =	shalt  }
0x77: {  	_ =	shalt  }
0x78: {  	_ =	shalt  }
0x79: {  	_ =	shalt  }
0x7a: {  	_ =	shalt  }
0x7b: {  	_ =	shalt  }
0x7c: {  	_ =	shalt  }
0x7d: {  	_ =	shalt  }
0x7e: {  	_ =	shalt  }
0x7f: {  	_ =	shalt  }
0x80: {  	_ =	shalt  }
0x81: {  	_ =	shalt  }
0x82: {  	_ =	shalt  }
0x83: {  	_ =	shalt  }
0x84: {  	_ =	shalt  }
0x85: {  	_ =	shalt  }
0x86: {  	_ =	shalt  }
0x87: {  	_ =	shalt  }
.Lfunc_end0:
.L_simem_size_0:
called_computation.1_lowered:
.L_overlay_start_0:
0x88: {  	s2 =	sld [smem:$0x3FD9]  }
0x89: {  	s3 =	sld [smem:$0x3FFE];
	_ =	sdelay $0x1  }
0x8a: {  	s1 =	srdreg.scid  }
0x8b: {  	s0 =	sand.u32 $0x1, s1  }
0x8c: {  	s16 =	sshll.u32 s0, $0xA;
	s2 =	sadd.s32 s3, s2  }
0x8d: {  	s2 =	sadd.s32 s2, s16  }
0x8e: {  	[smem:$0x3FB5] =	sst s2  }
0x8f: {  	_ = 	snop  }
0x90: {  	(tm) =	ssettm $0x1  }
0x91: {  	s17 =	sld [smem:$0x3FFB];
	_ =	sdelay $0x3  }
0x92: {  	_ =	strace s17  }
0x93: {  	s2 =	sld [smem:$0x3FFC];
	_ =	sdelay $0x3  }
0x94: {  	_ =	strace s2  }
0x95: {  	s2 =	sld [smem:$0x3FFD];
	_ =	sdelay $0x3  }
0x96: {  	_ =	strace s2  }
0x97: {  	_ =	strace $0x8FFFFFFF  }
0x98: {  	s18 =	sld [smem:$0x3FDB];
	_ =	sdelay $0x1  }
0x99: {  	s19 =	simm.s32 $_scs_section_size  }
0x9a: {  	s4 =	simm.s32 $_size__tile_overlayer_lowered;
	s5 =	simm.s32 $_tile_overlayer_lowered  }
0x9b: {  	s22 =	simm.s32 $0x1BFF;
	s21 =	sshll.u32 s5, $0x1;
	s2 =	sadd.s32 s19, s18  }
0x9c: {  	s6 =	simm.s32 $0x0;
	s20 =	sshll.u32 s4, $0x1;
	s4 =	sadd.s32 s21, s2  }
0x9d: {  	[timem:s6], [sflag:s22] =	dma.local [hbm:s4], s20  }
0x9e: {  	_ =	swait.ge [sflag:s22], s20  }
0x9f: {  	s3 =	ssub.s32 $0x0, s20;
	[sflag:s22] =	ssyncset.done $0x0  }
0xa0: {  	[sflag:s22] =	ssyncadd.s32 s3;
	_ =	sdelay $0x1  }
0xa1: {  	s23 =	simm.s32 $0x1B8B  }
0xa2: {  	_ =	swait.ge [sflag:s23], $0x1  }
0xa3: {  	[sflag:s23] =	ssyncset.done $0x0  }
0xa4: {  	s25 =	simm.s32 $0x1B8E;
	s24 =	sld [smem:$0x3FFE];
	[sflag:s23] =	ssyncadd.s32 $0xFFFFFFFF  }
0xa5: {  	s26 =	simm.s32 $execute0_lowered;
	[smem:$0x3FD2] =	sst s25  }
0xa6: {  	s4 =	sshll.u32 s26, $0x1;
	_ =	strace $0x80000049;
	[dreg:$0x1] =	wrdreg $0xFFFFFFFF  }
0xa7: {  	s28 =	simm.s32 $_size_execute0_lowered;
	s2 =	sadd.s32 s2, s4;
	[dreg:$0x0] =	wrdreg $0x0  }
0xa8: {  	s4 =	sshll.u32 s28, $0x1;
	[dreg:$0x2] =	wrdreg s2  }
0xa9: {  	[dreg:$0x3] =	wrdreg s4  }
0xaa: {  	[dreg:$0x4] =	wrdreg $0xC0  }
0xab: {  	_ =	task [dreg:s6], $0x5FFFF  }
0xac: {  	[dreg:$0x1] =	wrdreg $0xFFFFFFFF  }
0xad: {  	[dreg:$0x0] =	wrdreg $0x60  }
0xae: {  	[dreg:$0x2] =	wrdreg s24  }
0xaf: {  	[dreg:$0x3] =	wrdreg $0x13A600  }
0xb0: {  	[dreg:$0x4] =	wrdreg $0x9  }
0xb1: {  	_ =	task.clear_ibuf [dreg:s6], $0x5FFFF;
	_ =	strace $0x90000049  }
0xb2: {  	s29 =	simm.s32 $0x9;
	_ =	strace $0x8000004B  }
0xb3: {  	_ =	swait.ge [sflag:s29], $0x1  }
0xb4: {  	[sflag:s29] =	ssyncadd.s32 $0xFFFFFFFF  }
0xb5: {  	_ =	strace $0x9000004B  }
0xb6: {  	_ =	sfence  }
0xb7: {  	s30 =	sld [smem:$0x0];
	_ =	sdelay $0x2  }
0xb8: {  	s31 =	sshll.u32 s1, $0xD;
	s1 =	sshrl.u32 s1, $0x2  }
0xb9: {  	s3 =	sand.u32 $0x4000, s31;
	s1 =	sadd.s32 s1, s30  }
0xba: {  	s0 =	sor.u32 s3, s0;
	s1 =	sshll.u32 s1, $0x11  }
0xbb: {  	s0 =	sor.u32 s1, s0  }
0xbc: {  	s0 =	sadd.s32 $0x8F2B, s0  }
0xbd: {  	[sflag:s0] =	ssyncadd.remote.s32 $0x1  }
0xbe: {  	_ =	sfence.sel $0xFFFF  }
0xbf: {  	[dreg:$0x0] =	wrdreg $0xFFFFFFFF;
	(pc) =	sbr.abs _section_cstart, $3  }
0xc0: {  	[dreg:$0x1] =	wrdreg $0xFFFFFFFF  }
0xc1: {  	_ =	task.clear_ibuf [dreg:s6], $0x2FFFF;
	_ =	strace $0x9FFFFFFF  }
0xc2: {  	(tm) =	ssettm $0x7FFFFFFF  }
0xc3: {  	_ =	shalt  }
tec
execute0_lowered:
.L_overlay_start_1:
0x0: {  	(tag) =	ssettag $0x1  }
0x1: {  	s0 =	rddreg [dreg:$0x0]  }
0x2: {  	s1 =	rddreg [dreg:$0x1];
	s2 =	srdreg.scid;
	s6 =	simm.s32 $0x0  }
0x3: {  	s3 =	stileid.u32;
	s10 =	simm.s32 $0x9E20;
	s11 =	simm.s32 $0x5  }
0x4: {  	s12 =	simm.s32 $0x2710;
	s13 =	simm.s32 $0x50;
	s14 =	simm.s32 $0x4E20  }
0x5: {  	s15 =	simm.s32 $0x6220;
	s16 =	simm.s32 $0xA0;
	s17 =	simm.s32 $0x7620  }
0x6: {  	s18 =	simm.s32 $0xF0;
	s19 =	simm.s32 $0x8A20;
	s20 =	simm.s32 $0x1  }
0x7: {  	s21 =	simm.s32 $0x2;
	s22 =	simm.s32 $0x3;
	s23 =	simm.s32 $0x4  }
0x8: {  	s28 =	simm.s32 $0x4D30;
	s29 =	simm.s32 $0x4D80;
	s30 =	simm.s32 $0x4DD0  }
0x9: {  	s31 =	simm.s32 $0x0;
	s2 =	sand.u32 $0x1, s2;
	s24 =	smul.u32 $0x9C40, s3  }
0xa: {  	[smem:$0x7FF] =	sst s6;
	s25 =	smul.u32 $0x27100, s3;
	s4 =	sshll.u32 s2, $0x4  }
0xb: {  	s5 =	smul.u32 $0x9C400, s2;
	_ =	strace $0x8000004A;
	s2 =	ssub.s32 $0x2, s2  }
0xc: {  	s4 =	sor.u32 s3, s4;
	s26 =	sshrl.u32 s2, $0x1;
	s6 =	sshrl.u32 s25, $0x2  }
0xd: {  	s25 =	simm.s32 $0x26C0;
	s7 =	smul.u32 $0x4E2, s4;
	s4 =	sadd.s32 $0x3E800, s0  }
0xe: {  	s5 =	sadd.s32 s24, s5;
	s2 =	ssub.s32 s2, s26;
	s24 =	simm.s32 $0x4C90  }
0xf: {  	s26 =	simm.s32 $0x4CE0;
	s5 =	sshrl.u32 s5, $0x3;
	s9 =	smax.u32 s2, $0x1  }
0x10: {  	s7 =	sadd.s32 s7, s0;
	s0 =	sadd.s32 s5, s0;
	s5 =	sadd.s32 s6, s1  }
0x11: {  	v0 =	vimm.f32 $0.0e+00;
	s6 =	sadd.s32 $0x3A00, s7;
	s7 =	sadd.s32 $0xD800, s7;
	s8 =	sadd.s32 $0x52200, s0  }
.LBB2_1:
0x12: {  	s2 =	simm.s32 $0x100;
	s0 =	simm.s32 $0x0  }
.LBB2_2:
0x13: {  	p0 =	sne.s32 s2, $0x27000;
	[tilespmem:s0+$0x9E50] =	vst v0;
	s3 =	smov.u32 s2;
	s2 =	sadd.s32 $0x100, s2  }
.Ltmp0:
0x14: {  	[tilespmem:s0+$0x9E40] =	vst v0;
	(pc) =	sbr.rel @p0 .LBB2_2-.Ltmp0, $3  }
0x15: {  	[tilespmem:s0+$0x9E20] =	vst v0  }
0x16: {  	[tilespmem:s0+$0x9E30] =	vst v0;
	_ =	sdelay $0x1  }
0x17: {  	s0 =	sshra.s32 s3, $0x2  }
0x18: {  	[tilespmem:s0+$0x9E50] =	vst v0  }
0x19: {  	[tilespmem:s0+$0x9E40] =	vst v0  }
0x1a: {  	[tilespmem:s0+$0x9E20] =	vst v0  }
0x1b: {  	[tilespmem:s0+$0x9E30] =	vst v0  }
0x1c: {  	[spmem:s5] =	stream.linear.scatter [tilespmem:s10], [sflag:$0x5], $0x9C40, $0x38;
	[tilespmem:$0x1D6A0] =	vst v63  }
0x1d: {  	_ =	swait.ge [sflag:s11], $0x9C40  }
0x1e: {  	[sflag:s11] =	ssyncset.done $0x0  }
0x1f: {  	[sflag:s11] =	ssyncadd.s32 $0xFFFF63C0  }
0x20: {  	s2 =	simm.s32 $0x0;
	[bflag:$0x0] =	sbarrier.arrive $0xFFFF  }
0x21: {  	[tilespmem:s2], [sflag:$0x5] =	stream.linear.gather [hbm4b:s6+s2], $0x2710, $0x38;
	[tilespmem:$0x1D6A0] =	vst v63  }
0x22: {  	_ =	swait.ge [sflag:s11], $0x2710  }
0x23: {  	[sflag:s11] =	ssyncset.done $0x0  }
0x24: {  	[sflag:s11] =	ssyncadd.s32 $0xFFFFD8F0  }
0x25: {  	[tilespmem:s12], [sflag:$0x5] =	stream.linear.gather [hbm4b:s7+s2], $0x2710, $0x38;
	[tilespmem:$0x1D6A0] =	vst v63  }
0x26: {  	_ =	swait.ge [sflag:s11], $0x2710  }
0x27: {  	[sflag:s11] =	ssyncset.done $0x0  }
0x28: {  	[sflag:s11] =	ssyncadd.s32 $0xFFFFD8F0  }
0x29: {  	[tilespmem:s14], [sflag:$0x1] =	stream.indirect.gather [hbm4b:s4+s13], $0x40, s2, s13, $0xb8;
	[tilespmem:$0x1D6A0] =	vst v63  }
0x2a: {  	_ = 	snop  }
0x2b: {  	[tilespmem:s15], [sflag:$0x2] =	stream.indirect.gather [hbm4b:s4+s13], $0x40, s13, s13, $0xb8;
	[tilespmem:$0x1D6A0] =	vst v63  }
0x2c: {  	_ = 	snop  }
0x2d: {  	[tilespmem:s17], [sflag:$0x3] =	stream.indirect.gather [hbm4b:s4+s13], $0x40, s16, s13, $0xb8;
	[tilespmem:$0x1D6A0] =	vst v63  }
0x2e: {  	_ = 	snop  }
0x2f: {  	[tilespmem:s19], [sflag:$0x4] =	stream.indirect.gather [hbm4b:s4+s13], $0x40, s18, s13, $0xb8;
	[tilespmem:$0x1D6A0] =	vst v63  }
0x30: {  	_ =	swait.ge [sflag:s20], $0x1400  }
0x31: {  	[sflag:s20] =	ssyncset.done $0x0  }
0x32: {  	s3 =	simm.s32 $0x2710;
	[sflag:s20] =	ssyncadd.s32 $0xFFFFEC00  }
0x33: {  	[spmem:s1] =	stream.indirect.scatter.add.f32 [tilespmem:s14], [sflag:$0x5], $0x40, s3, s13, $0xb8;
	[tilespmem:$0x1D6A0] =	vst v63  }
0x34: {  	_ =	swait.ge [sflag:s11], $0x1400  }
0x35: {  	[sflag:s11] =	ssyncset.done $0x0  }
0x36: {  	s2 =	simm.s32 $0x140;
	[sflag:s11] =	ssyncadd.s32 $0xFFFFEC00  }
0x37: {  	[tilespmem:s14], [sflag:$0x1] =	stream.indirect.gather [hbm4b:s4+s13], $0x40, s2, s13, $0xb8;
	[tilespmem:$0x1D6A0] =	vst v63  }
0x38: {  	_ =	swait.ge [sflag:s21], $0x1400  }
0x39: {  	[sflag:s21] =	ssyncset.done $0x0  }
0x3a: {  	s3 =	simm.s32 $0x2760;
	[sflag:s21] =	ssyncadd.s32 $0xFFFFEC00  }
0x3b: {  	[spmem:s1] =	stream.indirect.scatter.add.f32 [tilespmem:s15], [sflag:$0x5], $0x40, s3, s13, $0xb8;
	[tilespmem:$0x1D6A0] =	vst v63  }
0x3c: {  	_ =	swait.ge [sflag:s11], $0x1400  }
0x3d: {  	[sflag:s11] =	ssyncset.done $0x0  }
0x3e: {  	s2 =	simm.s32 $0x190;
	[sflag:s11] =	ssyncadd.s32 $0xFFFFEC00  }
0x3f: {  	[tilespmem:s15], [sflag:$0x2] =	stream.indirect.gather [hbm4b:s4+s13], $0x40, s2, s13, $0xb8;
	[tilespmem:$0x1D6A0] =	vst v63  }
0x40: {  	_ =	swait.ge [sflag:s22], $0x1400  }
0x41: {  	[sflag:s22] =	ssyncset.done $0x0  }
0x42: {  	s3 =	simm.s32 $0x27B0;
	[sflag:s22] =	ssyncadd.s32 $0xFFFFEC00  }
0x43: {  	[spmem:s1] =	stream.indirect.scatter.add.f32 [tilespmem:s17], [sflag:$0x5], $0x40, s3, s13, $0xb8;
	[tilespmem:$0x1D6A0] =	vst v63  }
0x44: {  	_ =	swait.ge [sflag:s11], $0x1400  }
0x45: {  	[sflag:s11] =	ssyncset.done $0x0  }
0x46: {  	s2 =	simm.s32 $0x1E0;
	[sflag:s11] =	ssyncadd.s32 $0xFFFFEC00  }
0x47: {  	[tilespmem:s17], [sflag:$0x3] =	stream.indirect.gather [hbm4b:s4+s13], $0x40, s2, s13, $0xb8;
	[tilespmem:$0x1D6A0] =	vst v63  }
0x48: {  	_ =	swait.ge [sflag:s23], $0x1400  }
0x49: {  	[sflag:s23] =	ssyncset.done $0x0  }
0x4a: {  	s3 =	simm.s32 $0x2800;
	[sflag:s23] =	ssyncadd.s32 $0xFFFFEC00  }
0x4b: {  	[spmem:s1] =	stream.indirect.scatter.add.f32 [tilespmem:s19], [sflag:$0x5], $0x40, s3, s13, $0xb8;
	[tilespmem:$0x1D6A0] =	vst v63  }
0x4c: {  	_ =	swait.ge [sflag:s11], $0x1400  }
0x4d: {  	[sflag:s11] =	ssyncset.done $0x0  }
0x4e: {  	s0 =	simm.s32 $0x500;
	s2 =	simm.s32 $0x230;
	[sflag:s11] =	ssyncadd.s32 $0xFFFFEC00  }
.LBB2_4:
0x4f: {  	[tilespmem:s19], [sflag:$0x4] =	stream.indirect.gather [hbm4b:s4+s13], $0x40, s2, s13, $0xb8;
	[tilespmem:$0x1D6A0] =	vst v63  }
0x50: {  	s2 =	smov.u32 s0  }
0x51: {  	p0 =	sne.s32 s0, $0x9100;
	s0 =	sadd.s32 $0x500, s0;
	_ =	swait.ge [sflag:s20], $0x1400  }
0x52: {  	s2 =	sshra.s32 s2, $0x2;
	[sflag:s20] =	ssyncset.done $0x0  }
0x53: {  	s3 =	sadd.s32 $0x2710, s2;
	[sflag:s20] =	ssyncadd.s32 $0xFFFFEC00  }
0x54: {  	[spmem:s1] =	stream.indirect.scatter.add.f32 [tilespmem:s14], [sflag:$0x5], $0x40, s3, s13, $0xb8;
	[tilespmem:$0x1D6A0] =	vst v63  }
0x55: {  	_ =	swait.ge [sflag:s11], $0x1400  }
0x56: {  	[sflag:s11] =	ssyncset.done $0x0  }
0x57: {  	s3 =	sadd.s32 $0x140, s2;
	[sflag:s11] =	ssyncadd.s32 $0xFFFFEC00  }
0x58: {  	[tilespmem:s14], [sflag:$0x1] =	stream.indirect.gather [hbm4b:s4+s13], $0x40, s3, s13, $0xb8;
	[tilespmem:$0x1D6A0] =	vst v63  }
0x59: {  	_ =	swait.ge [sflag:s21], $0x1400  }
0x5a: {  	[sflag:s21] =	ssyncset.done $0x0  }
0x5b: {  	s3 =	sadd.s32 $0x2760, s2;
	[sflag:s21] =	ssyncadd.s32 $0xFFFFEC00  }
0x5c: {  	[spmem:s1] =	stream.indirect.scatter.add.f32 [tilespmem:s15], [sflag:$0x5], $0x40, s3, s13, $0xb8;
	[tilespmem:$0x1D6A0] =	vst v63  }
0x5d: {  	_ =	swait.ge [sflag:s11], $0x1400  }
0x5e: {  	[sflag:s11] =	ssyncset.done $0x0  }
0x5f: {  	s3 =	sadd.s32 $0x190, s2;
	[sflag:s11] =	ssyncadd.s32 $0xFFFFEC00  }
0x60: {  	[tilespmem:s15], [sflag:$0x2] =	stream.indirect.gather [hbm4b:s4+s13], $0x40, s3, s13, $0xb8;
	[tilespmem:$0x1D6A0] =	vst v63  }
0x61: {  	_ =	swait.ge [sflag:s22], $0x1400  }
0x62: {  	[sflag:s22] =	ssyncset.done $0x0  }
0x63: {  	s3 =	sadd.s32 $0x27B0, s2;
	[sflag:s22] =	ssyncadd.s32 $0xFFFFEC00  }
0x64: {  	[spmem:s1] =	stream.indirect.scatter.add.f32 [tilespmem:s17], [sflag:$0x5], $0x40, s3, s13, $0xb8;
	[tilespmem:$0x1D6A0] =	vst v63  }
0x65: {  	_ =	swait.ge [sflag:s11], $0x1400  }
0x66: {  	[sflag:s11] =	ssyncset.done $0x0  }
0x67: {  	s3 =	sadd.s32 $0x1E0, s2;
	[sflag:s11] =	ssyncadd.s32 $0xFFFFEC00  }
0x68: {  	[tilespmem:s17], [sflag:$0x3] =	stream.indirect.gather [hbm4b:s4+s13], $0x40, s3, s13, $0xb8;
	[tilespmem:$0x1D6A0] =	vst v63  }
0x69: {  	_ =	swait.ge [sflag:s23], $0x1400  }
0x6a: {  	[sflag:s23] =	ssyncset.done $0x0  }
.Ltmp1:
0x6b: {  	s3 =	sadd.s32 $0x2800, s2;
	[sflag:s23] =	ssyncadd.s32 $0xFFFFEC00;
	(pc) =	sbr.rel @p0 .LBB2_4-.Ltmp1, $4  }
0x6c: {  	[spmem:s1] =	stream.indirect.scatter.add.f32 [tilespmem:s19], [sflag:$0x5], $0x40, s3, s13, $0xb8;
	[tilespmem:$0x1D6A0] =	vst v63  }
0x6d: {  	_ =	swait.ge [sflag:s11], $0x1400  }
0x6e: {  	[sflag:s11] =	ssyncset.done $0x0  }
0x6f: {  	s2 =	sadd.s32 $0x230, s2;
	[sflag:s11] =	ssyncadd.s32 $0xFFFFEC00  }
0x70: {  	[tilespmem:s19], [sflag:$0x4] =	stream.indirect.gather [hbm4b:s4+s13], $0x40, s2, s13, $0xb8;
	[tilespmem:$0x1D6A0] =	vst v63  }
0x71: {  	_ =	swait.ge [sflag:s20], $0x1400  }
0x72: {  	[sflag:s20] =	ssyncset.done $0x0  }
0x73: {  	[sflag:s20] =	ssyncadd.s32 $0xFFFFEC00  }
0x74: {  	[spmem:s1] =	stream.indirect.scatter.add.f32 [tilespmem:s14], [sflag:$0x5], $0x40, s24, s13, $0xb8;
	[tilespmem:$0x1D6A0] =	vst v63  }
0x75: {  	_ =	swait.ge [sflag:s11], $0x1400  }
0x76: {  	[sflag:s11] =	ssyncset.done $0x0  }
0x77: {  	[sflag:s11] =	ssyncadd.s32 $0xFFFFEC00  }
0x78: {  	[tilespmem:s14], [sflag:$0x1] =	stream.indirect.gather [hbm4b:s4+s13], $0x40, s25, s13, $0xb8;
	[tilespmem:$0x1D6A0] =	vst v63  }
0x79: {  	_ =	swait.ge [sflag:s21], $0x1400  }
0x7a: {  	[sflag:s21] =	ssyncset.done $0x0  }
0x7b: {  	[sflag:s21] =	ssyncadd.s32 $0xFFFFEC00  }
0x7c: {  	[spmem:s1] =	stream.indirect.scatter.add.f32 [tilespmem:s15], [sflag:$0x5], $0x40, s26, s13, $0xb8;
	[tilespmem:$0x1D6A0] =	vst v63  }
0x7d: {  	_ =	swait.ge [sflag:s11], $0x1400  }
0x7e: {  	[sflag:s11] =	ssyncset.done $0x0  }
0x7f: {  	[sflag:s11] =	ssyncadd.s32 $0xFFFFEC00  }
0x80: {  	_ =	swait.ge [sflag:s22], $0x1400  }
0x81: {  	[sflag:s22] =	ssyncset.done $0x0  }
0x82: {  	[sflag:s22] =	ssyncadd.s32 $0xFFFFEC00  }
0x83: {  	[spmem:s1] =	stream.indirect.scatter.add.f32 [tilespmem:s17], [sflag:$0x5], $0x40, s28, s13, $0xb8;
	[tilespmem:$0x1D6A0] =	vst v63  }
0x84: {  	_ =	swait.ge [sflag:s11], $0x1400  }
0x85: {  	[sflag:s11] =	ssyncset.done $0x0  }
0x86: {  	[sflag:s11] =	ssyncadd.s32 $0xFFFFEC00  }
0x87: {  	_ =	swait.ge [sflag:s23], $0x1400  }
0x88: {  	[sflag:s23] =	ssyncset.done $0x0  }
0x89: {  	[sflag:s23] =	ssyncadd.s32 $0xFFFFEC00  }
0x8a: {  	[spmem:s1] =	stream.indirect.scatter.add.f32 [tilespmem:s19], [sflag:$0x5], $0x40, s29, s13, $0xb8;
	[tilespmem:$0x1D6A0] =	vst v63  }
0x8b: {  	_ =	swait.ge [sflag:s11], $0x1400  }
0x8c: {  	[sflag:s11] =	ssyncset.done $0x0  }
0x8d: {  	[sflag:s11] =	ssyncadd.s32 $0xFFFFEC00  }
0x8e: {  	_ =	swait.ge [sflag:s20], $0x1400  }
0x8f: {  	[sflag:s20] =	ssyncset.done $0x0  }
0x90: {  	[sflag:s20] =	ssyncadd.s32 $0xFFFFEC00  }
0x91: {  	[spmem:s1] =	stream.indirect.scatter.add.f32 [tilespmem:s14], [sflag:$0x5], $0x40, s30, s13, $0xb8;
	[tilespmem:$0x1D6A0] =	vst v63  }
0x92: {  	_ =	swait.ge [sflag:s11], $0x1400  }
0x93: {  	[sflag:s11] =	ssyncset.done $0x0  }
0x94: {  	[sflag:s11] =	ssyncadd.s32 $0xFFFFEC00  }
0x95: {  	[bflag:$0x0] =	sbarrier.arrive $0xFFFF  }
0x96: {  	[tilespmem:s10], [sflag:$0x5] =	stream.linear.gather [spmem:s5], $0x9C40, $0x38;
	[tilespmem:$0x1D6A0] =	vst v63  }
0x97: {  	s31 =	sadd.s32 $0x1, s31;
	_ =	swait.ge [sflag:s11], $0x9C40  }
0x98: {  	p0 =	sne.s32 s31, s9;
	[sflag:s11] =	ssyncset.done $0x0  }
.Ltmp2:
0x99: {  	s0 =	simm.s32 $0x0;
	[sflag:s11] =	ssyncadd.s32 $0xFFFF63C0;
	(pc) =	sbr.rel @p0 .LBB2_1-.Ltmp2, $4  }
0x9a: {  	[hbm4b:s8+s0] =	stream.linear.scatter [tilespmem:s10], [sflag:$0x5], $0x9C40, $0x38;
	[tilespmem:$0x1D6A0] =	vst v63  }
0x9b: {  	_ =	swait.ge [sflag:s11], $0x9C40  }
0x9c: {  	[sflag:s11] =	ssyncset.done $0x0  }
0x9d: {  	[sflag:s11] =	ssyncadd.s32 $0xFFFF63C0  }
0x9e: {  	_ =	sfence.sel $0x180000  }
0x9f: {  	[bflag:$0x0] =	sbarrier.arrive $0xFFFF  }
0xa0: {  	_ =	strace $0x9000004A  }
0xa1: {  	s0 =	stileid.u32;
	[bflag:$0x2] =	sbarrier.arrive $0xFFFF  }
0xa2: {  	p0 =	sne.s32 s0, $0x0;
	s0 =	rddreg [dreg:$0x2]  }
0xa3: {  	s0 =	sadd.s32 @!p0 $0x100000, s0  }
0xa4: {  	[sflag:s0] =	ssyncadd.tile.s32 @!p0 $0x1;
	_ =	shalt  }
.Lfunc_end2:
_tile_overlayer_lowered:
.L_overlay_start_2:
0xa5: {  	(tag) =	ssettag $0x2  }
0xa6: {  	s0 =	rddreg [dreg:$0x0];
	s2 =	stileid.u32  }
0xa7: {  	s1 =	rddreg [dreg:$0x1];
	p0 =	sne.s32 s2, $0x0  }
0xa8: {  	s3 =	rddreg [dreg:$0x2];
	[bflag:$0x3] =	sbarrier.arrive $0xFFFF;
	s2 =	simm.s32 @!p0 $0x1C05  }
0xa9: {  	[timem:s3], [sflag:s2] =	dma.local @!p0 [hbm:s0], s1  }
0xaa: {  	s0 =	simm.s32 @!p0 $0x5  }
0xab: {  	_ =	swait.ge @!p0 [sflag:s0], s1  }
0xac: {  	s1 =	ssub.s32 @!p0 $0x0, s1;
	[sflag:s0] =	ssyncset.done @!p0 $0x0  }
0xad: {  	[sflag:s0] =	ssyncadd.s32 @!p0 s1  }
0xae: {  	[bflag:$0x3] =	sbarrier.arrive $0xFFFF  }
0xaf: {  	_ =	shalt  }

// kernel: kernel.16.cloned.1.call-start
scs
__scs_entry_jumppad:
0x0: {  	(pc) =	sbr.rel $0x88, $3  }
0x1: {  	(tag) =	ssettag $0x0;
	lr =	simm.s32 $0x1  }
0x2: {  	[smem:$0x3F8E] =	sst lr;
	_ =	strace $0xD0000000  }
0x3: {  	_ = 	snop  }
0x4: {  	_ = 	snop  }
0x5: {  	_ = 	snop  }
0x6: {  	_ = 	snop  }
0x7: {  	_ = 	snop  }
__scs_overlays_trampoline_lowered:
0x8: {  	[smem:$0x3F9D] =	sst s0  }
0x9: {  	[smem:$0x3F9E] =	sst s1  }
0xa: {  	[smem:$0x3F9F] =	sst s2  }
0xb: {  	[smem:$0x3FA0] =	sst s3  }
0xc: {  	[smem:$0x3FA1] =	sst s4  }
0xd: {  	[smem:$0x3FA2] =	sst s5  }
0xe: {  	[smem:$0x3FA3] =	sst s6  }
0xf: {  	[smem:$0x3FA4] =	sst s7  }
0x10: {  	[smem:$0x3FA5] =	sst s8  }
0x11: {  	[smem:$0x3FA6] =	sst s9;
	s0 =	simm.s32 @!p0 $0x0  }
0x12: {  	s1 =	sld [smem:$0x3F8C];
	s0 =	simm.s32 @p0 $0x1  }
0x13: {  	[smem:$0x3FA7] =	sst s0;
	s0 =	simm.s32 @!p1 $0x0  }
0x14: {  	s2 =	sld [smem:$0x3F8B];
	s0 =	simm.s32 @p1 $0x1  }
0x15: {  	[smem:$0x3FA8] =	sst s0;
	s0 =	simm.s32 @!p2 $0x0  }
0x16: {  	s3 =	sld [smem:$0x3FDB];
	s0 =	simm.s32 @p2 $0x1  }
0x17: {  	s4 =	simm.s32 $0x1BF5;
	[smem:$0x3FAA] =	sst s0  }
0x18: {  	s0 =	sld [smem:$0x3F8D];
	_ =	swait.ge [sflag:s4], $0x0  }
0x19: {  	s7 =	sld [smem:$0x3F8E]  }
0x1a: {  	s8 =	sadd.s32 $0xFFFFE003, lr  }
0x1b: {  	s9 =	sadd.s32 $0xFFFFFEF7, lr;
	s5 =	simm.s32 $0xFFFFFFFF;
	p2 =	slt.u32 s8, $0xFFFFF086  }
0x1c: {  	p1 =	slt.u32 s9, $0xF7A;
	s5 =	simm.s32 @!p2 $0x0  }
0x1d: {  	s5 =	simm.s32 @p1 $0x1;
	p0 =	seq.s32 s7, s2  }
0x1e: {  	s7 =	smul.u32 @!p0 $0xF7A, s2;
	p2 =	seq.s32 @!p0 s5, $0x0  }
0x1f: {  	s9 =	smul.u32 $0xF7A, s1;
	s8 =	simm.s32 @!p0 $0x1BF5;
	p2 =	por !p2, p0  }
0x20: {  	[sflag:s8] =	ssyncset.s32 @!p0 $0xFFFFF086;
	s6 =	sadd.s32 @!p0 s3, s7;
	s7 =	simm.s32 @!p0 $0x108  }
0x21: {  	s3 =	sadd.s32 s3, s9;
	s6 =	sadd.s32 @!p0 $0x88, s6;
	s7 =	simm.s32 @p2 $0x1082  }
0x22: {  	[simem:s7], [sflag:s8] =	dma.local @!p0 [hbm:s6], $0xF7A  }
0x23: {  	s9 =	sor.u32 $0xD0000000, s2;
	s6 =	simm.s32 $0x108;
	_ =	swait.ge @!p0 [sflag:s8], $0x0  }
0x24: {  	s3 =	sadd.s32 $0x88, s3;
	s6 =	simm.s32 @!p1 $0x1082;
	[sflag:s4] =	ssyncset.s32 $0xFFFFF086  }
0x25: {  	[simem:s6], [sflag:s4] =	dma.local [hbm:s3], $0xF7A  }
0x26: {  	[smem:$0x3F8E] =	sst s1;
	(tag) =	ssettag s2;
	_ =	strace s9  }
0x27: {  	s1 =	sld [smem:$0x3F9E]  }
0x28: {  	s2 =	sld [smem:$0x3F9F]  }
0x29: {  	s4 =	sld [smem:$0x3FA1]  }
0x2a: {  	p0 =	seq.s32 s5, $0x0;
	s5 =	sld [smem:$0x3FA2]  }
0x2b: {  	s6 =	sld [smem:$0x3FA3]  }
0x2c: {  	s7 =	sld [smem:$0x3FA4]  }
0x2d: {  	s3 =	simm.s32 $0x108;
	s8 =	sld [smem:$0x3FA5]  }
0x2e: {  	s3 =	simm.s32 @!p0 $0x1082;
	s9 =	sld [smem:$0x3FA6]  }
0x2f: {  	lr =	sadd.s32 s0, s3;
	s0 =	sld [smem:$0x3F9D]  }
0x30: {  	s3 =	sld [smem:$0x3FA0]  }
0x31: {  	[smem:$0x3FA9] =	sst s10  }
0x32: {  	s10 =	sld [smem:$0x3FA7];
	_ =	sdelay $0x3  }
0x33: {  	p0 =	seq.s32 s10, $0x1;
	s10 =	sld [smem:$0x3FA9];
	_ =	sdelay $0x3  }
0x34: {  	[smem:$0x3FA9] =	sst s10  }
0x35: {  	s10 =	sld [smem:$0x3FA8];
	_ =	sdelay $0x3  }
0x36: {  	p1 =	seq.s32 s10, $0x1;
	s10 =	sld [smem:$0x3FA9];
	_ =	sdelay $0x3  }
0x37: {  	[smem:$0x3FA9] =	sst s10  }
0x38: {  	s10 =	sld [smem:$0x3FAA]  }
0x39: {  	_ = 	snop;
	(pc) =	sbr.ind lr, $3  }
0x3a: {  	_ = 	snop  }
0x3b: {  	_ = 	snop  }
0x3c: {  	p2 =	seq.s32 s10, $0x1;
	s10 =	sld [smem:$0x3FA9]  }
0x3d: {  	_ =	shalt  }
0x3e: {  	_ =	shalt  }
0x3f: {  	_ =	shalt  }
0x40: {  	_ =	shalt  }
0x41: {  	_ =	shalt  }
0x42: {  	_ =	shalt  }
0x43: {  	_ =	shalt  }
0x44: {  	_ =	shalt  }
0x45: {  	_ =	shalt  }
0x46: {  	_ =	shalt  }
0x47: {  	_ =	shalt  }
0x48: {  	_ =	shalt  }
0x49: {  	_ =	shalt  }
0x4a: {  	_ =	shalt  }
0x4b: {  	_ =	shalt  }
0x4c: {  	_ =	shalt  }
0x4d: {  	_ =	shalt  }
0x4e: {  	_ =	shalt  }
0x4f: {  	_ =	shalt  }
0x50: {  	_ =	shalt  }
0x51: {  	_ =	shalt  }
0x52: {  	_ =	shalt  }
0x53: {  	_ =	shalt  }
0x54: {  	_ =	shalt  }
0x55: {  	_ =	shalt  }
0x56: {  	_ =	shalt  }
0x57: {  	_ =	shalt  }
0x58: {  	_ =	shalt  }
0x59: {  	_ =	shalt  }
0x5a: {  	_ =	shalt  }
0x5b: {  	_ =	shalt  }
0x5c: {  	_ =	shalt  }
0x5d: {  	_ =	shalt  }
0x5e: {  	_ =	shalt  }
0x5f: {  	_ =	shalt  }
0x60: {  	_ =	shalt  }
0x61: {  	_ =	shalt  }
0x62: {  	_ =	shalt  }
0x63: {  	_ =	shalt  }
0x64: {  	_ =	shalt  }
0x65: {  	_ =	shalt  }
0x66: {  	_ =	shalt  }
0x67: {  	_ =	shalt  }
0x68: {  	_ =	shalt  }
0x69: {  	_ =	shalt  }
0x6a: {  	_ =	shalt  }
0x6b: {  	_ =	shalt  }
0x6c: {  	_ =	shalt  }
0x6d: {  	_ =	shalt  }
0x6e: {  	_ =	shalt  }
0x6f: {  	_ =	shalt  }
0x70: {  	_ =	shalt  }
0x71: {  	_ =	shalt  }
0x72: {  	_ =	shalt  }
0x73: {  	_ =	shalt  }
0x74: {  	_ =	shalt  }
0x75: {  	_ =	shalt  }
0x76: {  	_ =	shalt  }
0x77: {  	_ =	shalt  }
0x78: {  	_ =	shalt  }
0x79: {  	_ =	shalt  }
0x7a: {  	_ =	shalt  }
0x7b: {  	_ =	shalt  }
0x7c: {  	_ =	shalt  }
0x7d: {  	_ =	shalt  }
0x7e: {  	_ =	shalt  }
0x7f: {  	_ =	shalt  }
0x80: {  	_ =	shalt  }
0x81: {  	_ =	shalt  }
0x82: {  	_ =	shalt  }
0x83: {  	_ =	shalt  }
0x84: {  	_ =	shalt  }
0x85: {  	_ =	shalt  }
0x86: {  	_ =	shalt  }
0x87: {  	_ =	shalt  }
.Lfunc_end0:
.L_simem_size_0:
called_computation.2_lowered:
.L_overlay_start_0:
0x88: {  	s2 =	sld [smem:$0x3FD9]  }
0x89: {  	s3 =	sld [smem:$0x3FFE];
	_ =	sdelay $0x1  }
0x8a: {  	s1 =	srdreg.scid  }
0x8b: {  	s0 =	sand.u32 $0x1, s1  }
0x8c: {  	s16 =	sshll.u32 s0, $0xA;
	s2 =	sadd.s32 s3, s2  }
0x8d: {  	s2 =	sadd.s32 s2, s16  }
0x8e: {  	[smem:$0x3FB5] =	sst s2  }
0x8f: {  	_ = 	snop  }
0x90: {  	(tm) =	ssettm $0x1  }
0x91: {  	s17 =	sld [smem:$0x3FFB];
	_ =	sdelay $0x3  }
0x92: {  	_ =	strace s17  }
0x93: {  	s2 =	sld [smem:$0x3FFC];
	_ =	sdelay $0x3  }
0x94: {  	_ =	strace s2  }
0x95: {  	s2 =	sld [smem:$0x3FFD];
	_ =	sdelay $0x3  }
0x96: {  	_ =	strace s2  }
0x97: {  	_ =	strace $0x8FFFFFFF  }
0x98: {  	s18 =	sld [smem:$0x3FDB];
	_ =	sdelay $0x1  }
0x99: {  	s19 =	simm.s32 $_scs_section_size  }
0x9a: {  	s4 =	simm.s32 $_size__tile_overlayer_lowered;
	s5 =	simm.s32 $_tile_overlayer_lowered  }
0x9b: {  	s22 =	simm.s32 $0x1BFF;
	s21 =	sshll.u32 s5, $0x1;
	s2 =	sadd.s32 s19, s18  }
0x9c: {  	s6 =	simm.s32 $0x0;
	s20 =	sshll.u32 s4, $0x1;
	s4 =	sadd.s32 s21, s2  }
0x9d: {  	[timem:s6], [sflag:s22] =	dma.local [hbm:s4], s20  }
0x9e: {  	_ =	swait.ge [sflag:s22], s20  }
0x9f: {  	s3 =	ssub.s32 $0x0, s20;
	[sflag:s22] =	ssyncset.done $0x0  }
0xa0: {  	[sflag:s22] =	ssyncadd.s32 s3;
	_ =	sdelay $0x1  }
0xa1: {  	s23 =	simm.s32 $0x1B8B  }
0xa2: {  	_ =	swait.ge [sflag:s23], $0x1  }
0xa3: {  	[sflag:s23] =	ssyncset.done $0x0  }
0xa4: {  	s25 =	simm.s32 $0x1B8E;
	s24 =	sld [smem:$0x3FFE];
	[sflag:s23] =	ssyncadd.s32 $0xFFFFFFFF  }
0xa5: {  	s26 =	simm.s32 $execute0_lowered;
	[smem:$0x3FD2] =	sst s25  }
0xa6: {  	s4 =	sshll.u32 s26, $0x1;
	_ =	strace $0x8000004C;
	[dreg:$0x1] =	wrdreg $0xFFFFFFFF  }
0xa7: {  	s28 =	simm.s32 $_size_execute0_lowered;
	s2 =	sadd.s32 s2, s4;
	[dreg:$0x0] =	wrdreg $0x0  }
0xa8: {  	s4 =	sshll.u32 s28, $0x1;
	[dreg:$0x2] =	wrdreg s2  }
0xa9: {  	[dreg:$0x3] =	wrdreg s4  }
0xaa: {  	[dreg:$0x4] =	wrdreg $0xC0  }
0xab: {  	_ =	task [dreg:s6], $0x5FFFF  }
0xac: {  	[dreg:$0x1] =	wrdreg $0xFFFFFFFF  }
0xad: {  	[dreg:$0x0] =	wrdreg $0x60  }
0xae: {  	[dreg:$0x2] =	wrdreg s24  }
0xaf: {  	[dreg:$0x3] =	wrdreg $0x13A600  }
0xb0: {  	[dreg:$0x4] =	wrdreg $0x9  }
0xb1: {  	_ =	task.clear_ibuf [dreg:s6], $0x5FFFF;
	_ =	strace $0x9000004C  }
0xb2: {  	s29 =	simm.s32 $0x9;
	_ =	strace $0x8000004E  }
0xb3: {  	_ =	swait.ge [sflag:s29], $0x1  }
0xb4: {  	[sflag:s29] =	ssyncadd.s32 $0xFFFFFFFF  }
0xb5: {  	_ =	strace $0x9000004E  }
0xb6: {  	_ =	sfence  }
0xb7: {  	s30 =	sld [smem:$0x0];
	_ =	sdelay $0x2  }
0xb8: {  	s31 =	sshll.u32 s1, $0xD;
	s1 =	sshrl.u32 s1, $0x2  }
0xb9: {  	s3 =	sand.u32 $0x4000, s31;
	s1 =	sadd.s32 s1, s30  }
0xba: {  	s0 =	sor.u32 s3, s0;
	s1 =	sshll.u32 s1, $0x11  }
0xbb: {  	s0 =	sor.u32 s1, s0  }
0xbc: {  	s0 =	sadd.s32 $0x8F2B, s0  }
0xbd: {  	[sflag:s0] =	ssyncadd.remote.s32 $0x1  }
0xbe: {  	_ =	sfence.sel $0xFFFF  }
0xbf: {  	[dreg:$0x0] =	wrdreg $0xFFFFFFFF;
	(pc) =	sbr.abs _section_cstart, $3  }
0xc0: {  	[dreg:$0x1] =	wrdreg $0xFFFFFFFF  }
0xc1: {  	_ =	task.clear_ibuf [dreg:s6], $0x2FFFF;
	_ =	strace $0x9FFFFFFF  }
0xc2: {  	(tm) =	ssettm $0x7FFFFFFF  }
0xc3: {  	_ =	shalt  }
tec
execute0_lowered:
.L_overlay_start_1:
0x0: {  	(tag) =	ssettag $0x1  }
0x1: {  	s0 =	rddreg [dreg:$0x0]  }
0x2: {  	s1 =	rddreg [dreg:$0x1];
	s2 =	srdreg.scid;
	s6 =	simm.s32 $0x0  }
0x3: {  	s3 =	stileid.u32;
	s10 =	simm.s32 $0x9E20;
	s11 =	simm.s32 $0x5  }
0x4: {  	s12 =	simm.s32 $0x2710;
	s13 =	simm.s32 $0x50;
	s14 =	simm.s32 $0x4E20  }
0x5: {  	s15 =	simm.s32 $0x6220;
	s16 =	simm.s32 $0xA0;
	s17 =	simm.s32 $0x7620  }
0x6: {  	s18 =	simm.s32 $0xF0;
	s19 =	simm.s32 $0x8A20;
	s20 =	simm.s32 $0x1  }
0x7: {  	s21 =	simm.s32 $0x2;
	s22 =	simm.s32 $0x3;
	s23 =	simm.s32 $0x4  }
0x8: {  	s28 =	simm.s32 $0x4D30;
	s29 =	simm.s32 $0x4D80;
	s30 =	simm.s32 $0x4DD0  }
0x9: {  	s31 =	simm.s32 $0x0;
	s2 =	sand.u32 $0x1, s2;
	s24 =	smul.u32 $0x9C40, s3  }
0xa: {  	[smem:$0x7FF] =	sst s6;
	s25 =	smul.u32 $0x27100, s3;
	s4 =	sshll.u32 s2, $0x4  }
0xb: {  	s5 =	smul.u32 $0x9C400, s2;
	_ =	strace $0x8000004D;
	s2 =	ssub.s32 $0x2, s2  }
0xc: {  	s4 =	sor.u32 s3, s4;
	s26 =	sshrl.u32 s2, $0x1;
	s6 =	sshrl.u32 s25, $0x2  }
0xd: {  	s25 =	simm.s32 $0x26C0;
	s7 =	smul.u32 $0x4E2, s4;
	s4 =	sadd.s32 $0x3E800, s0  }
0xe: {  	s5 =	sadd.s32 s24, s5;
	s2 =	ssub.s32 s2, s26;
	s24 =	simm.s32 $0x4C90  }
0xf: {  	s26 =	simm.s32 $0x4CE0;
	s5 =	sshrl.u32 s5, $0x3;
	s9 =	smax.u32 s2, $0x1  }
0x10: {  	s7 =	sadd.s32 s7, s0;
	s0 =	sadd.s32 s5, s0;
	s5 =	sadd.s32 s6, s1  }
0x11: {  	v0 =	vimm.f32 $0.0e+00;
	s6 =	sadd.s32 $0x3A00, s7;
	s7 =	sadd.s32 $0xD800, s7;
	s8 =	sadd.s32 $0x52200, s0  }
.LBB2_1:
0x12: {  	s2 =	simm.s32 $0x100;
	s0 =	simm.s32 $0x0  }
.LBB2_2:
0x13: {  	p0 =	sne.s32 s2, $0x27000;
	[tilespmem:s0+$0x9E50] =	vst v0;
	s3 =	smov.u32 s2;
	s2 =	sadd.s32 $0x100, s2  }
.Ltmp0:
0x14: {  	[tilespmem:s0+$0x9E40] =	vst v0;
	(pc) =	sbr.rel @p0 .LBB2_2-.Ltmp0, $3  }
0x15: {  	[tilespmem:s0+$0x9E20] =	vst v0  }
0x16: {  	[tilespmem:s0+$0x9E30] =	vst v0;
	_ =	sdelay $0x1  }
0x17: {  	s0 =	sshra.s32 s3, $0x2  }
0x18: {  	[tilespmem:s0+$0x9E50] =	vst v0  }
0x19: {  	[tilespmem:s0+$0x9E40] =	vst v0  }
0x1a: {  	[tilespmem:s0+$0x9E20] =	vst v0  }
0x1b: {  	[tilespmem:s0+$0x9E30] =	vst v0  }
0x1c: {  	[spmem:s5] =	stream.linear.scatter [tilespmem:s10], [sflag:$0x5], $0x9C40, $0x38;
	[tilespmem:$0x1D6A0] =	vst v63  }
0x1d: {  	_ =	swait.ge [sflag:s11], $0x9C40  }
0x1e: {  	[sflag:s11] =	ssyncset.done $0x0  }
0x1f: {  	[sflag:s11] =	ssyncadd.s32 $0xFFFF63C0  }
0x20: {  	s2 =	simm.s32 $0x0;
	[bflag:$0x0] =	sbarrier.arrive $0xFFFF  }
0x21: {  	[tilespmem:s2], [sflag:$0x5] =	stream.linear.gather [hbm4b:s6+s2], $0x2710, $0x38;
	[tilespmem:$0x1D6A0] =	vst v63  }
0x22: {  	_ =	swait.ge [sflag:s11], $0x2710  }
0x23: {  	[sflag:s11] =	ssyncset.done $0x0  }
0x24: {  	[sflag:s11] =	ssyncadd.s32 $0xFFFFD8F0  }
0x25: {  	[tilespmem:s12], [sflag:$0x5] =	stream.linear.gather [hbm4b:s7+s2], $0x2710, $0x38;
	[tilespmem:$0x1D6A0] =	vst v63  }
0x26: {  	_ =	swait.ge [sflag:s11], $0x2710  }
0x27: {  	[sflag:s11] =	ssyncset.done $0x0  }
0x28: {  	[sflag:s11] =	ssyncadd.s32 $0xFFFFD8F0  }
0x29: {  	[tilespmem:s14], [sflag:$0x1] =	stream.indirect.gather [hbm4b:s4+s13], $0x40, s2, s13, $0xb8;
	[tilespmem:$0x1D6A0] =	vst v63  }
0x2a: {  	_ = 	snop  }
0x2b: {  	[tilespmem:s15], [sflag:$0x2] =	stream.indirect.gather [hbm4b:s4+s13], $0x40, s13, s13, $0xb8;
	[tilespmem:$0x1D6A0] =	vst v63  }
0x2c: {  	_ = 	snop  }
0x2d: {  	[tilespmem:s17], [sflag:$0x3] =	stream.indirect.gather [hbm4b:s4+s13], $0x40, s16, s13, $0xb8;
	[tilespmem:$0x1D6A0] =	vst v63  }
0x2e: {  	_ = 	snop  }
0x2f: {  	[tilespmem:s19], [sflag:$0x4] =	stream.indirect.gather [hbm4b:s4+s13], $0x40, s18, s13, $0xb8;
	[tilespmem:$0x1D6A0] =	vst v63  }
0x30: {  	_ =	swait.ge [sflag:s20], $0x1400  }
0x31: {  	[sflag:s20] =	ssyncset.done $0x0  }
0x32: {  	s3 =	simm.s32 $0x2710;
	[sflag:s20] =	ssyncadd.s32 $0xFFFFEC00  }
0x33: {  	[spmem:s1] =	stream.indirect.scatter.add.f32 [tilespmem:s14], [sflag:$0x5], $0x40, s3, s13, $0xb8;
	[tilespmem:$0x1D6A0] =	vst v63  }
0x34: {  	_ =	swait.ge [sflag:s11], $0x1400  }
0x35: {  	[sflag:s11] =	ssyncset.done $0x0  }
0x36: {  	s2 =	simm.s32 $0x140;
	[sflag:s11] =	ssyncadd.s32 $0xFFFFEC00  }
0x37: {  	[tilespmem:s14], [sflag:$0x1] =	stream.indirect.gather [hbm4b:s4+s13], $0x40, s2, s13, $0xb8;
	[tilespmem:$0x1D6A0] =	vst v63  }
0x38: {  	_ =	swait.ge [sflag:s21], $0x1400  }
0x39: {  	[sflag:s21] =	ssyncset.done $0x0  }
0x3a: {  	s3 =	simm.s32 $0x2760;
	[sflag:s21] =	ssyncadd.s32 $0xFFFFEC00  }
0x3b: {  	[spmem:s1] =	stream.indirect.scatter.add.f32 [tilespmem:s15], [sflag:$0x5], $0x40, s3, s13, $0xb8;
	[tilespmem:$0x1D6A0] =	vst v63  }
0x3c: {  	_ =	swait.ge [sflag:s11], $0x1400  }
0x3d: {  	[sflag:s11] =	ssyncset.done $0x0  }
0x3e: {  	s2 =	simm.s32 $0x190;
	[sflag:s11] =	ssyncadd.s32 $0xFFFFEC00  }
0x3f: {  	[tilespmem:s15], [sflag:$0x2] =	stream.indirect.gather [hbm4b:s4+s13], $0x40, s2, s13, $0xb8;
	[tilespmem:$0x1D6A0] =	vst v63  }
0x40: {  	_ =	swait.ge [sflag:s22], $0x1400  }
0x41: {  	[sflag:s22] =	ssyncset.done $0x0  }
0x42: {  	s3 =	simm.s32 $0x27B0;
	[sflag:s22] =	ssyncadd.s32 $0xFFFFEC00  }
0x43: {  	[spmem:s1] =	stream.indirect.scatter.add.f32 [tilespmem:s17], [sflag:$0x5], $0x40, s3, s13, $0xb8;
	[tilespmem:$0x1D6A0] =	vst v63  }
0x44: {  	_ =	swait.ge [sflag:s11], $0x1400  }
0x45: {  	[sflag:s11] =	ssyncset.done $0x0  }
0x46: {  	s2 =	simm.s32 $0x1E0;
	[sflag:s11] =	ssyncadd.s32 $0xFFFFEC00  }
0x47: {  	[tilespmem:s17], [sflag:$0x3] =	stream.indirect.gather [hbm4b:s4+s13], $0x40, s2, s13, $0xb8;
	[tilespmem:$0x1D6A0] =	vst v63  }
0x48: {  	_ =	swait.ge [sflag:s23], $0x1400  }
0x49: {  	[sflag:s23] =	ssyncset.done $0x0  }
0x4a: {  	s3 =	simm.s32 $0x2800;
	[sflag:s23] =	ssyncadd.s32 $0xFFFFEC00  }
0x4b: {  	[spmem:s1] =	stream.indirect.scatter.add.f32 [tilespmem:s19], [sflag:$0x5], $0x40, s3, s13, $0xb8;
	[tilespmem:$0x1D6A0] =	vst v63  }
0x4c: {  	_ =	swait.ge [sflag:s11], $0x1400  }
0x4d: {  	[sflag:s11] =	ssyncset.done $0x0  }
0x4e: {  	s0 =	simm.s32 $0x500;
	s2 =	simm.s32 $0x230;
	[sflag:s11] =	ssyncadd.s32 $0xFFFFEC00  }
.LBB2_4:
0x4f: {  	[tilespmem:s19], [sflag:$0x4] =	stream.indirect.gather [hbm4b:s4+s13], $0x40, s2, s13, $0xb8;
	[tilespmem:$0x1D6A0] =	vst v63  }
0x50: {  	s2 =	smov.u32 s0  }
0x51: {  	p0 =	sne.s32 s0, $0x9100;
	s0 =	sadd.s32 $0x500, s0;
	_ =	swait.ge [sflag:s20], $0x1400  }
0x52: {  	s2 =	sshra.s32 s2, $0x2;
	[sflag:s20] =	ssyncset.done $0x0  }
0x53: {  	s3 =	sadd.s32 $0x2710, s2;
	[sflag:s20] =	ssyncadd.s32 $0xFFFFEC00  }
0x54: {  	[spmem:s1] =	stream.indirect.scatter.add.f32 [tilespmem:s14], [sflag:$0x5], $0x40, s3, s13, $0xb8;
	[tilespmem:$0x1D6A0] =	vst v63  }
0x55: {  	_ =	swait.ge [sflag:s11], $0x1400  }
0x56: {  	[sflag:s11] =	ssyncset.done $0x0  }
0x57: {  	s3 =	sadd.s32 $0x140, s2;
	[sflag:s11] =	ssyncadd.s32 $0xFFFFEC00  }
0x58: {  	[tilespmem:s14], [sflag:$0x1] =	stream.indirect.gather [hbm4b:s4+s13], $0x40, s3, s13, $0xb8;
	[tilespmem:$0x1D6A0] =	vst v63  }
0x59: {  	_ =	swait.ge [sflag:s21], $0x1400  }
0x5a: {  	[sflag:s21] =	ssyncset.done $0x0  }
0x5b: {  	s3 =	sadd.s32 $0x2760, s2;
	[sflag:s21] =	ssyncadd.s32 $0xFFFFEC00  }
0x5c: {  	[spmem:s1] =	stream.indirect.scatter.add.f32 [tilespmem:s15], [sflag:$0x5], $0x40, s3, s13, $0xb8;
	[tilespmem:$0x1D6A0] =	vst v63  }
0x5d: {  	_ =	swait.ge [sflag:s11], $0x1400  }
0x5e: {  	[sflag:s11] =	ssyncset.done $0x0  }
0x5f: {  	s3 =	sadd.s32 $0x190, s2;
	[sflag:s11] =	ssyncadd.s32 $0xFFFFEC00  }
0x60: {  	[tilespmem:s15], [sflag:$0x2] =	stream.indirect.gather [hbm4b:s4+s13], $0x40, s3, s13, $0xb8;
	[tilespmem:$0x1D6A0] =	vst v63  }
0x61: {  	_ =	swait.ge [sflag:s22], $0x1400  }
0x62: {  	[sflag:s22] =	ssyncset.done $0x0  }
0x63: {  	s3 =	sadd.s32 $0x27B0, s2;
	[sflag:s22] =	ssyncadd.s32 $0xFFFFEC00  }
0x64: {  	[spmem:s1] =	stream.indirect.scatter.add.f32 [tilespmem:s17], [sflag:$0x5], $0x40, s3, s13, $0xb8;
	[tilespmem:$0x1D6A0] =	vst v63  }
0x65: {  	_ =	swait.ge [sflag:s11], $0x1400  }
0x66: {  	[sflag:s11] =	ssyncset.done $0x0  }
0x67: {  	s3 =	sadd.s32 $0x1E0, s2;
	[sflag:s11] =	ssyncadd.s32 $0xFFFFEC00  }
0x68: {  	[tilespmem:s17], [sflag:$0x3] =	stream.indirect.gather [hbm4b:s4+s13], $0x40, s3, s13, $0xb8;
	[tilespmem:$0x1D6A0] =	vst v63  }
0x69: {  	_ =	swait.ge [sflag:s23], $0x1400  }
0x6a: {  	[sflag:s23] =	ssyncset.done $0x0  }
.Ltmp1:
0x6b: {  	s3 =	sadd.s32 $0x2800, s2;
	[sflag:s23] =	ssyncadd.s32 $0xFFFFEC00;
	(pc) =	sbr.rel @p0 .LBB2_4-.Ltmp1, $4  }
0x6c: {  	[spmem:s1] =	stream.indirect.scatter.add.f32 [tilespmem:s19], [sflag:$0x5], $0x40, s3, s13, $0xb8;
	[tilespmem:$0x1D6A0] =	vst v63  }
0x6d: {  	_ =	swait.ge [sflag:s11], $0x1400  }
0x6e: {  	[sflag:s11] =	ssyncset.done $0x0  }
0x6f: {  	s2 =	sadd.s32 $0x230, s2;
	[sflag:s11] =	ssyncadd.s32 $0xFFFFEC00  }
0x70: {  	[tilespmem:s19], [sflag:$0x4] =	stream.indirect.gather [hbm4b:s4+s13], $0x40, s2, s13, $0xb8;
	[tilespmem:$0x1D6A0] =	vst v63  }
0x71: {  	_ =	swait.ge [sflag:s20], $0x1400  }
0x72: {  	[sflag:s20] =	ssyncset.done $0x0  }
0x73: {  	[sflag:s20] =	ssyncadd.s32 $0xFFFFEC00  }
0x74: {  	[spmem:s1] =	stream.indirect.scatter.add.f32 [tilespmem:s14], [sflag:$0x5], $0x40, s24, s13, $0xb8;
	[tilespmem:$0x1D6A0] =	vst v63  }
0x75: {  	_ =	swait.ge [sflag:s11], $0x1400  }
0x76: {  	[sflag:s11] =	ssyncset.done $0x0  }
0x77: {  	[sflag:s11] =	ssyncadd.s32 $0xFFFFEC00  }
0x78: {  	[tilespmem:s14], [sflag:$0x1] =	stream.indirect.gather [hbm4b:s4+s13], $0x40, s25, s13, $0xb8;
	[tilespmem:$0x1D6A0] =	vst v63  }
0x79: {  	_ =	swait.ge [sflag:s21], $0x1400  }
0x7a: {  	[sflag:s21] =	ssyncset.done $0x0  }
0x7b: {  	[sflag:s21] =	ssyncadd.s32 $0xFFFFEC00  }
0x7c: {  	[spmem:s1] =	stream.indirect.scatter.add.f32 [tilespmem:s15], [sflag:$0x5], $0x40, s26, s13, $0xb8;
	[tilespmem:$0x1D6A0] =	vst v63  }
0x7d: {  	_ =	swait.ge [sflag:s11], $0x1400  }
0x7e: {  	[sflag:s11] =	ssyncset.done $0x0  }
0x7f: {  	[sflag:s11] =	ssyncadd.s32 $0xFFFFEC00  }
0x80: {  	_ =	swait.ge [sflag:s22], $0x1400  }
0x81: {  	[sflag:s22] =	ssyncset.done $0x0  }
0x82: {  	[sflag:s22] =	ssyncadd.s32 $0xFFFFEC00  }
0x83: {  	[spmem:s1] =	stream.indirect.scatter.add.f32 [tilespmem:s17], [sflag:$0x5], $0x40, s28, s13, $0xb8;
	[tilespmem:$0x1D6A0] =	vst v63  }
0x84: {  	_ =	swait.ge [sflag:s11], $0x1400  }
0x85: {  	[sflag:s11] =	ssyncset.done $0x0  }
0x86: {  	[sflag:s11] =	ssyncadd.s32 $0xFFFFEC00  }
0x87: {  	_ =	swait.ge [sflag:s23], $0x1400  }
0x88: {  	[sflag:s23] =	ssyncset.done $0x0  }
0x89: {  	[sflag:s23] =	ssyncadd.s32 $0xFFFFEC00  }
0x8a: {  	[spmem:s1] =	stream.indirect.scatter.add.f32 [tilespmem:s19], [sflag:$0x5], $0x40, s29, s13, $0xb8;
	[tilespmem:$0x1D6A0] =	vst v63  }
0x8b: {  	_ =	swait.ge [sflag:s11], $0x1400  }
0x8c: {  	[sflag:s11] =	ssyncset.done $0x0  }
0x8d: {  	[sflag:s11] =	ssyncadd.s32 $0xFFFFEC00  }
0x8e: {  	_ =	swait.ge [sflag:s20], $0x1400  }
0x8f: {  	[sflag:s20] =	ssyncset.done $0x0  }
0x90: {  	[sflag:s20] =	ssyncadd.s32 $0xFFFFEC00  }
0x91: {  	[spmem:s1] =	stream.indirect.scatter.add.f32 [tilespmem:s14], [sflag:$0x5], $0x40, s30, s13, $0xb8;
	[tilespmem:$0x1D6A0] =	vst v63  }
0x92: {  	_ =	swait.ge [sflag:s11], $0x1400  }
0x93: {  	[sflag:s11] =	ssyncset.done $0x0  }
0x94: {  	[sflag:s11] =	ssyncadd.s32 $0xFFFFEC00  }
0x95: {  	[bflag:$0x0] =	sbarrier.arrive $0xFFFF  }
0x96: {  	[tilespmem:s10], [sflag:$0x5] =	stream.linear.gather [spmem:s5], $0x9C40, $0x38;
	[tilespmem:$0x1D6A0] =	vst v63  }
0x97: {  	s31 =	sadd.s32 $0x1, s31;
	_ =	swait.ge [sflag:s11], $0x9C40  }
0x98: {  	p0 =	sne.s32 s31, s9;
	[sflag:s11] =	ssyncset.done $0x0  }
.Ltmp2:
0x99: {  	s0 =	simm.s32 $0x0;
	[sflag:s11] =	ssyncadd.s32 $0xFFFF63C0;
	(pc) =	sbr.rel @p0 .LBB2_1-.Ltmp2, $4  }
0x9a: {  	[hbm4b:s8+s0] =	stream.linear.scatter [tilespmem:s10], [sflag:$0x5], $0x9C40, $0x38;
	[tilespmem:$0x1D6A0] =	vst v63  }
0x9b: {  	_ =	swait.ge [sflag:s11], $0x9C40  }
0x9c: {  	[sflag:s11] =	ssyncset.done $0x0  }
0x9d: {  	[sflag:s11] =	ssyncadd.s32 $0xFFFF63C0  }
0x9e: {  	_ =	sfence.sel $0x180000  }
0x9f: {  	[bflag:$0x0] =	sbarrier.arrive $0xFFFF  }
0xa0: {  	_ =	strace $0x9000004D  }
0xa1: {  	s0 =	stileid.u32;
	[bflag:$0x2] =	sbarrier.arrive $0xFFFF  }
0xa2: {  	p0 =	sne.s32 s0, $0x0;
	s0 =	rddreg [dreg:$0x2]  }
0xa3: {  	s0 =	sadd.s32 @!p0 $0x100000, s0  }
0xa4: {  	[sflag:s0] =	ssyncadd.tile.s32 @!p0 $0x1;
	_ =	shalt  }
.Lfunc_end2:
_tile_overlayer_lowered:
.L_overlay_start_2:
0xa5: {  	(tag) =	ssettag $0x2  }
0xa6: {  	s0 =	rddreg [dreg:$0x0];
	s2 =	stileid.u32  }
0xa7: {  	s1 =	rddreg [dreg:$0x1];
	p0 =	sne.s32 s2, $0x0  }
0xa8: {  	s3 =	rddreg [dreg:$0x2];
	[bflag:$0x3] =	sbarrier.arrive $0xFFFF;
	s2 =	simm.s32 @!p0 $0x1C05  }
0xa9: {  	[timem:s3], [sflag:s2] =	dma.local @!p0 [hbm:s0], s1  }
0xaa: {  	s0 =	simm.s32 @!p0 $0x5  }
0xab: {  	_ =	swait.ge @!p0 [sflag:s0], s1  }
0xac: {  	s1 =	ssub.s32 @!p0 $0x0, s1;
	[sflag:s0] =	ssyncset.done @!p0 $0x0  }
0xad: {  	[sflag:s0] =	ssyncadd.s32 @!p0 s1  }
0xae: {  	[bflag:$0x3] =	sbarrier.arrive $0xFFFF  }
0xaf: {  	_ =	shalt  }

// kernel: kernel.19.cloned.1.call-start
scs
__scs_entry_jumppad:
0x0: {  	(pc) =	sbr.rel $0x88, $3  }
0x1: {  	(tag) =	ssettag $0x0;
	lr =	simm.s32 $0x1  }
0x2: {  	[smem:$0x3F8E] =	sst lr;
	_ =	strace $0xD0000000  }
0x3: {  	_ = 	snop  }
0x4: {  	_ = 	snop  }
0x5: {  	_ = 	snop  }
0x6: {  	_ = 	snop  }
0x7: {  	_ = 	snop  }
__scs_overlays_trampoline_lowered:
0x8: {  	[smem:$0x3F9D] =	sst s0  }
0x9: {  	[smem:$0x3F9E] =	sst s1  }
0xa: {  	[smem:$0x3F9F] =	sst s2  }
0xb: {  	[smem:$0x3FA0] =	sst s3  }
0xc: {  	[smem:$0x3FA1] =	sst s4  }
0xd: {  	[smem:$0x3FA2] =	sst s5  }
0xe: {  	[smem:$0x3FA3] =	sst s6  }
0xf: {  	[smem:$0x3FA4] =	sst s7  }
0x10: {  	[smem:$0x3FA5] =	sst s8  }
0x11: {  	[smem:$0x3FA6] =	sst s9;
	s0 =	simm.s32 @!p0 $0x0  }
0x12: {  	s1 =	sld [smem:$0x3F8C];
	s0 =	simm.s32 @p0 $0x1  }
0x13: {  	[smem:$0x3FA7] =	sst s0;
	s0 =	simm.s32 @!p1 $0x0  }
0x14: {  	s2 =	sld [smem:$0x3F8B];
	s0 =	simm.s32 @p1 $0x1  }
0x15: {  	[smem:$0x3FA8] =	sst s0;
	s0 =	simm.s32 @!p2 $0x0  }
0x16: {  	s3 =	sld [smem:$0x3FDB];
	s0 =	simm.s32 @p2 $0x1  }
0x17: {  	s4 =	simm.s32 $0x1BF5;
	[smem:$0x3FAA] =	sst s0  }
0x18: {  	s0 =	sld [smem:$0x3F8D];
	_ =	swait.ge [sflag:s4], $0x0  }
0x19: {  	s7 =	sld [smem:$0x3F8E]  }
0x1a: {  	s8 =	sadd.s32 $0xFFFFE003, lr  }
0x1b: {  	s9 =	sadd.s32 $0xFFFFFEF7, lr;
	s5 =	simm.s32 $0xFFFFFFFF;
	p2 =	slt.u32 s8, $0xFFFFF086  }
0x1c: {  	p1 =	slt.u32 s9, $0xF7A;
	s5 =	simm.s32 @!p2 $0x0  }
0x1d: {  	s5 =	simm.s32 @p1 $0x1;
	p0 =	seq.s32 s7, s2  }
0x1e: {  	s7 =	smul.u32 @!p0 $0xF7A, s2;
	p2 =	seq.s32 @!p0 s5, $0x0  }
0x1f: {  	s9 =	smul.u32 $0xF7A, s1;
	s8 =	simm.s32 @!p0 $0x1BF5;
	p2 =	por !p2, p0  }
0x20: {  	[sflag:s8] =	ssyncset.s32 @!p0 $0xFFFFF086;
	s6 =	sadd.s32 @!p0 s3, s7;
	s7 =	simm.s32 @!p0 $0x108  }
0x21: {  	s3 =	sadd.s32 s3, s9;
	s6 =	sadd.s32 @!p0 $0x88, s6;
	s7 =	simm.s32 @p2 $0x1082  }
0x22: {  	[simem:s7], [sflag:s8] =	dma.local @!p0 [hbm:s6], $0xF7A  }
0x23: {  	s9 =	sor.u32 $0xD0000000, s2;
	s6 =	simm.s32 $0x108;
	_ =	swait.ge @!p0 [sflag:s8], $0x0  }
0x24: {  	s3 =	sadd.s32 $0x88, s3;
	s6 =	simm.s32 @!p1 $0x1082;
	[sflag:s4] =	ssyncset.s32 $0xFFFFF086  }
0x25: {  	[simem:s6], [sflag:s4] =	dma.local [hbm:s3], $0xF7A  }
0x26: {  	[smem:$0x3F8E] =	sst s1;
	(tag) =	ssettag s2;
	_ =	strace s9  }
0x27: {  	s1 =	sld [smem:$0x3F9E]  }
0x28: {  	s2 =	sld [smem:$0x3F9F]  }
0x29: {  	s4 =	sld [smem:$0x3FA1]  }
0x2a: {  	p0 =	seq.s32 s5, $0x0;
	s5 =	sld [smem:$0x3FA2]  }
0x2b: {  	s6 =	sld [smem:$0x3FA3]  }
0x2c: {  	s7 =	sld [smem:$0x3FA4]  }
0x2d: {  	s3 =	simm.s32 $0x108;
	s8 =	sld [smem:$0x3FA5]  }
0x2e: {  	s3 =	simm.s32 @!p0 $0x1082;
	s9 =	sld [smem:$0x3FA6]  }
0x2f: {  	lr =	sadd.s32 s0, s3;
	s0 =	sld [smem:$0x3F9D]  }
0x30: {  	s3 =	sld [smem:$0x3FA0]  }
0x31: {  	[smem:$0x3FA9] =	sst s10  }
0x32: {  	s10 =	sld [smem:$0x3FA7];
	_ =	sdelay $0x3  }
0x33: {  	p0 =	seq.s32 s10, $0x1;
	s10 =	sld [smem:$0x3FA9];
	_ =	sdelay $0x3  }
0x34: {  	[smem:$0x3FA9] =	sst s10  }
0x35: {  	s10 =	sld [smem:$0x3FA8];
	_ =	sdelay $0x3  }
0x36: {  	p1 =	seq.s32 s10, $0x1;
	s10 =	sld [smem:$0x3FA9];
	_ =	sdelay $0x3  }
0x37: {  	[smem:$0x3FA9] =	sst s10  }
0x38: {  	s10 =	sld [smem:$0x3FAA]  }
0x39: {  	_ = 	snop;
	(pc) =	sbr.ind lr, $3  }
0x3a: {  	_ = 	snop  }
0x3b: {  	_ = 	snop  }
0x3c: {  	p2 =	seq.s32 s10, $0x1;
	s10 =	sld [smem:$0x3FA9]  }
0x3d: {  	_ =	shalt  }
0x3e: {  	_ =	shalt  }
0x3f: {  	_ =	shalt  }
0x40: {  	_ =	shalt  }
0x41: {  	_ =	shalt  }
0x42: {  	_ =	shalt  }
0x43: {  	_ =	shalt  }
0x44: {  	_ =	shalt  }
0x45: {  	_ =	shalt  }
0x46: {  	_ =	shalt  }
0x47: {  	_ =	shalt  }
0x48: {  	_ =	shalt  }
0x49: {  	_ =	shalt  }
0x4a: {  	_ =	shalt  }
0x4b: {  	_ =	shalt  }
0x4c: {  	_ =	shalt  }
0x4d: {  	_ =	shalt  }
0x4e: {  	_ =	shalt  }
0x4f: {  	_ =	shalt  }
0x50: {  	_ =	shalt  }
0x51: {  	_ =	shalt  }
0x52: {  	_ =	shalt  }
0x53: {  	_ =	shalt  }
0x54: {  	_ =	shalt  }
0x55: {  	_ =	shalt  }
0x56: {  	_ =	shalt  }
0x57: {  	_ =	shalt  }
0x58: {  	_ =	shalt  }
0x59: {  	_ =	shalt  }
0x5a: {  	_ =	shalt  }
0x5b: {  	_ =	shalt  }
0x5c: {  	_ =	shalt  }
0x5d: {  	_ =	shalt  }
0x5e: {  	_ =	shalt  }
0x5f: {  	_ =	shalt  }
0x60: {  	_ =	shalt  }
0x61: {  	_ =	shalt  }
0x62: {  	_ =	shalt  }
0x63: {  	_ =	shalt  }
0x64: {  	_ =	shalt  }
0x65: {  	_ =	shalt  }
0x66: {  	_ =	shalt  }
0x67: {  	_ =	shalt  }
0x68: {  	_ =	shalt  }
0x69: {  	_ =	shalt  }
0x6a: {  	_ =	shalt  }
0x6b: {  	_ =	shalt  }
0x6c: {  	_ =	shalt  }
0x6d: {  	_ =	shalt  }
0x6e: {  	_ =	shalt  }
0x6f: {  	_ =	shalt  }
0x70: {  	_ =	shalt  }
0x71: {  	_ =	shalt  }
0x72: {  	_ =	shalt  }
0x73: {  	_ =	shalt  }
0x74: {  	_ =	shalt  }
0x75: {  	_ =	shalt  }
0x76: {  	_ =	shalt  }
0x77: {  	_ =	shalt  }
0x78: {  	_ =	shalt  }
0x79: {  	_ =	shalt  }
0x7a: {  	_ =	shalt  }
0x7b: {  	_ =	shalt  }
0x7c: {  	_ =	shalt  }
0x7d: {  	_ =	shalt  }
0x7e: {  	_ =	shalt  }
0x7f: {  	_ =	shalt  }
0x80: {  	_ =	shalt  }
0x81: {  	_ =	shalt  }
0x82: {  	_ =	shalt  }
0x83: {  	_ =	shalt  }
0x84: {  	_ =	shalt  }
0x85: {  	_ =	shalt  }
0x86: {  	_ =	shalt  }
0x87: {  	_ =	shalt  }
.Lfunc_end0:
.L_simem_size_0:
called_computation.3_lowered:
.L_overlay_start_0:
0x88: {  	s2 =	sld [smem:$0x3FD9]  }
0x89: {  	s3 =	sld [smem:$0x3FFE];
	_ =	sdelay $0x1  }
0x8a: {  	s1 =	srdreg.scid  }
0x8b: {  	s0 =	sand.u32 $0x1, s1  }
0x8c: {  	s16 =	sshll.u32 s0, $0xA;
	s2 =	sadd.s32 s3, s2  }
0x8d: {  	s2 =	sadd.s32 s2, s16  }
0x8e: {  	[smem:$0x3FB5] =	sst s2  }
0x8f: {  	_ = 	snop  }
0x90: {  	(tm) =	ssettm $0x1  }
0x91: {  	s17 =	sld [smem:$0x3FFB];
	_ =	sdelay $0x3  }
0x92: {  	_ =	strace s17  }
0x93: {  	s2 =	sld [smem:$0x3FFC];
	_ =	sdelay $0x3  }
0x94: {  	_ =	strace s2  }
0x95: {  	s2 =	sld [smem:$0x3FFD];
	_ =	sdelay $0x3  }
0x96: {  	_ =	strace s2  }
0x97: {  	_ =	strace $0x8FFFFFFF  }
0x98: {  	s18 =	sld [smem:$0x3FDB];
	_ =	sdelay $0x1  }
0x99: {  	s19 =	simm.s32 $_scs_section_size  }
0x9a: {  	s4 =	simm.s32 $_size__tile_overlayer_lowered;
	s5 =	simm.s32 $_tile_overlayer_lowered  }
0x9b: {  	s22 =	simm.s32 $0x1BFF;
	s21 =	sshll.u32 s5, $0x1;
	s2 =	sadd.s32 s19, s18  }
0x9c: {  	s6 =	simm.s32 $0x0;
	s20 =	sshll.u32 s4, $0x1;
	s4 =	sadd.s32 s21, s2  }
0x9d: {  	[timem:s6], [sflag:s22] =	dma.local [hbm:s4], s20  }
0x9e: {  	_ =	swait.ge [sflag:s22], s20  }
0x9f: {  	s3 =	ssub.s32 $0x0, s20;
	[sflag:s22] =	ssyncset.done $0x0  }
0xa0: {  	[sflag:s22] =	ssyncadd.s32 s3;
	_ =	sdelay $0x1  }
0xa1: {  	s23 =	simm.s32 $0x1B8B  }
0xa2: {  	_ =	swait.ge [sflag:s23], $0x1  }
0xa3: {  	[sflag:s23] =	ssyncset.done $0x0  }
0xa4: {  	s25 =	simm.s32 $0x1B8E;
	s24 =	sld [smem:$0x3FFE];
	[sflag:s23] =	ssyncadd.s32 $0xFFFFFFFF  }
0xa5: {  	s26 =	simm.s32 $execute0_lowered;
	[smem:$0x3FD2] =	sst s25  }
0xa6: {  	s4 =	sshll.u32 s26, $0x1;
	_ =	strace $0x8000004F;
	[dreg:$0x1] =	wrdreg $0xFFFFFFFF  }
0xa7: {  	s28 =	simm.s32 $_size_execute0_lowered;
	s2 =	sadd.s32 s2, s4;
	[dreg:$0x0] =	wrdreg $0x0  }
0xa8: {  	s4 =	sshll.u32 s28, $0x1;
	[dreg:$0x2] =	wrdreg s2  }
0xa9: {  	[dreg:$0x3] =	wrdreg s4  }
0xaa: {  	[dreg:$0x4] =	wrdreg $0xC0  }
0xab: {  	_ =	task [dreg:s6], $0x5FFFF  }
0xac: {  	[dreg:$0x1] =	wrdreg $0xFFFFFFFF  }
0xad: {  	[dreg:$0x0] =	wrdreg $0x60  }
0xae: {  	[dreg:$0x2] =	wrdreg s24  }
0xaf: {  	[dreg:$0x3] =	wrdreg $0x13A600  }
0xb0: {  	[dreg:$0x4] =	wrdreg $0x9  }
0xb1: {  	_ =	task.clear_ibuf [dreg:s6], $0x5FFFF;
	_ =	strace $0x9000004F  }
0xb2: {  	s29 =	simm.s32 $0x9;
	_ =	strace $0x80000051  }
0xb3: {  	_ =	swait.ge [sflag:s29], $0x1  }
0xb4: {  	[sflag:s29] =	ssyncadd.s32 $0xFFFFFFFF  }
0xb5: {  	_ =	strace $0x90000051  }
0xb6: {  	_ =	sfence  }
0xb7: {  	s30 =	sld [smem:$0x0];
	_ =	sdelay $0x2  }
0xb8: {  	s31 =	sshll.u32 s1, $0xD;
	s1 =	sshrl.u32 s1, $0x2  }
0xb9: {  	s3 =	sand.u32 $0x4000, s31;
	s1 =	sadd.s32 s1, s30  }
0xba: {  	s0 =	sor.u32 s3, s0;
	s1 =	sshll.u32 s1, $0x11  }
0xbb: {  	s0 =	sor.u32 s1, s0  }
0xbc: {  	s0 =	sadd.s32 $0x8F2B, s0  }
0xbd: {  	[sflag:s0] =	ssyncadd.remote.s32 $0x1  }
0xbe: {  	_ =	sfence.sel $0xFFFF  }
0xbf: {  	[dreg:$0x0] =	wrdreg $0xFFFFFFFF;
	(pc) =	sbr.abs _section_cstart, $3  }
0xc0: {  	[dreg:$0x1] =	wrdreg $0xFFFFFFFF  }
0xc1: {  	_ =	task.clear_ibuf [dreg:s6], $0x2FFFF;
	_ =	strace $0x9FFFFFFF  }
0xc2: {  	(tm) =	ssettm $0x7FFFFFFF  }
0xc3: {  	_ =	shalt  }
tec
execute0_lowered:
.L_overlay_start_1:
0x0: {  	(tag) =	ssettag $0x1  }
0x1: {  	s0 =	rddreg [dreg:$0x0]  }
0x2: {  	s1 =	rddreg [dreg:$0x1];
	s2 =	srdreg.scid;
	s6 =	simm.s32 $0x0  }
0x3: {  	s3 =	stileid.u32;
	s10 =	simm.s32 $0x9E20;
	s11 =	simm.s32 $0x5  }
0x4: {  	s12 =	simm.s32 $0x2710;
	s13 =	simm.s32 $0x50;
	s14 =	simm.s32 $0x4E20  }
0x5: {  	s15 =	simm.s32 $0x6220;
	s16 =	simm.s32 $0xA0;
	s17 =	simm.s32 $0x7620  }
0x6: {  	s18 =	simm.s32 $0xF0;
	s19 =	simm.s32 $0x8A20;
	s20 =	simm.s32 $0x1  }
0x7: {  	s21 =	simm.s32 $0x2;
	s22 =	simm.s32 $0x3;
	s23 =	simm.s32 $0x4  }
0x8: {  	s28 =	simm.s32 $0x4D30;
	s29 =	simm.s32 $0x4D80;
	s30 =	simm.s32 $0x4DD0  }
0x9: {  	s31 =	simm.s32 $0x0;
	s2 =	sand.u32 $0x1, s2;
	s24 =	smul.u32 $0x9C40, s3  }
0xa: {  	[smem:$0x7FF] =	sst s6;
	s25 =	smul.u32 $0x27100, s3;
	s4 =	sshll.u32 s2, $0x4  }
0xb: {  	s5 =	smul.u32 $0x9C400, s2;
	_ =	strace $0x80000050;
	s2 =	ssub.s32 $0x2, s2  }
0xc: {  	s4 =	sor.u32 s3, s4;
	s26 =	sshrl.u32 s2, $0x1;
	s6 =	sshrl.u32 s25, $0x2  }
0xd: {  	s25 =	simm.s32 $0x26C0;
	s7 =	smul.u32 $0x4E2, s4;
	s4 =	sadd.s32 $0x3E800, s0  }
0xe: {  	s5 =	sadd.s32 s24, s5;
	s2 =	ssub.s32 s2, s26;
	s24 =	simm.s32 $0x4C90  }
0xf: {  	s26 =	simm.s32 $0x4CE0;
	s5 =	sshrl.u32 s5, $0x3;
	s9 =	smax.u32 s2, $0x1  }
0x10: {  	s7 =	sadd.s32 s7, s0;
	s0 =	sadd.s32 s5, s0;
	s5 =	sadd.s32 s6, s1  }
0x11: {  	v0 =	vimm.f32 $0.0e+00;
	s6 =	sadd.s32 $0x3A00, s7;
	s7 =	sadd.s32 $0xD800, s7;
	s8 =	sadd.s32 $0x52200, s0  }
.LBB2_1:
0x12: {  	s2 =	simm.s32 $0x100;
	s0 =	simm.s32 $0x0  }
.LBB2_2:
0x13: {  	p0 =	sne.s32 s2, $0x27000;
	[tilespmem:s0+$0x9E50] =	vst v0;
	s3 =	smov.u32 s2;
	s2 =	sadd.s32 $0x100, s2  }
.Ltmp0:
0x14: {  	[tilespmem:s0+$0x9E40] =	vst v0;
	(pc) =	sbr.rel @p0 .LBB2_2-.Ltmp0, $3  }
0x15: {  	[tilespmem:s0+$0x9E20] =	vst v0  }
0x16: {  	[tilespmem:s0+$0x9E30] =	vst v0;
	_ =	sdelay $0x1  }
0x17: {  	s0 =	sshra.s32 s3, $0x2  }
0x18: {  	[tilespmem:s0+$0x9E50] =	vst v0  }
0x19: {  	[tilespmem:s0+$0x9E40] =	vst v0  }
0x1a: {  	[tilespmem:s0+$0x9E20] =	vst v0  }
0x1b: {  	[tilespmem:s0+$0x9E30] =	vst v0  }
0x1c: {  	[spmem:s5] =	stream.linear.scatter [tilespmem:s10], [sflag:$0x5], $0x9C40, $0x38;
	[tilespmem:$0x1D6A0] =	vst v63  }
0x1d: {  	_ =	swait.ge [sflag:s11], $0x9C40  }
0x1e: {  	[sflag:s11] =	ssyncset.done $0x0  }
0x1f: {  	[sflag:s11] =	ssyncadd.s32 $0xFFFF63C0  }
0x20: {  	s2 =	simm.s32 $0x0;
	[bflag:$0x0] =	sbarrier.arrive $0xFFFF  }
0x21: {  	[tilespmem:s2], [sflag:$0x5] =	stream.linear.gather [hbm4b:s6+s2], $0x2710, $0x38;
	[tilespmem:$0x1D6A0] =	vst v63  }
0x22: {  	_ =	swait.ge [sflag:s11], $0x2710  }
0x23: {  	[sflag:s11] =	ssyncset.done $0x0  }
0x24: {  	[sflag:s11] =	ssyncadd.s32 $0xFFFFD8F0  }
0x25: {  	[tilespmem:s12], [sflag:$0x5] =	stream.linear.gather [hbm4b:s7+s2], $0x2710, $0x38;
	[tilespmem:$0x1D6A0] =	vst v63  }
0x26: {  	_ =	swait.ge [sflag:s11], $0x2710  }
0x27: {  	[sflag:s11] =	ssyncset.done $0x0  }
0x28: {  	[sflag:s11] =	ssyncadd.s32 $0xFFFFD8F0  }
0x29: {  	[tilespmem:s14], [sflag:$0x1] =	stream.indirect.gather [hbm4b:s4+s13], $0x40, s2, s13, $0xb8;
	[tilespmem:$0x1D6A0] =	vst v63  }
0x2a: {  	_ = 	snop  }
0x2b: {  	[tilespmem:s15], [sflag:$0x2] =	stream.indirect.gather [hbm4b:s4+s13], $0x40, s13, s13, $0xb8;
	[tilespmem:$0x1D6A0] =	vst v63  }
0x2c: {  	_ = 	snop  }
0x2d: {  	[tilespmem:s17], [sflag:$0x3] =	stream.indirect.gather [hbm4b:s4+s13], $0x40, s16, s13, $0xb8;
	[tilespmem:$0x1D6A0] =	vst v63  }
0x2e: {  	_ = 	snop  }
0x2f: {  	[tilespmem:s19], [sflag:$0x4] =	stream.indirect.gather [hbm4b:s4+s13], $0x40, s18, s13, $0xb8;
	[tilespmem:$0x1D6A0] =	vst v63  }
0x30: {  	_ =	swait.ge [sflag:s20], $0x1400  }
0x31: {  	[sflag:s20] =	ssyncset.done $0x0  }
0x32: {  	s3 =	simm.s32 $0x2710;
	[sflag:s20] =	ssyncadd.s32 $0xFFFFEC00  }
0x33: {  	[spmem:s1] =	stream.indirect.scatter.add.f32 [tilespmem:s14], [sflag:$0x5], $0x40, s3, s13, $0xb8;
	[tilespmem:$0x1D6A0] =	vst v63  }
0x34: {  	_ =	swait.ge [sflag:s11], $0x1400  }
0x35: {  	[sflag:s11] =	ssyncset.done $0x0  }
0x36: {  	s2 =	simm.s32 $0x140;
	[sflag:s11] =	ssyncadd.s32 $0xFFFFEC00  }
0x37: {  	[tilespmem:s14], [sflag:$0x1] =	stream.indirect.gather [hbm4b:s4+s13], $0x40, s2, s13, $0xb8;
	[tilespmem:$0x1D6A0] =	vst v63  }
0x38: {  	_ =	swait.ge [sflag:s21], $0x1400  }
0x39: {  	[sflag:s21] =	ssyncset.done $0x0  }
0x3a: {  	s3 =	simm.s32 $0x2760;
	[sflag:s21] =	ssyncadd.s32 $0xFFFFEC00  }
0x3b: {  	[spmem:s1] =	stream.indirect.scatter.add.f32 [tilespmem:s15], [sflag:$0x5], $0x40, s3, s13, $0xb8;
	[tilespmem:$0x1D6A0] =	vst v63  }
0x3c: {  	_ =	swait.ge [sflag:s11], $0x1400  }
0x3d: {  	[sflag:s11] =	ssyncset.done $0x0  }
0x3e: {  	s2 =	simm.s32 $0x190;
	[sflag:s11] =	ssyncadd.s32 $0xFFFFEC00  }
0x3f: {  	[tilespmem:s15], [sflag:$0x2] =	stream.indirect.gather [hbm4b:s4+s13], $0x40, s2, s13, $0xb8;
	[tilespmem:$0x1D6A0] =	vst v63  }
0x40: {  	_ =	swait.ge [sflag:s22], $0x1400  }
0x41: {  	[sflag:s22] =	ssyncset.done $0x0  }
0x42: {  	s3 =	simm.s32 $0x27B0;
	[sflag:s22] =	ssyncadd.s32 $0xFFFFEC00  }
0x43: {  	[spmem:s1] =	stream.indirect.scatter.add.f32 [tilespmem:s17], [sflag:$0x5], $0x40, s3, s13, $0xb8;
	[tilespmem:$0x1D6A0] =	vst v63  }
0x44: {  	_ =	swait.ge [sflag:s11], $0x1400  }
0x45: {  	[sflag:s11] =	ssyncset.done $0x0  }
0x46: {  	s2 =	simm.s32 $0x1E0;
	[sflag:s11] =	ssyncadd.s32 $0xFFFFEC00  }
0x47: {  	[tilespmem:s17], [sflag:$0x3] =	stream.indirect.gather [hbm4b:s4+s13], $0x40, s2, s13, $0xb8;
	[tilespmem:$0x1D6A0] =	vst v63  }
0x48: {  	_ =	swait.ge [sflag:s23], $0x1400  }
0x49: {  	[sflag:s23] =	ssyncset.done $0x0  }
0x4a: {  	s3 =	simm.s32 $0x2800;
	[sflag:s23] =	ssyncadd.s32 $0xFFFFEC00  }
0x4b: {  	[spmem:s1] =	stream.indirect.scatter.add.f32 [tilespmem:s19], [sflag:$0x5], $0x40, s3, s13, $0xb8;
	[tilespmem:$0x1D6A0] =	vst v63  }
0x4c: {  	_ =	swait.ge [sflag:s11], $0x1400  }
0x4d: {  	[sflag:s11] =	ssyncset.done $0x0  }
0x4e: {  	s0 =	simm.s32 $0x500;
	s2 =	simm.s32 $0x230;
	[sflag:s11] =	ssyncadd.s32 $0xFFFFEC00  }
.LBB2_4:
0x4f: {  	[tilespmem:s19], [sflag:$0x4] =	stream.indirect.gather [hbm4b:s4+s13], $0x40, s2, s13, $0xb8;
	[tilespmem:$0x1D6A0] =	vst v63  }
0x50: {  	s2 =	smov.u32 s0  }
0x51: {  	p0 =	sne.s32 s0, $0x9100;
	s0 =	sadd.s32 $0x500, s0;
	_ =	swait.ge [sflag:s20], $0x1400  }
0x52: {  	s2 =	sshra.s32 s2, $0x2;
	[sflag:s20] =	ssyncset.done $0x0  }
0x53: {  	s3 =	sadd.s32 $0x2710, s2;
	[sflag:s20] =	ssyncadd.s32 $0xFFFFEC00  }
0x54: {  	[spmem:s1] =	stream.indirect.scatter.add.f32 [tilespmem:s14], [sflag:$0x5], $0x40, s3, s13, $0xb8;
	[tilespmem:$0x1D6A0] =	vst v63  }
0x55: {  	_ =	swait.ge [sflag:s11], $0x1400  }
0x56: {  	[sflag:s11] =	ssyncset.done $0x0  }
0x57: {  	s3 =	sadd.s32 $0x140, s2;
	[sflag:s11] =	ssyncadd.s32 $0xFFFFEC00  }
0x58: {  	[tilespmem:s14], [sflag:$0x1] =	stream.indirect.gather [hbm4b:s4+s13], $0x40, s3, s13, $0xb8;
	[tilespmem:$0x1D6A0] =	vst v63  }
0x59: {  	_ =	swait.ge [sflag:s21], $0x1400  }
0x5a: {  	[sflag:s21] =	ssyncset.done $0x0  }
0x5b: {  	s3 =	sadd.s32 $0x2760, s2;
	[sflag:s21] =	ssyncadd.s32 $0xFFFFEC00  }
0x5c: {  	[spmem:s1] =	stream.indirect.scatter.add.f32 [tilespmem:s15], [sflag:$0x5], $0x40, s3, s13, $0xb8;
	[tilespmem:$0x1D6A0] =	vst v63  }
0x5d: {  	_ =	swait.ge [sflag:s11], $0x1400  }
0x5e: {  	[sflag:s11] =	ssyncset.done $0x0  }
0x5f: {  	s3 =	sadd.s32 $0x190, s2;
	[sflag:s11] =	ssyncadd.s32 $0xFFFFEC00  }
0x60: {  	[tilespmem:s15], [sflag:$0x2] =	stream.indirect.gather [hbm4b:s4+s13], $0x40, s3, s13, $0xb8;
	[tilespmem:$0x1D6A0] =	vst v63  }
0x61: {  	_ =	swait.ge [sflag:s22], $0x1400  }
0x62: {  	[sflag:s22] =	ssyncset.done $0x0  }
0x63: {  	s3 =	sadd.s32 $0x27B0, s2;
	[sflag:s22] =	ssyncadd.s32 $0xFFFFEC00  }
0x64: {  	[spmem:s1] =	stream.indirect.scatter.add.f32 [tilespmem:s17], [sflag:$0x5], $0x40, s3, s13, $0xb8;
	[tilespmem:$0x1D6A0] =	vst v63  }
0x65: {  	_ =	swait.ge [sflag:s11], $0x1400  }
0x66: {  	[sflag:s11] =	ssyncset.done $0x0  }
0x67: {  	s3 =	sadd.s32 $0x1E0, s2;
	[sflag:s11] =	ssyncadd.s32 $0xFFFFEC00  }
0x68: {  	[tilespmem:s17], [sflag:$0x3] =	stream.indirect.gather [hbm4b:s4+s13], $0x40, s3, s13, $0xb8;
	[tilespmem:$0x1D6A0] =	vst v63  }
0x69: {  	_ =	swait.ge [sflag:s23], $0x1400  }
0x6a: {  	[sflag:s23] =	ssyncset.done $0x0  }
.Ltmp1:
0x6b: {  	s3 =	sadd.s32 $0x2800, s2;
	[sflag:s23] =	ssyncadd.s32 $0xFFFFEC00;
	(pc) =	sbr.rel @p0 .LBB2_4-.Ltmp1, $4  }
0x6c: {  	[spmem:s1] =	stream.indirect.scatter.add.f32 [tilespmem:s19], [sflag:$0x5], $0x40, s3, s13, $0xb8;
	[tilespmem:$0x1D6A0] =	vst v63  }
0x6d: {  	_ =	swait.ge [sflag:s11], $0x1400  }
0x6e: {  	[sflag:s11] =	ssyncset.done $0x0  }
0x6f: {  	s2 =	sadd.s32 $0x230, s2;
	[sflag:s11] =	ssyncadd.s32 $0xFFFFEC00  }
0x70: {  	[tilespmem:s19], [sflag:$0x4] =	stream.indirect.gather [hbm4b:s4+s13], $0x40, s2, s13, $0xb8;
	[tilespmem:$0x1D6A0] =	vst v63  }
0x71: {  	_ =	swait.ge [sflag:s20], $0x1400  }
0x72: {  	[sflag:s20] =	ssyncset.done $0x0  }
0x73: {  	[sflag:s20] =	ssyncadd.s32 $0xFFFFEC00  }
0x74: {  	[spmem:s1] =	stream.indirect.scatter.add.f32 [tilespmem:s14], [sflag:$0x5], $0x40, s24, s13, $0xb8;
	[tilespmem:$0x1D6A0] =	vst v63  }
0x75: {  	_ =	swait.ge [sflag:s11], $0x1400  }
0x76: {  	[sflag:s11] =	ssyncset.done $0x0  }
0x77: {  	[sflag:s11] =	ssyncadd.s32 $0xFFFFEC00  }
0x78: {  	[tilespmem:s14], [sflag:$0x1] =	stream.indirect.gather [hbm4b:s4+s13], $0x40, s25, s13, $0xb8;
	[tilespmem:$0x1D6A0] =	vst v63  }
0x79: {  	_ =	swait.ge [sflag:s21], $0x1400  }
0x7a: {  	[sflag:s21] =	ssyncset.done $0x0  }
0x7b: {  	[sflag:s21] =	ssyncadd.s32 $0xFFFFEC00  }
0x7c: {  	[spmem:s1] =	stream.indirect.scatter.add.f32 [tilespmem:s15], [sflag:$0x5], $0x40, s26, s13, $0xb8;
	[tilespmem:$0x1D6A0] =	vst v63  }
0x7d: {  	_ =	swait.ge [sflag:s11], $0x1400  }
0x7e: {  	[sflag:s11] =	ssyncset.done $0x0  }
0x7f: {  	[sflag:s11] =	ssyncadd.s32 $0xFFFFEC00  }
0x80: {  	_ =	swait.ge [sflag:s22], $0x1400  }
0x81: {  	[sflag:s22] =	ssyncset.done $0x0  }
0x82: {  	[sflag:s22] =	ssyncadd.s32 $0xFFFFEC00  }
0x83: {  	[spmem:s1] =	stream.indirect.scatter.add.f32 [tilespmem:s17], [sflag:$0x5], $0x40, s28, s13, $0xb8;
	[tilespmem:$0x1D6A0] =	vst v63  }
0x84: {  	_ =	swait.ge [sflag:s11], $0x1400  }
0x85: {  	[sflag:s11] =	ssyncset.done $0x0  }
0x86: {  	[sflag:s11] =	ssyncadd.s32 $0xFFFFEC00  }
0x87: {  	_ =	swait.ge [sflag:s23], $0x1400  }
0x88: {  	[sflag:s23] =	ssyncset.done $0x0  }
0x89: {  	[sflag:s23] =	ssyncadd.s32 $0xFFFFEC00  }
0x8a: {  	[spmem:s1] =	stream.indirect.scatter.add.f32 [tilespmem:s19], [sflag:$0x5], $0x40, s29, s13, $0xb8;
	[tilespmem:$0x1D6A0] =	vst v63  }
0x8b: {  	_ =	swait.ge [sflag:s11], $0x1400  }
0x8c: {  	[sflag:s11] =	ssyncset.done $0x0  }
0x8d: {  	[sflag:s11] =	ssyncadd.s32 $0xFFFFEC00  }
0x8e: {  	_ =	swait.ge [sflag:s20], $0x1400  }
0x8f: {  	[sflag:s20] =	ssyncset.done $0x0  }
0x90: {  	[sflag:s20] =	ssyncadd.s32 $0xFFFFEC00  }
0x91: {  	[spmem:s1] =	stream.indirect.scatter.add.f32 [tilespmem:s14], [sflag:$0x5], $0x40, s30, s13, $0xb8;
	[tilespmem:$0x1D6A0] =	vst v63  }
0x92: {  	_ =	swait.ge [sflag:s11], $0x1400  }
0x93: {  	[sflag:s11] =	ssyncset.done $0x0  }
0x94: {  	[sflag:s11] =	ssyncadd.s32 $0xFFFFEC00  }
0x95: {  	[bflag:$0x0] =	sbarrier.arrive $0xFFFF  }
0x96: {  	[tilespmem:s10], [sflag:$0x5] =	stream.linear.gather [spmem:s5], $0x9C40, $0x38;
	[tilespmem:$0x1D6A0] =	vst v63  }
0x97: {  	s31 =	sadd.s32 $0x1, s31;
	_ =	swait.ge [sflag:s11], $0x9C40  }
0x98: {  	p0 =	sne.s32 s31, s9;
	[sflag:s11] =	ssyncset.done $0x0  }
.Ltmp2:
0x99: {  	s0 =	simm.s32 $0x0;
	[sflag:s11] =	ssyncadd.s32 $0xFFFF63C0;
	(pc) =	sbr.rel @p0 .LBB2_1-.Ltmp2, $4  }
0x9a: {  	[hbm4b:s8+s0] =	stream.linear.scatter [tilespmem:s10], [sflag:$0x5], $0x9C40, $0x38;
	[tilespmem:$0x1D6A0] =	vst v63  }
0x9b: {  	_ =	swait.ge [sflag:s11], $0x9C40  }
0x9c: {  	[sflag:s11] =	ssyncset.done $0x0  }
0x9d: {  	[sflag:s11] =	ssyncadd.s32 $0xFFFF63C0  }
0x9e: {  	_ =	sfence.sel $0x180000  }
0x9f: {  	[bflag:$0x0] =	sbarrier.arrive $0xFFFF  }
0xa0: {  	_ =	strace $0x90000050  }
0xa1: {  	s0 =	stileid.u32;
	[bflag:$0x2] =	sbarrier.arrive $0xFFFF  }
0xa2: {  	p0 =	sne.s32 s0, $0x0;
	s0 =	rddreg [dreg:$0x2]  }
0xa3: {  	s0 =	sadd.s32 @!p0 $0x100000, s0  }
0xa4: {  	[sflag:s0] =	ssyncadd.tile.s32 @!p0 $0x1;
	_ =	shalt  }
.Lfunc_end2:
_tile_overlayer_lowered:
.L_overlay_start_2:
0xa5: {  	(tag) =	ssettag $0x2  }
0xa6: {  	s0 =	rddreg [dreg:$0x0];
	s2 =	stileid.u32  }
0xa7: {  	s1 =	rddreg [dreg:$0x1];
	p0 =	sne.s32 s2, $0x0  }
0xa8: {  	s3 =	rddreg [dreg:$0x2];
	[bflag:$0x3] =	sbarrier.arrive $0xFFFF;
	s2 =	simm.s32 @!p0 $0x1C05  }
0xa9: {  	[timem:s3], [sflag:s2] =	dma.local @!p0 [hbm:s0], s1  }
0xaa: {  	s0 =	simm.s32 @!p0 $0x5  }
0xab: {  	_ =	swait.ge @!p0 [sflag:s0], s1  }
0xac: {  	s1 =	ssub.s32 @!p0 $0x0, s1;
	[sflag:s0] =	ssyncset.done @!p0 $0x0  }
0xad: {  	[sflag:s0] =	ssyncadd.s32 @!p0 s1  }
0xae: {  	[bflag:$0x3] =	sbarrier.arrive $0xFFFF  }
0xaf: {  	_ =	shalt  }

</sc_bundles>
